<compile_context>
chip_gen: v7x
topology: tpu7x:2x2x1
jax: 0.10.2.dev20260603
libtpu: 0.0.44.dev20260713+nightly
codegen_flags: <defaults>
</compile_context>

<pallas_src>
import functools

import jax
import jax.numpy as jnp
from jax import lax
from jax.experimental import pallas as pl
from jax.experimental.pallas import tpu as pltpu
from jax.experimental.pallas import tpu_sc as plsc

VOCAB = 25
EMBED_DIM = 32

_ROWS = 16384
_COLS = 200

_NC = 2
_NS = 16
_NW = _NC * _NS
_IW = _ROWS // _NW

_VPAD = 32

_mesh = plsc.VectorSubcoreMesh(core_axis_name="c", subcore_axis_name="s")


@functools.partial(
    pl.kernel,
    mesh=_mesh,
    out_type=jax.ShapeDtypeStruct((_COLS, EMBED_DIM, _ROWS), jnp.float32),
    scratch_types=[
        pltpu.VMEM((_VPAD, EMBED_DIM), jnp.float32),
        pltpu.VMEM((8, _IW), jnp.int32),
        pltpu.VMEM((EMBED_DIM, _IW), jnp.float32),
        pltpu.VMEM((EMBED_DIM, _IW), jnp.float32),
        pltpu.SemaphoreType.DMA,
        pltpu.SemaphoreType.DMA,
    ],
    compiler_params=pltpu.CompilerParams(
        use_tc_tiling_on_sc=True, needs_layout_passes=False),
)
def _embed_kernel(tpad_hbm, xt_hbm, out_hbm, table_v, xb_v, ob0, ob1, so0, so1):
    wid = lax.axis_index("s") * _NC + lax.axis_index("c")
    ibase = wid * _IW
    ob = (ob0, ob1)
    so = (so0, so1)

    pltpu.sync_copy(tpad_hbm, table_v)

    def outer(g, carry):
        for par in range(2):
            t = g * 2 + par

            @pl.when(t % 8 == 0)
            def _(t=t):
                t8 = pl.multiple_of(t, 8)
                pltpu.sync_copy(
                    xt_hbm.at[pl.ds(t8, 8), pl.ds(ibase, _IW)], xb_v)

            @pl.when(t >= 2)
            def _(par=par):
                pltpu.make_async_copy(
                    ob[par],
                    out_hbm.at[0, :, pl.ds(ibase, _IW)],
                    so[par]).wait()

            row = t % 8

            @plsc.parallel_loop(0, _IW, step=16, unroll=2)
            def fill(m, par=par, row=row):
                idx16 = xb_v[row, pl.ds(m, 16)]
                for k in range(EMBED_DIM):
                    kvec = jnp.full((16,), k, jnp.int32)
                    ob[par][k, pl.ds(m, 16)] = plsc.load_gather(
                        table_v, [kvec, idx16])

            pltpu.async_copy(
                ob[par], out_hbm.at[t, :, pl.ds(ibase, _IW)], so[par])
        return carry

    lax.fori_loop(0, _COLS // 2, outer, 0)

    for par in range(2):
        pltpu.make_async_copy(
            ob[par], out_hbm.at[0, :, pl.ds(ibase, _IW)], so[par]).wait()


def kernel(x, table):
    xt = jnp.transpose(x.astype(jnp.int32))
    tpad = jnp.pad(jnp.transpose(table), ((0, 0), (0, _VPAD - VOCAB)))
    outk = _embed_kernel(tpad, xt)
    return jnp.transpose(outk, (2, 0, 1))

# --- scband reference (transcript-rebuilt; emitter-appended) ---
"""Pipeline reference for scband-aaembedding-26998164423229 (READ-ONLY COPY).

The authoritative reference and input builder live on the scoring server;
editing this copy changes nothing except your own understanding.
"""

import jax, jax.numpy as jnp
import numpy as np

VOCAB = 25  # len(AA1_FULL)
EMBED_DIM = 32  # encodings="32" -> single trained embedding


def setup_inputs(seed: int = 0) -> dict:
    key = jax.random.key(seed)
    k1, k2 = jax.random.split(key)
    x = jax.random.randint(k1, (16384, 200), 0, VOCAB, dtype=jnp.int64)
    table = jax.random.normal(k2, (VOCAB, EMBED_DIM), dtype=jnp.float32)
    return {"x": x, "table": table}


def reference(x, table):
    # AAEmbedding.forward: run each embedding in encoding_list and concat along last dim.
    # With encodings="32" there is exactly one trainable embedding table.
    encoding = []
    encoding.append(jnp.take(table, x, axis=0))
    return jnp.concatenate(encoding, axis=-1)

if __name__ == "__main__":
    import jax
    _d = setup_inputs()
    print(jax.jit(kernel)(*tuple(_d.values())))

</pallas_src>

<mosaic_0001>
#map = affine_map<(d0, d1) -> (0, 0)>
#map1 = affine_map<(d0, d1) -> (0, 0, 0)>
module attributes {stable_mosaic.version = 14 : i64} {
  func.func @_embed_kernel(%arg0: i32, %arg1: i32, %arg2: memref<32x32xf32, #tpu.memory_space<hbm>>, %arg3: memref<200x16384xi32, #tpu.memory_space<hbm>>, %arg4: memref<200x32x16384xf32, #tpu.memory_space<hbm>>, %arg5: memref<32x32xf32, #tpu.memory_space<vmem>>, %arg6: memref<8x512xi32, #tpu.memory_space<vmem>>, %arg7: memref<32x512xf32, #tpu.memory_space<vmem>>, %arg8: memref<32x512xf32, #tpu.memory_space<vmem>>, %arg9: memref<!tpu.dma_semaphore, #tpu.memory_space<semaphore_mem>>, %arg10: memref<!tpu.dma_semaphore, #tpu.memory_space<semaphore_mem>>) attributes {dimension_semantics = [#tpu.dimension_semantics<core_parallel>, #tpu.dimension_semantics<subcore_parallel>], iteration_bounds = array<i64: 2, 16>, scalar_prefetch = 0 : i64, scratch_operands = 6 : i64, tpu.core_type = #tpu.core_type<sc_vector_subcore>, window_params = [{transform_indices = #map}, {transform_indices = #map}, {transform_indices = #map1}]} {
    %mul3A = arith.constant 2 : i32
    %mul3A_0 = arith.muli %arg1, %mul3A : i32
    %add3A = arith.addi %mul3A_0, %arg0 : i32
    %mul3A_1 = arith.constant 512 : i32
    %mul3A_2 = arith.muli %add3A, %mul3A_1 : i32
    "tpu.region"() ({
      %run_scoped3A = tpu.sem_alloc : memref<!tpu.dma_semaphore, #tpu.memory_space<semaphore_mem>>
      tpu.enqueue_dma source(%arg2 : memref<32x32xf32, #tpu.memory_space<hbm>>) target(%arg5 : memref<32x32xf32, #tpu.memory_space<vmem>>) target_semaphore(%run_scoped3A : memref<!tpu.dma_semaphore, #tpu.memory_space<semaphore_mem>>)
      tpu.wait_dma2 semaphore(%run_scoped3A : memref<!tpu.dma_semaphore, #tpu.memory_space<semaphore_mem>>) src(%arg2 : memref<32x32xf32, #tpu.memory_space<hbm>>) dst(%arg5 : memref<32x32xf32, #tpu.memory_space<vmem>>)
      tpu.yield
    }) : () -> ()
    %scan3A = arith.constant 0 : i32
    %scan3A_3 = arith.constant 0 : i32
    %scan3A_4 = arith.constant 100 : i32
    %scan3A_5 = arith.addi %scan3A_3, %scan3A_4 : i32
    %scan3A_6 = arith.constant 1 : i32
    scf.for %scan3A_21 = %scan3A_3 to %scan3A_5 step %scan3A_6  : i32 {
      %mul3A_22 = arith.constant 2 : i32
      %mul3A_23 = arith.muli %scan3A_21, %mul3A_22 : i32
      %add3A_24 = arith.constant 0 : i32
      %add3A_25 = arith.addi %mul3A_23, %add3A_24 : i32
      %jit3A = arith.constant 8 : i32
      %eq3A = arith.constant 0 : i32
      %eq3A_26 = arith.cmpi eq, %jit3A, %eq3A : i32
      %jit3A_27 = arith.constant 1 : i32
      %select_n3A = arith.select %eq3A_26, %jit3A_27, %jit3A : i32
      %rem3A = arith.remsi %add3A_25, %select_n3A : i32
      %ne3A = arith.constant 0 : i32
      %ne3A_28 = arith.cmpi ne, %rem3A, %ne3A : i32
      %lt3A = arith.constant 0 : i32
      %lt3A_29 = arith.cmpi slt, %rem3A, %lt3A : i32
      %lt3A_30 = arith.constant 0 : i32
      %lt3A_31 = arith.cmpi slt, %select_n3A, %lt3A_30 : i32
      %ne3A_32 = arith.xori %lt3A_29, %lt3A_31 : i1
      %and3A = arith.andi %ne3A_32, %ne3A_28 : i1
      %add3A_33 = arith.addi %rem3A, %select_n3A : i32
      %select_n3A_34 = arith.select %and3A, %add3A_33, %rem3A : i32
      %eq3A_35 = arith.constant 0 : i32
      %eq3A_36 = arith.cmpi eq, %select_n3A_34, %eq3A_35 : i32
      %convert_element_type3A = arith.extui %eq3A_36 : i1 to i32
      %cond3A = arith.constant 0 : i32
      %cond3A_37 = arith.cmpi ne, %convert_element_type3A, %cond3A : i32
      scf.if %cond3A_37 {
        %multiple_of3A = tpu.assume_multiple %add3A_25, 8 : i32
        "tpu.region"() ({
          %run_scoped3A = tpu.sem_alloc : memref<!tpu.dma_semaphore, #tpu.memory_space<semaphore_mem>>
          %dma_start3A_120 = tpu.memref_slice %arg3[%multiple_of3A, %mul3A_2] : memref<200x16384xi32, #tpu.memory_space<hbm>> -> memref<8x512xi32, #tpu.memory_space<hbm>>
          %dma_start3A_121 = tpu.memref_slice %arg3[%multiple_of3A, %mul3A_2] : memref<200x16384xi32, #tpu.memory_space<hbm>> -> memref<8x512xi32, #tpu.memory_space<hbm>>
          tpu.enqueue_dma source(%dma_start3A_121 : memref<8x512xi32, #tpu.memory_space<hbm>>) target(%arg6 : memref<8x512xi32, #tpu.memory_space<vmem>>) target_semaphore(%run_scoped3A : memref<!tpu.dma_semaphore, #tpu.memory_space<semaphore_mem>>)
          %dma_wait3A_122 = tpu.memref_slice %arg3[%multiple_of3A, %mul3A_2] : memref<200x16384xi32, #tpu.memory_space<hbm>> -> memref<8x512xi32, #tpu.memory_space<hbm>>
          %dma_wait3A_123 = tpu.memref_slice %arg3[%multiple_of3A, %mul3A_2] : memref<200x16384xi32, #tpu.memory_space<hbm>> -> memref<8x512xi32, #tpu.memory_space<hbm>>
          tpu.wait_dma2 semaphore(%run_scoped3A : memref<!tpu.dma_semaphore, #tpu.memory_space<semaphore_mem>>) src(%dma_wait3A_123 : memref<8x512xi32, #tpu.memory_space<hbm>>) dst(%arg6 : memref<8x512xi32, #tpu.memory_space<vmem>>)
          tpu.yield
        }) : () -> ()
      } else {
      }
      %ge3A = arith.constant 2 : i32
      %ge3A_38 = arith.cmpi sge, %add3A_25, %ge3A : i32
      %convert_element_type3A_39 = arith.extui %ge3A_38 : i1 to i32
      %cond3A_40 = arith.constant 0 : i32
      %cond3A_41 = arith.cmpi ne, %convert_element_type3A_39, %cond3A_40 : i32
      scf.if %cond3A_41 {
        %dma_wait3A_120 = arith.constant 0 : i32
        %dma_wait3A_121 = arith.constant 0 : i32
        %dma_wait3A_122 = tpu.memref_slice %arg4[%dma_wait3A_120, %dma_wait3A_121, %mul3A_2] : memref<200x32x16384xf32, #tpu.memory_space<hbm>> -> memref<1x32x512xf32, #tpu.memory_space<hbm>>
        %dma_wait3A_123 = tpu.memref_squeeze %dma_wait3A_122 : memref<1x32x512xf32, #tpu.memory_space<hbm>> -> memref<32x512xf32, #tpu.memory_space<hbm>>
        %dma_wait3A_124 = arith.constant 0 : i32
        %dma_wait3A_125 = tpu.memref_slice %arg4[%dma_wait3A_120, %dma_wait3A_124, %mul3A_2] : memref<200x32x16384xf32, #tpu.memory_space<hbm>> -> memref<1x32x512xf32, #tpu.memory_space<hbm>>
        %dma_wait3A_126 = tpu.memref_squeeze %dma_wait3A_125 : memref<1x32x512xf32, #tpu.memory_space<hbm>> -> memref<32x512xf32, #tpu.memory_space<hbm>>
        tpu.wait_dma2 semaphore(%arg9 : memref<!tpu.dma_semaphore, #tpu.memory_space<semaphore_mem>>) src(%arg7 : memref<32x512xf32, #tpu.memory_space<vmem>>) dst(%dma_wait3A_126 : memref<32x512xf32, #tpu.memory_space<hbm>>)
      } else {
      }
      %jit3A_42 = arith.constant 8 : i32
      %eq3A_43 = arith.constant 0 : i32
      %eq3A_44 = arith.cmpi eq, %jit3A_42, %eq3A_43 : i32
      %jit3A_45 = arith.constant 1 : i32
      %select_n3A_46 = arith.select %eq3A_44, %jit3A_45, %jit3A_42 : i32
      %rem3A_47 = arith.remsi %add3A_25, %select_n3A_46 : i32
      %ne3A_48 = arith.constant 0 : i32
      %ne3A_49 = arith.cmpi ne, %rem3A_47, %ne3A_48 : i32
      %lt3A_50 = arith.constant 0 : i32
      %lt3A_51 = arith.cmpi slt, %rem3A_47, %lt3A_50 : i32
      %lt3A_52 = arith.constant 0 : i32
      %lt3A_53 = arith.cmpi slt, %select_n3A_46, %lt3A_52 : i32
      %ne3A_54 = arith.xori %lt3A_51, %lt3A_53 : i1
      %and3A_55 = arith.andi %ne3A_54, %ne3A_49 : i1
      %add3A_56 = arith.addi %rem3A_47, %select_n3A_46 : i32
      %select_n3A_57 = arith.select %and3A_55, %add3A_56, %rem3A_47 : i32
      %parallel_loop3A = arith.constant 0 : i32
      %parallel_loop3A_58 = arith.constant 512 : i32
      %parallel_loop3A_59 = arith.constant 16 : i32
      scf.for %parallel_loop3A_120 = %parallel_loop3A to %parallel_loop3A_58 step %parallel_loop3A_59  : i32 {
        %parallel_loop3A_121 = arith.index_cast %select_n3A_57 : i32 to index
        %parallel_loop3A_122 = arith.index_cast %parallel_loop3A_120 : i32 to index
        %parallel_loop3A_123 = tpu.vector_load %arg6[%parallel_loop3A_121, %parallel_loop3A_122] {strides = array<i32>} : memref<8x512xi32, #tpu.memory_space<vmem>>, vector<16xi32>,
        %parallel_loop3A_124 = arith.constant 0 : i32
        %parallel_loop3A_125 = vector.broadcast %parallel_loop3A_124 : i32 to vector<16xi32>
        %parallel_loop3A_126 = tpu.vector_load_idx %arg5[%parallel_loop3A_125, %parallel_loop3A_123] : memref<32x32xf32, #tpu.memory_space<vmem>>[vector<16xi32>, vector<16xi32>], vector<16xf32>,
        %parallel_loop3A_127 = arith.constant 0 : i32
        %parallel_loop3A_128 = arith.index_cast %parallel_loop3A_127 : i32 to index
        %parallel_loop3A_129 = arith.index_cast %parallel_loop3A_120 : i32 to index
        %parallel_loop3A_130 = tpu.vector_load %arg7[%parallel_loop3A_128, %parallel_loop3A_129] {strides = array<i32>} : memref<32x512xf32, #tpu.memory_space<vmem>>, vector<16xf32>,
        tpu.vector_store %arg7[%parallel_loop3A_128, %parallel_loop3A_129], %parallel_loop3A_126 {strides = array<i32>} : memref<32x512xf32, #tpu.memory_space<vmem>>, vector<16xf32>,
        %parallel_loop3A_131 = arith.constant 1 : i32
        %parallel_loop3A_132 = vector.broadcast %parallel_loop3A_131 : i32 to vector<16xi32>
        %parallel_loop3A_133 = tpu.vector_load_idx %arg5[%parallel_loop3A_132, %parallel_loop3A_123] : memref<32x32xf32, #tpu.memory_space<vmem>>[vector<16xi32>, vector<16xi32>], vector<16xf32>,
        %parallel_loop3A_134 = arith.constant 1 : i32
        %parallel_loop3A_135 = arith.index_cast %parallel_loop3A_134 : i32 to index
        %parallel_loop3A_136 = arith.index_cast %parallel_loop3A_120 : i32 to index
        %parallel_loop3A_137 = tpu.vector_load %arg7[%parallel_loop3A_135, %parallel_loop3A_136] {strides = array<i32>} : memref<32x512xf32, #tpu.memory_space<vmem>>, vector<16xf32>,
        tpu.vector_store %arg7[%parallel_loop3A_135, %parallel_loop3A_136], %parallel_loop3A_133 {strides = array<i32>} : memref<32x512xf32, #tpu.memory_space<vmem>>, vector<16xf32>,
        %parallel_loop3A_138 = arith.constant 2 : i32
        %parallel_loop3A_139 = vector.broadcast %parallel_loop3A_138 : i32 to vector<16xi32>
        %parallel_loop3A_140 = tpu.vector_load_idx %arg5[%parallel_loop3A_139, %parallel_loop3A_123] : memref<32x32xf32, #tpu.memory_space<vmem>>[vector<16xi32>, vector<16xi32>], vector<16xf32>,
        %parallel_loop3A_141 = arith.constant 2 : i32
        %parallel_loop3A_142 = arith.index_cast %parallel_loop3A_141 : i32 to index
        %parallel_loop3A_143 = arith.index_cast %parallel_loop3A_120 : i32 to index
        %parallel_loop3A_144 = tpu.vector_load %arg7[%parallel_loop3A_142, %parallel_loop3A_143] {strides = array<i32>} : memref<32x512xf32, #tpu.memory_space<vmem>>, vector<16xf32>,
        tpu.vector_store %arg7[%parallel_loop3A_142, %parallel_loop3A_143], %parallel_loop3A_140 {strides = array<i32>} : memref<32x512xf32, #tpu.memory_space<vmem>>, vector<16xf32>,
        %parallel_loop3A_145 = arith.constant 3 : i32
        %parallel_loop3A_146 = vector.broadcast %parallel_loop3A_145 : i32 to vector<16xi32>
        %parallel_loop3A_147 = tpu.vector_load_idx %arg5[%parallel_loop3A_146, %parallel_loop3A_123] : memref<32x32xf32, #tpu.memory_space<vmem>>[vector<16xi32>, vector<16xi32>], vector<16xf32>,
        %parallel_loop3A_148 = arith.constant 3 : i32
        %parallel_loop3A_149 = arith.index_cast %parallel_loop3A_148 : i32 to index
        %parallel_loop3A_150 = arith.index_cast %parallel_loop3A_120 : i32 to index
        %parallel_loop3A_151 = tpu.vector_load %arg7[%parallel_loop3A_149, %parallel_loop3A_150] {strides = array<i32>} : memref<32x512xf32, #tpu.memory_space<vmem>>, vector<16xf32>,
        tpu.vector_store %arg7[%parallel_loop3A_149, %parallel_loop3A_150], %parallel_loop3A_147 {strides = array<i32>} : memref<32x512xf32, #tpu.memory_space<vmem>>, vector<16xf32>,
        %parallel_loop3A_152 = arith.constant 4 : i32
        %parallel_loop3A_153 = vector.broadcast %parallel_loop3A_152 : i32 to vector<16xi32>
        %parallel_loop3A_154 = tpu.vector_load_idx %arg5[%parallel_loop3A_153, %parallel_loop3A_123] : memref<32x32xf32, #tpu.memory_space<vmem>>[vector<16xi32>, vector<16xi32>], vector<16xf32>,
        %parallel_loop3A_155 = arith.constant 4 : i32
        %parallel_loop3A_156 = arith.index_cast %parallel_loop3A_155 : i32 to index
        %parallel_loop3A_157 = arith.index_cast %parallel_loop3A_120 : i32 to index
        %parallel_loop3A_158 = tpu.vector_load %arg7[%parallel_loop3A_156, %parallel_loop3A_157] {strides = array<i32>} : memref<32x512xf32, #tpu.memory_space<vmem>>, vector<16xf32>,
        tpu.vector_store %arg7[%parallel_loop3A_156, %parallel_loop3A_157], %parallel_loop3A_154 {strides = array<i32>} : memref<32x512xf32, #tpu.memory_space<vmem>>, vector<16xf32>,
        %parallel_loop3A_159 = arith.constant 5 : i32
        %parallel_loop3A_160 = vector.broadcast %parallel_loop3A_159 : i32 to vector<16xi32>
        %parallel_loop3A_161 = tpu.vector_load_idx %arg5[%parallel_loop3A_160, %parallel_loop3A_123] : memref<32x32xf32, #tpu.memory_space<vmem>>[vector<16xi32>, vector<16xi32>], vector<16xf32>,
        %parallel_loop3A_162 = arith.constant 5 : i32
        %parallel_loop3A_163 = arith.index_cast %parallel_loop3A_162 : i32 to index
        %parallel_loop3A_164 = arith.index_cast %parallel_loop3A_120 : i32 to index
        %parallel_loop3A_165 = tpu.vector_load %arg7[%parallel_loop3A_163, %parallel_loop3A_164] {strides = array<i32>} : memref<32x512xf32, #tpu.memory_space<vmem>>, vector<16xf32>,
        tpu.vector_store %arg7[%parallel_loop3A_163, %parallel_loop3A_164], %parallel_loop3A_161 {strides = array<i32>} : memref<32x512xf32, #tpu.memory_space<vmem>>, vector<16xf32>,
        %parallel_loop3A_166 = arith.constant 6 : i32
        %parallel_loop3A_167 = vector.broadcast %parallel_loop3A_166 : i32 to vector<16xi32>
        %parallel_loop3A_168 = tpu.vector_load_idx %arg5[%parallel_loop3A_167, %parallel_loop3A_123] : memref<32x32xf32, #tpu.memory_space<vmem>>[vector<16xi32>, vector<16xi32>], vector<16xf32>,
        %parallel_loop3A_169 = arith.constant 6 : i32
        %parallel_loop3A_170 = arith.index_cast %parallel_loop3A_169 : i32 to index
        %parallel_loop3A_171 = arith.index_cast %parallel_loop3A_120 : i32 to index
        %parallel_loop3A_172 = tpu.vector_load %arg7[%parallel_loop3A_170, %parallel_loop3A_171] {strides = array<i32>} : memref<32x512xf32, #tpu.memory_space<vmem>>, vector<16xf32>,
        tpu.vector_store %arg7[%parallel_loop3A_170, %parallel_loop3A_171], %parallel_loop3A_168 {strides = array<i32>} : memref<32x512xf32, #tpu.memory_space<vmem>>, vector<16xf32>,
        %parallel_loop3A_173 = arith.constant 7 : i32
        %parallel_loop3A_174 = vector.broadcast %parallel_loop3A_173 : i32 to vector<16xi32>
        %parallel_loop3A_175 = tpu.vector_load_idx %arg5[%parallel_loop3A_174, %parallel_loop3A_123] : memref<32x32xf32, #tpu.memory_space<vmem>>[vector<16xi32>, vector<16xi32>], vector<16xf32>,
        %parallel_loop3A_176 = arith.constant 7 : i32
        %parallel_loop3A_177 = arith.index_cast %parallel_loop3A_176 : i32 to index
        %parallel_loop3A_178 = arith.index_cast %parallel_loop3A_120 : i32 to index
        %parallel_loop3A_179 = tpu.vector_load %arg7[%parallel_loop3A_177, %parallel_loop3A_178] {strides = array<i32>} : memref<32x512xf32, #tpu.memory_space<vmem>>, vector<16xf32>,
        tpu.vector_store %arg7[%parallel_loop3A_177, %parallel_loop3A_178], %parallel_loop3A_175 {strides = array<i32>} : memref<32x512xf32, #tpu.memory_space<vmem>>, vector<16xf32>,
        %parallel_loop3A_180 = arith.constant 8 : i32
        %parallel_loop3A_181 = vector.broadcast %parallel_loop3A_180 : i32 to vector<16xi32>
        %parallel_loop3A_182 = tpu.vector_load_idx %arg5[%parallel_loop3A_181, %parallel_loop3A_123] : memref<32x32xf32, #tpu.memory_space<vmem>>[vector<16xi32>, vector<16xi32>], vector<16xf32>,
        %parallel_loop3A_183 = arith.constant 8 : i32
        %parallel_loop3A_184 = arith.index_cast %parallel_loop3A_183 : i32 to index
        %parallel_loop3A_185 = arith.index_cast %parallel_loop3A_120 : i32 to index
        %parallel_loop3A_186 = tpu.vector_load %arg7[%parallel_loop3A_184, %parallel_loop3A_185] {strides = array<i32>} : memref<32x512xf32, #tpu.memory_space<vmem>>, vector<16xf32>,
        tpu.vector_store %arg7[%parallel_loop3A_184, %parallel_loop3A_185], %parallel_loop3A_182 {strides = array<i32>} : memref<32x512xf32, #tpu.memory_space<vmem>>, vector<16xf32>,
        %parallel_loop3A_187 = arith.constant 9 : i32
        %parallel_loop3A_188 = vector.broadcast %parallel_loop3A_187 : i32 to vector<16xi32>
        %parallel_loop3A_189 = tpu.vector_load_idx %arg5[%parallel_loop3A_188, %parallel_loop3A_123] : memref<32x32xf32, #tpu.memory_space<vmem>>[vector<16xi32>, vector<16xi32>], vector<16xf32>,
        %parallel_loop3A_190 = arith.constant 9 : i32
        %parallel_loop3A_191 = arith.index_cast %parallel_loop3A_190 : i32 to index
        %parallel_loop3A_192 = arith.index_cast %parallel_loop3A_120 : i32 to index
        %parallel_loop3A_193 = tpu.vector_load %arg7[%parallel_loop3A_191, %parallel_loop3A_192] {strides = array<i32>} : memref<32x512xf32, #tpu.memory_space<vmem>>, vector<16xf32>,
        tpu.vector_store %arg7[%parallel_loop3A_191, %parallel_loop3A_192], %parallel_loop3A_189 {strides = array<i32>} : memref<32x512xf32, #tpu.memory_space<vmem>>, vector<16xf32>,
        %parallel_loop3A_194 = arith.constant 10 : i32
        %parallel_loop3A_195 = vector.broadcast %parallel_loop3A_194 : i32 to vector<16xi32>
        %parallel_loop3A_196 = tpu.vector_load_idx %arg5[%parallel_loop3A_195, %parallel_loop3A_123] : memref<32x32xf32, #tpu.memory_space<vmem>>[vector<16xi32>, vector<16xi32>], vector<16xf32>,
        %parallel_loop3A_197 = arith.constant 10 : i32
        %parallel_loop3A_198 = arith.index_cast %parallel_loop3A_197 : i32 to index
        %parallel_loop3A_199 = arith.index_cast %parallel_loop3A_120 : i32 to index
        %parallel_loop3A_200 = tpu.vector_load %arg7[%parallel_loop3A_198, %parallel_loop3A_199] {strides = array<i32>} : memref<32x512xf32, #tpu.memory_space<vmem>>, vector<16xf32>,
        tpu.vector_store %arg7[%parallel_loop3A_198, %parallel_loop3A_199], %parallel_loop3A_196 {strides = array<i32>} : memref<32x512xf32, #tpu.memory_space<vmem>>, vector<16xf32>,
        %parallel_loop3A_201 = arith.constant 11 : i32
        %parallel_loop3A_202 = vector.broadcast %parallel_loop3A_201 : i32 to vector<16xi32>
        %parallel_loop3A_203 = tpu.vector_load_idx %arg5[%parallel_loop3A_202, %parallel_loop3A_123] : memref<32x32xf32, #tpu.memory_space<vmem>>[vector<16xi32>, vector<16xi32>], vector<16xf32>,
        %parallel_loop3A_204 = arith.constant 11 : i32
        %parallel_loop3A_205 = arith.index_cast %parallel_loop3A_204 : i32 to index
        %parallel_loop3A_206 = arith.index_cast %parallel_loop3A_120 : i32 to index
        %parallel_loop3A_207 = tpu.vector_load %arg7[%parallel_loop3A_205, %parallel_loop3A_206] {strides = array<i32>} : memref<32x512xf32, #tpu.memory_space<vmem>>, vector<16xf32>,
        tpu.vector_store %arg7[%parallel_loop3A_205, %parallel_loop3A_206], %parallel_loop3A_203 {strides = array<i32>} : memref<32x512xf32, #tpu.memory_space<vmem>>, vector<16xf32>,
        %parallel_loop3A_208 = arith.constant 12 : i32
        %parallel_loop3A_209 = vector.broadcast %parallel_loop3A_208 : i32 to vector<16xi32>
        %parallel_loop3A_210 = tpu.vector_load_idx %arg5[%parallel_loop3A_209, %parallel_loop3A_123] : memref<32x32xf32, #tpu.memory_space<vmem>>[vector<16xi32>, vector<16xi32>], vector<16xf32>,
        %parallel_loop3A_211 = arith.constant 12 : i32
        %parallel_loop3A_212 = arith.index_cast %parallel_loop3A_211 : i32 to index
        %parallel_loop3A_213 = arith.index_cast %parallel_loop3A_120 : i32 to index
        %parallel_loop3A_214 = tpu.vector_load %arg7[%parallel_loop3A_212, %parallel_loop3A_213] {strides = array<i32>} : memref<32x512xf32, #tpu.memory_space<vmem>>, vector<16xf32>,
        tpu.vector_store %arg7[%parallel_loop3A_212, %parallel_loop3A_213], %parallel_loop3A_210 {strides = array<i32>} : memref<32x512xf32, #tpu.memory_space<vmem>>, vector<16xf32>,
        %parallel_loop3A_215 = arith.constant 13 : i32
        %parallel_loop3A_216 = vector.broadcast %parallel_loop3A_215 : i32 to vector<16xi32>
        %parallel_loop3A_217 = tpu.vector_load_idx %arg5[%parallel_loop3A_216, %parallel_loop3A_123] : memref<32x32xf32, #tpu.memory_space<vmem>>[vector<16xi32>, vector<16xi32>], vector<16xf32>,
        %parallel_loop3A_218 = arith.constant 13 : i32
        %parallel_loop3A_219 = arith.index_cast %parallel_loop3A_218 : i32 to index
        %parallel_loop3A_220 = arith.index_cast %parallel_loop3A_120 : i32 to index
        %parallel_loop3A_221 = tpu.vector_load %arg7[%parallel_loop3A_219, %parallel_loop3A_220] {strides = array<i32>} : memref<32x512xf32, #tpu.memory_space<vmem>>, vector<16xf32>,
        tpu.vector_store %arg7[%parallel_loop3A_219, %parallel_loop3A_220], %parallel_loop3A_217 {strides = array<i32>} : memref<32x512xf32, #tpu.memory_space<vmem>>, vector<16xf32>,
        %parallel_loop3A_222 = arith.constant 14 : i32
        %parallel_loop3A_223 = vector.broadcast %parallel_loop3A_222 : i32 to vector<16xi32>
        %parallel_loop3A_224 = tpu.vector_load_idx %arg5[%parallel_loop3A_223, %parallel_loop3A_123] : memref<32x32xf32, #tpu.memory_space<vmem>>[vector<16xi32>, vector<16xi32>], vector<16xf32>,
        %parallel_loop3A_225 = arith.constant 14 : i32
        %parallel_loop3A_226 = arith.index_cast %parallel_loop3A_225 : i32 to index
        %parallel_loop3A_227 = arith.index_cast %parallel_loop3A_120 : i32 to index
        %parallel_loop3A_228 = tpu.vector_load %arg7[%parallel_loop3A_226, %parallel_loop3A_227] {strides = array<i32>} : memref<32x512xf32, #tpu.memory_space<vmem>>, vector<16xf32>,
        tpu.vector_store %arg7[%parallel_loop3A_226, %parallel_loop3A_227], %parallel_loop3A_224 {strides = array<i32>} : memref<32x512xf32, #tpu.memory_space<vmem>>, vector<16xf32>,
        %parallel_loop3A_229 = arith.constant 15 : i32
        %parallel_loop3A_230 = vector.broadcast %parallel_loop3A_229 : i32 to vector<16xi32>
        %parallel_loop3A_231 = tpu.vector_load_idx %arg5[%parallel_loop3A_230, %parallel_loop3A_123] : memref<32x32xf32, #tpu.memory_space<vmem>>[vector<16xi32>, vector<16xi32>], vector<16xf32>,
        %parallel_loop3A_232 = arith.constant 15 : i32
        %parallel_loop3A_233 = arith.index_cast %parallel_loop3A_232 : i32 to index
        %parallel_loop3A_234 = arith.index_cast %parallel_loop3A_120 : i32 to index
        %parallel_loop3A_235 = tpu.vector_load %arg7[%parallel_loop3A_233, %parallel_loop3A_234] {strides = array<i32>} : memref<32x512xf32, #tpu.memory_space<vmem>>, vector<16xf32>,
        tpu.vector_store %arg7[%parallel_loop3A_233, %parallel_loop3A_234], %parallel_loop3A_231 {strides = array<i32>} : memref<32x512xf32, #tpu.memory_space<vmem>>, vector<16xf32>,
        %parallel_loop3A_236 = arith.constant 16 : i32
        %parallel_loop3A_237 = vector.broadcast %parallel_loop3A_236 : i32 to vector<16xi32>
        %parallel_loop3A_238 = tpu.vector_load_idx %arg5[%parallel_loop3A_237, %parallel_loop3A_123] : memref<32x32xf32, #tpu.memory_space<vmem>>[vector<16xi32>, vector<16xi32>], vector<16xf32>,
        %parallel_loop3A_239 = arith.constant 16 : i32
        %parallel_loop3A_240 = arith.index_cast %parallel_loop3A_239 : i32 to index
        %parallel_loop3A_241 = arith.index_cast %parallel_loop3A_120 : i32 to index
        %parallel_loop3A_242 = tpu.vector_load %arg7[%parallel_loop3A_240, %parallel_loop3A_241] {strides = array<i32>} : memref<32x512xf32, #tpu.memory_space<vmem>>, vector<16xf32>,
        tpu.vector_store %arg7[%parallel_loop3A_240, %parallel_loop3A_241], %parallel_loop3A_238 {strides = array<i32>} : memref<32x512xf32, #tpu.memory_space<vmem>>, vector<16xf32>,
        %parallel_loop3A_243 = arith.constant 17 : i32
        %parallel_loop3A_244 = vector.broadcast %parallel_loop3A_243 : i32 to vector<16xi32>
        %parallel_loop3A_245 = tpu.vector_load_idx %arg5[%parallel_loop3A_244, %parallel_loop3A_123] : memref<32x32xf32, #tpu.memory_space<vmem>>[vector<16xi32>, vector<16xi32>], vector<16xf32>,
        %parallel_loop3A_246 = arith.constant 17 : i32
        %parallel_loop3A_247 = arith.index_cast %parallel_loop3A_246 : i32 to index
        %parallel_loop3A_248 = arith.index_cast %parallel_loop3A_120 : i32 to index
        %parallel_loop3A_249 = tpu.vector_load %arg7[%parallel_loop3A_247, %parallel_loop3A_248] {strides = array<i32>} : memref<32x512xf32, #tpu.memory_space<vmem>>, vector<16xf32>,
        tpu.vector_store %arg7[%parallel_loop3A_247, %parallel_loop3A_248], %parallel_loop3A_245 {strides = array<i32>} : memref<32x512xf32, #tpu.memory_space<vmem>>, vector<16xf32>,
        %parallel_loop3A_250 = arith.constant 18 : i32
        %parallel_loop3A_251 = vector.broadcast %parallel_loop3A_250 : i32 to vector<16xi32>
        %parallel_loop3A_252 = tpu.vector_load_idx %arg5[%parallel_loop3A_251, %parallel_loop3A_123] : memref<32x32xf32, #tpu.memory_space<vmem>>[vector<16xi32>, vector<16xi32>], vector<16xf32>,
        %parallel_loop3A_253 = arith.constant 18 : i32
        %parallel_loop3A_254 = arith.index_cast %parallel_loop3A_253 : i32 to index
        %parallel_loop3A_255 = arith.index_cast %parallel_loop3A_120 : i32 to index
        %parallel_loop3A_256 = tpu.vector_load %arg7[%parallel_loop3A_254, %parallel_loop3A_255] {strides = array<i32>} : memref<32x512xf32, #tpu.memory_space<vmem>>, vector<16xf32>,
        tpu.vector_store %arg7[%parallel_loop3A_254, %parallel_loop3A_255], %parallel_loop3A_252 {strides = array<i32>} : memref<32x512xf32, #tpu.memory_space<vmem>>, vector<16xf32>,
        %parallel_loop3A_257 = arith.constant 19 : i32
        %parallel_loop3A_258 = vector.broadcast %parallel_loop3A_257 : i32 to vector<16xi32>
        %parallel_loop3A_259 = tpu.vector_load_idx %arg5[%parallel_loop3A_258, %parallel_loop3A_123] : memref<32x32xf32, #tpu.memory_space<vmem>>[vector<16xi32>, vector<16xi32>], vector<16xf32>,
        %parallel_loop3A_260 = arith.constant 19 : i32
        %parallel_loop3A_261 = arith.index_cast %parallel_loop3A_260 : i32 to index
        %parallel_loop3A_262 = arith.index_cast %parallel_loop3A_120 : i32 to index
        %parallel_loop3A_263 = tpu.vector_load %arg7[%parallel_loop3A_261, %parallel_loop3A_262] {strides = array<i32>} : memref<32x512xf32, #tpu.memory_space<vmem>>, vector<16xf32>,
        tpu.vector_store %arg7[%parallel_loop3A_261, %parallel_loop3A_262], %parallel_loop3A_259 {strides = array<i32>} : memref<32x512xf32, #tpu.memory_space<vmem>>, vector<16xf32>,
        %parallel_loop3A_264 = arith.constant 20 : i32
        %parallel_loop3A_265 = vector.broadcast %parallel_loop3A_264 : i32 to vector<16xi32>
        %parallel_loop3A_266 = tpu.vector_load_idx %arg5[%parallel_loop3A_265, %parallel_loop3A_123] : memref<32x32xf32, #tpu.memory_space<vmem>>[vector<16xi32>, vector<16xi32>], vector<16xf32>,
        %parallel_loop3A_267 = arith.constant 20 : i32
        %parallel_loop3A_268 = arith.index_cast %parallel_loop3A_267 : i32 to index
        %parallel_loop3A_269 = arith.index_cast %parallel_loop3A_120 : i32 to index
        %parallel_loop3A_270 = tpu.vector_load %arg7[%parallel_loop3A_268, %parallel_loop3A_269] {strides = array<i32>} : memref<32x512xf32, #tpu.memory_space<vmem>>, vector<16xf32>,
        tpu.vector_store %arg7[%parallel_loop3A_268, %parallel_loop3A_269], %parallel_loop3A_266 {strides = array<i32>} : memref<32x512xf32, #tpu.memory_space<vmem>>, vector<16xf32>,
        %parallel_loop3A_271 = arith.constant 21 : i32
        %parallel_loop3A_272 = vector.broadcast %parallel_loop3A_271 : i32 to vector<16xi32>
        %parallel_loop3A_273 = tpu.vector_load_idx %arg5[%parallel_loop3A_272, %parallel_loop3A_123] : memref<32x32xf32, #tpu.memory_space<vmem>>[vector<16xi32>, vector<16xi32>], vector<16xf32>,
        %parallel_loop3A_274 = arith.constant 21 : i32
        %parallel_loop3A_275 = arith.index_cast %parallel_loop3A_274 : i32 to index
        %parallel_loop3A_276 = arith.index_cast %parallel_loop3A_120 : i32 to index
        %parallel_loop3A_277 = tpu.vector_load %arg7[%parallel_loop3A_275, %parallel_loop3A_276] {strides = array<i32>} : memref<32x512xf32, #tpu.memory_space<vmem>>, vector<16xf32>,
        tpu.vector_store %arg7[%parallel_loop3A_275, %parallel_loop3A_276], %parallel_loop3A_273 {strides = array<i32>} : memref<32x512xf32, #tpu.memory_space<vmem>>, vector<16xf32>,
        %parallel_loop3A_278 = arith.constant 22 : i32
        %parallel_loop3A_279 = vector.broadcast %parallel_loop3A_278 : i32 to vector<16xi32>
        %parallel_loop3A_280 = tpu.vector_load_idx %arg5[%parallel_loop3A_279, %parallel_loop3A_123] : memref<32x32xf32, #tpu.memory_space<vmem>>[vector<16xi32>, vector<16xi32>], vector<16xf32>,
        %parallel_loop3A_281 = arith.constant 22 : i32
        %parallel_loop3A_282 = arith.index_cast %parallel_loop3A_281 : i32 to index
        %parallel_loop3A_283 = arith.index_cast %parallel_loop3A_120 : i32 to index
        %parallel_loop3A_284 = tpu.vector_load %arg7[%parallel_loop3A_282, %parallel_loop3A_283] {strides = array<i32>} : memref<32x512xf32, #tpu.memory_space<vmem>>, vector<16xf32>,
        tpu.vector_store %arg7[%parallel_loop3A_282, %parallel_loop3A_283], %parallel_loop3A_280 {strides = array<i32>} : memref<32x512xf32, #tpu.memory_space<vmem>>, vector<16xf32>,
        %parallel_loop3A_285 = arith.constant 23 : i32
        %parallel_loop3A_286 = vector.broadcast %parallel_loop3A_285 : i32 to vector<16xi32>
        %parallel_loop3A_287 = tpu.vector_load_idx %arg5[%parallel_loop3A_286, %parallel_loop3A_123] : memref<32x32xf32, #tpu.memory_space<vmem>>[vector<16xi32>, vector<16xi32>], vector<16xf32>,
        %parallel_loop3A_288 = arith.constant 23 : i32
        %parallel_loop3A_289 = arith.index_cast %parallel_loop3A_288 : i32 to index
        %parallel_loop3A_290 = arith.index_cast %parallel_loop3A_120 : i32 to index
        %parallel_loop3A_291 = tpu.vector_load %arg7[%parallel_loop3A_289, %parallel_loop3A_290] {strides = array<i32>} : memref<32x512xf32, #tpu.memory_space<vmem>>, vector<16xf32>,
        tpu.vector_store %arg7[%parallel_loop3A_289, %parallel_loop3A_290], %parallel_loop3A_287 {strides = array<i32>} : memref<32x512xf32, #tpu.memory_space<vmem>>, vector<16xf32>,
        %parallel_loop3A_292 = arith.constant 24 : i32
        %parallel_loop3A_293 = vector.broadcast %parallel_loop3A_292 : i32 to vector<16xi32>
        %parallel_loop3A_294 = tpu.vector_load_idx %arg5[%parallel_loop3A_293, %parallel_loop3A_123] : memref<32x32xf32, #tpu.memory_space<vmem>>[vector<16xi32>, vector<16xi32>], vector<16xf32>,
        %parallel_loop3A_295 = arith.constant 24 : i32
        %parallel_loop3A_296 = arith.index_cast %parallel_loop3A_295 : i32 to index
        %parallel_loop3A_297 = arith.index_cast %parallel_loop3A_120 : i32 to index
        %parallel_loop3A_298 = tpu.vector_load %arg7[%parallel_loop3A_296, %parallel_loop3A_297] {strides = array<i32>} : memref<32x512xf32, #tpu.memory_space<vmem>>, vector<16xf32>,
        tpu.vector_store %arg7[%parallel_loop3A_296, %parallel_loop3A_297], %parallel_loop3A_294 {strides = array<i32>} : memref<32x512xf32, #tpu.memory_space<vmem>>, vector<16xf32>,
        %parallel_loop3A_299 = arith.constant 25 : i32
        %parallel_loop3A_300 = vector.broadcast %parallel_loop3A_299 : i32 to vector<16xi32>
        %parallel_loop3A_301 = tpu.vector_load_idx %arg5[%parallel_loop3A_300, %parallel_loop3A_123] : memref<32x32xf32, #tpu.memory_space<vmem>>[vector<16xi32>, vector<16xi32>], vector<16xf32>,
        %parallel_loop3A_302 = arith.constant 25 : i32
        %parallel_loop3A_303 = arith.index_cast %parallel_loop3A_302 : i32 to index
        %parallel_loop3A_304 = arith.index_cast %parallel_loop3A_120 : i32 to index
        %parallel_loop3A_305 = tpu.vector_load %arg7[%parallel_loop3A_303, %parallel_loop3A_304] {strides = array<i32>} : memref<32x512xf32, #tpu.memory_space<vmem>>, vector<16xf32>,
        tpu.vector_store %arg7[%parallel_loop3A_303, %parallel_loop3A_304], %parallel_loop3A_301 {strides = array<i32>} : memref<32x512xf32, #tpu.memory_space<vmem>>, vector<16xf32>,
        %parallel_loop3A_306 = arith.constant 26 : i32
        %parallel_loop3A_307 = vector.broadcast %parallel_loop3A_306 : i32 to vector<16xi32>
        %parallel_loop3A_308 = tpu.vector_load_idx %arg5[%parallel_loop3A_307, %parallel_loop3A_123] : memref<32x32xf32, #tpu.memory_space<vmem>>[vector<16xi32>, vector<16xi32>], vector<16xf32>,
        %parallel_loop3A_309 = arith.constant 26 : i32
        %parallel_loop3A_310 = arith.index_cast %parallel_loop3A_309 : i32 to index
        %parallel_loop3A_311 = arith.index_cast %parallel_loop3A_120 : i32 to index
        %parallel_loop3A_312 = tpu.vector_load %arg7[%parallel_loop3A_310, %parallel_loop3A_311] {strides = array<i32>} : memref<32x512xf32, #tpu.memory_space<vmem>>, vector<16xf32>,
        tpu.vector_store %arg7[%parallel_loop3A_310, %parallel_loop3A_311], %parallel_loop3A_308 {strides = array<i32>} : memref<32x512xf32, #tpu.memory_space<vmem>>, vector<16xf32>,
        %parallel_loop3A_313 = arith.constant 27 : i32
        %parallel_loop3A_314 = vector.broadcast %parallel_loop3A_313 : i32 to vector<16xi32>
        %parallel_loop3A_315 = tpu.vector_load_idx %arg5[%parallel_loop3A_314, %parallel_loop3A_123] : memref<32x32xf32, #tpu.memory_space<vmem>>[vector<16xi32>, vector<16xi32>], vector<16xf32>,
        %parallel_loop3A_316 = arith.constant 27 : i32
        %parallel_loop3A_317 = arith.index_cast %parallel_loop3A_316 : i32 to index
        %parallel_loop3A_318 = arith.index_cast %parallel_loop3A_120 : i32 to index
        %parallel_loop3A_319 = tpu.vector_load %arg7[%parallel_loop3A_317, %parallel_loop3A_318] {strides = array<i32>} : memref<32x512xf32, #tpu.memory_space<vmem>>, vector<16xf32>,
        tpu.vector_store %arg7[%parallel_loop3A_317, %parallel_loop3A_318], %parallel_loop3A_315 {strides = array<i32>} : memref<32x512xf32, #tpu.memory_space<vmem>>, vector<16xf32>,
        %parallel_loop3A_320 = arith.constant 28 : i32
        %parallel_loop3A_321 = vector.broadcast %parallel_loop3A_320 : i32 to vector<16xi32>
        %parallel_loop3A_322 = tpu.vector_load_idx %arg5[%parallel_loop3A_321, %parallel_loop3A_123] : memref<32x32xf32, #tpu.memory_space<vmem>>[vector<16xi32>, vector<16xi32>], vector<16xf32>,
        %parallel_loop3A_323 = arith.constant 28 : i32
        %parallel_loop3A_324 = arith.index_cast %parallel_loop3A_323 : i32 to index
        %parallel_loop3A_325 = arith.index_cast %parallel_loop3A_120 : i32 to index
        %parallel_loop3A_326 = tpu.vector_load %arg7[%parallel_loop3A_324, %parallel_loop3A_325] {strides = array<i32>} : memref<32x512xf32, #tpu.memory_space<vmem>>, vector<16xf32>,
        tpu.vector_store %arg7[%parallel_loop3A_324, %parallel_loop3A_325], %parallel_loop3A_322 {strides = array<i32>} : memref<32x512xf32, #tpu.memory_space<vmem>>, vector<16xf32>,
        %parallel_loop3A_327 = arith.constant 29 : i32
        %parallel_loop3A_328 = vector.broadcast %parallel_loop3A_327 : i32 to vector<16xi32>
        %parallel_loop3A_329 = tpu.vector_load_idx %arg5[%parallel_loop3A_328, %parallel_loop3A_123] : memref<32x32xf32, #tpu.memory_space<vmem>>[vector<16xi32>, vector<16xi32>], vector<16xf32>,
        %parallel_loop3A_330 = arith.constant 29 : i32
        %parallel_loop3A_331 = arith.index_cast %parallel_loop3A_330 : i32 to index
        %parallel_loop3A_332 = arith.index_cast %parallel_loop3A_120 : i32 to index
        %parallel_loop3A_333 = tpu.vector_load %arg7[%parallel_loop3A_331, %parallel_loop3A_332] {strides = array<i32>} : memref<32x512xf32, #tpu.memory_space<vmem>>, vector<16xf32>,
        tpu.vector_store %arg7[%parallel_loop3A_331, %parallel_loop3A_332], %parallel_loop3A_329 {strides = array<i32>} : memref<32x512xf32, #tpu.memory_space<vmem>>, vector<16xf32>,
        %parallel_loop3A_334 = arith.constant 30 : i32
        %parallel_loop3A_335 = vector.broadcast %parallel_loop3A_334 : i32 to vector<16xi32>
        %parallel_loop3A_336 = tpu.vector_load_idx %arg5[%parallel_loop3A_335, %parallel_loop3A_123] : memref<32x32xf32, #tpu.memory_space<vmem>>[vector<16xi32>, vector<16xi32>], vector<16xf32>,
        %parallel_loop3A_337 = arith.constant 30 : i32
        %parallel_loop3A_338 = arith.index_cast %parallel_loop3A_337 : i32 to index
        %parallel_loop3A_339 = arith.index_cast %parallel_loop3A_120 : i32 to index
        %parallel_loop3A_340 = tpu.vector_load %arg7[%parallel_loop3A_338, %parallel_loop3A_339] {strides = array<i32>} : memref<32x512xf32, #tpu.memory_space<vmem>>, vector<16xf32>,
        tpu.vector_store %arg7[%parallel_loop3A_338, %parallel_loop3A_339], %parallel_loop3A_336 {strides = array<i32>} : memref<32x512xf32, #tpu.memory_space<vmem>>, vector<16xf32>,
        %parallel_loop3A_341 = arith.constant 31 : i32
        %parallel_loop3A_342 = vector.broadcast %parallel_loop3A_341 : i32 to vector<16xi32>
        %parallel_loop3A_343 = tpu.vector_load_idx %arg5[%parallel_loop3A_342, %parallel_loop3A_123] : memref<32x32xf32, #tpu.memory_space<vmem>>[vector<16xi32>, vector<16xi32>], vector<16xf32>,
        %parallel_loop3A_344 = arith.constant 31 : i32
        %parallel_loop3A_345 = arith.index_cast %parallel_loop3A_344 : i32 to index
        %parallel_loop3A_346 = arith.index_cast %parallel_loop3A_120 : i32 to index
        %parallel_loop3A_347 = tpu.vector_load %arg7[%parallel_loop3A_345, %parallel_loop3A_346] {strides = array<i32>} : memref<32x512xf32, #tpu.memory_space<vmem>>, vector<16xf32>,
        tpu.vector_store %arg7[%parallel_loop3A_345, %parallel_loop3A_346], %parallel_loop3A_343 {strides = array<i32>} : memref<32x512xf32, #tpu.memory_space<vmem>>, vector<16xf32>,
      } {sc.loop_unroll_factor = 2 : i64, sc.parallel_access}
      %dma_start3A = arith.constant 0 : i32
      %dma_start3A_60 = tpu.memref_slice %arg4[%add3A_25, %dma_start3A, %mul3A_2] : memref<200x32x16384xf32, #tpu.memory_space<hbm>> -> memref<1x32x512xf32, #tpu.memory_space<hbm>>
      %dma_start3A_61 = tpu.memref_squeeze %dma_start3A_60 : memref<1x32x512xf32, #tpu.memory_space<hbm>> -> memref<32x512xf32, #tpu.memory_space<hbm>>
      %dma_start3A_62 = arith.constant 0 : i32
      %dma_start3A_63 = tpu.memref_slice %arg4[%add3A_25, %dma_start3A_62, %mul3A_2] : memref<200x32x16384xf32, #tpu.memory_space<hbm>> -> memref<1x32x512xf32, #tpu.memory_space<hbm>>
      %dma_start3A_64 = tpu.memref_squeeze %dma_start3A_63 : memref<1x32x512xf32, #tpu.memory_space<hbm>> -> memref<32x512xf32, #tpu.memory_space<hbm>>
      tpu.enqueue_dma source(%arg7 : memref<32x512xf32, #tpu.memory_space<vmem>>) target(%dma_start3A_64 : memref<32x512xf32, #tpu.memory_space<hbm>>) target_semaphore(%arg9 : memref<!tpu.dma_semaphore, #tpu.memory_space<semaphore_mem>>)
      %mul3A_65 = arith.constant 2 : i32
      %mul3A_66 = arith.muli %scan3A_21, %mul3A_65 : i32
      %add3A_67 = arith.constant 1 : i32
      %add3A_68 = arith.addi %mul3A_66, %add3A_67 : i32
      %jit3A_69 = arith.constant 8 : i32
      %eq3A_70 = arith.constant 0 : i32
      %eq3A_71 = arith.cmpi eq, %jit3A_69, %eq3A_70 : i32
      %jit3A_72 = arith.constant 1 : i32
      %select_n3A_73 = arith.select %eq3A_71, %jit3A_72, %jit3A_69 : i32
      %rem3A_74 = arith.remsi %add3A_68, %select_n3A_73 : i32
      %ne3A_75 = arith.constant 0 : i32
      %ne3A_76 = arith.cmpi ne, %rem3A_74, %ne3A_75 : i32
      %lt3A_77 = arith.constant 0 : i32
      %lt3A_78 = arith.cmpi slt, %rem3A_74, %lt3A_77 : i32
      %lt3A_79 = arith.constant 0 : i32
      %lt3A_80 = arith.cmpi slt, %select_n3A_73, %lt3A_79 : i32
      %ne3A_81 = arith.xori %lt3A_78, %lt3A_80 : i1
      %and3A_82 = arith.andi %ne3A_81, %ne3A_76 : i1
      %add3A_83 = arith.addi %rem3A_74, %select_n3A_73 : i32
      %select_n3A_84 = arith.select %and3A_82, %add3A_83, %rem3A_74 : i32
      %eq3A_85 = arith.constant 0 : i32
      %eq3A_86 = arith.cmpi eq, %select_n3A_84, %eq3A_85 : i32
      %convert_element_type3A_87 = arith.extui %eq3A_86 : i1 to i32
      %cond3A_88 = arith.constant 0 : i32
      %cond3A_89 = arith.cmpi ne, %convert_element_type3A_87, %cond3A_88 : i32
      scf.if %cond3A_89 {
        %multiple_of3A = tpu.assume_multiple %add3A_68, 8 : i32
        "tpu.region"() ({
          %run_scoped3A = tpu.sem_alloc : memref<!tpu.dma_semaphore, #tpu.memory_space<semaphore_mem>>
          %dma_start3A_120 = tpu.memref_slice %arg3[%multiple_of3A, %mul3A_2] : memref<200x16384xi32, #tpu.memory_space<hbm>> -> memref<8x512xi32, #tpu.memory_space<hbm>>
          %dma_start3A_121 = tpu.memref_slice %arg3[%multiple_of3A, %mul3A_2] : memref<200x16384xi32, #tpu.memory_space<hbm>> -> memref<8x512xi32, #tpu.memory_space<hbm>>
          tpu.enqueue_dma source(%dma_start3A_121 : memref<8x512xi32, #tpu.memory_space<hbm>>) target(%arg6 : memref<8x512xi32, #tpu.memory_space<vmem>>) target_semaphore(%run_scoped3A : memref<!tpu.dma_semaphore, #tpu.memory_space<semaphore_mem>>)
          %dma_wait3A_122 = tpu.memref_slice %arg3[%multiple_of3A, %mul3A_2] : memref<200x16384xi32, #tpu.memory_space<hbm>> -> memref<8x512xi32, #tpu.memory_space<hbm>>
          %dma_wait3A_123 = tpu.memref_slice %arg3[%multiple_of3A, %mul3A_2] : memref<200x16384xi32, #tpu.memory_space<hbm>> -> memref<8x512xi32, #tpu.memory_space<hbm>>
          tpu.wait_dma2 semaphore(%run_scoped3A : memref<!tpu.dma_semaphore, #tpu.memory_space<semaphore_mem>>) src(%dma_wait3A_123 : memref<8x512xi32, #tpu.memory_space<hbm>>) dst(%arg6 : memref<8x512xi32, #tpu.memory_space<vmem>>)
          tpu.yield
        }) : () -> ()
      } else {
      }
      %ge3A_90 = arith.constant 2 : i32
      %ge3A_91 = arith.cmpi sge, %add3A_68, %ge3A_90 : i32
      %convert_element_type3A_92 = arith.extui %ge3A_91 : i1 to i32
      %cond3A_93 = arith.constant 0 : i32
      %cond3A_94 = arith.cmpi ne, %convert_element_type3A_92, %cond3A_93 : i32
      scf.if %cond3A_94 {
        %dma_wait3A_120 = arith.constant 0 : i32
        %dma_wait3A_121 = arith.constant 0 : i32
        %dma_wait3A_122 = tpu.memref_slice %arg4[%dma_wait3A_120, %dma_wait3A_121, %mul3A_2] : memref<200x32x16384xf32, #tpu.memory_space<hbm>> -> memref<1x32x512xf32, #tpu.memory_space<hbm>>
        %dma_wait3A_123 = tpu.memref_squeeze %dma_wait3A_122 : memref<1x32x512xf32, #tpu.memory_space<hbm>> -> memref<32x512xf32, #tpu.memory_space<hbm>>
        %dma_wait3A_124 = arith.constant 0 : i32
        %dma_wait3A_125 = tpu.memref_slice %arg4[%dma_wait3A_120, %dma_wait3A_124, %mul3A_2] : memref<200x32x16384xf32, #tpu.memory_space<hbm>> -> memref<1x32x512xf32, #tpu.memory_space<hbm>>
        %dma_wait3A_126 = tpu.memref_squeeze %dma_wait3A_125 : memref<1x32x512xf32, #tpu.memory_space<hbm>> -> memref<32x512xf32, #tpu.memory_space<hbm>>
        tpu.wait_dma2 semaphore(%arg10 : memref<!tpu.dma_semaphore, #tpu.memory_space<semaphore_mem>>) src(%arg8 : memref<32x512xf32, #tpu.memory_space<vmem>>) dst(%dma_wait3A_126 : memref<32x512xf32, #tpu.memory_space<hbm>>)
      } else {
      }
      %jit3A_95 = arith.constant 8 : i32
      %eq3A_96 = arith.constant 0 : i32
      %eq3A_97 = arith.cmpi eq, %jit3A_95, %eq3A_96 : i32
      %jit3A_98 = arith.constant 1 : i32
      %select_n3A_99 = arith.select %eq3A_97, %jit3A_98, %jit3A_95 : i32
      %rem3A_100 = arith.remsi %add3A_68, %select_n3A_99 : i32
      %ne3A_101 = arith.constant 0 : i32
      %ne3A_102 = arith.cmpi ne, %rem3A_100, %ne3A_101 : i32
      %lt3A_103 = arith.constant 0 : i32
      %lt3A_104 = arith.cmpi slt, %rem3A_100, %lt3A_103 : i32
      %lt3A_105 = arith.constant 0 : i32
      %lt3A_106 = arith.cmpi slt, %select_n3A_99, %lt3A_105 : i32
      %ne3A_107 = arith.xori %lt3A_104, %lt3A_106 : i1
      %and3A_108 = arith.andi %ne3A_107, %ne3A_102 : i1
      %add3A_109 = arith.addi %rem3A_100, %select_n3A_99 : i32
      %select_n3A_110 = arith.select %and3A_108, %add3A_109, %rem3A_100 : i32
      %parallel_loop3A_111 = arith.constant 0 : i32
      %parallel_loop3A_112 = arith.constant 512 : i32
      %parallel_loop3A_113 = arith.constant 16 : i32
      scf.for %parallel_loop3A_120 = %parallel_loop3A_111 to %parallel_loop3A_112 step %parallel_loop3A_113  : i32 {
        %parallel_loop3A_121 = arith.index_cast %select_n3A_110 : i32 to index
        %parallel_loop3A_122 = arith.index_cast %parallel_loop3A_120 : i32 to index
        %parallel_loop3A_123 = tpu.vector_load %arg6[%parallel_loop3A_121, %parallel_loop3A_122] {strides = array<i32>} : memref<8x512xi32, #tpu.memory_space<vmem>>, vector<16xi32>,
        %parallel_loop3A_124 = arith.constant 0 : i32
        %parallel_loop3A_125 = vector.broadcast %parallel_loop3A_124 : i32 to vector<16xi32>
        %parallel_loop3A_126 = tpu.vector_load_idx %arg5[%parallel_loop3A_125, %parallel_loop3A_123] : memref<32x32xf32, #tpu.memory_space<vmem>>[vector<16xi32>, vector<16xi32>], vector<16xf32>,
        %parallel_loop3A_127 = arith.constant 0 : i32
        %parallel_loop3A_128 = arith.index_cast %parallel_loop3A_127 : i32 to index
        %parallel_loop3A_129 = arith.index_cast %parallel_loop3A_120 : i32 to index
        %parallel_loop3A_130 = tpu.vector_load %arg8[%parallel_loop3A_128, %parallel_loop3A_129] {strides = array<i32>} : memref<32x512xf32, #tpu.memory_space<vmem>>, vector<16xf32>,
        tpu.vector_store %arg8[%parallel_loop3A_128, %parallel_loop3A_129], %parallel_loop3A_126 {strides = array<i32>} : memref<32x512xf32, #tpu.memory_space<vmem>>, vector<16xf32>,
        %parallel_loop3A_131 = arith.constant 1 : i32
        %parallel_loop3A_132 = vector.broadcast %parallel_loop3A_131 : i32 to vector<16xi32>
        %parallel_loop3A_133 = tpu.vector_load_idx %arg5[%parallel_loop3A_132, %parallel_loop3A_123] : memref<32x32xf32, #tpu.memory_space<vmem>>[vector<16xi32>, vector<16xi32>], vector<16xf32>,
        %parallel_loop3A_134 = arith.constant 1 : i32
        %parallel_loop3A_135 = arith.index_cast %parallel_loop3A_134 : i32 to index
        %parallel_loop3A_136 = arith.index_cast %parallel_loop3A_120 : i32 to index
        %parallel_loop3A_137 = tpu.vector_load %arg8[%parallel_loop3A_135, %parallel_loop3A_136] {strides = array<i32>} : memref<32x512xf32, #tpu.memory_space<vmem>>, vector<16xf32>,
        tpu.vector_store %arg8[%parallel_loop3A_135, %parallel_loop3A_136], %parallel_loop3A_133 {strides = array<i32>} : memref<32x512xf32, #tpu.memory_space<vmem>>, vector<16xf32>,
        %parallel_loop3A_138 = arith.constant 2 : i32
        %parallel_loop3A_139 = vector.broadcast %parallel_loop3A_138 : i32 to vector<16xi32>
        %parallel_loop3A_140 = tpu.vector_load_idx %arg5[%parallel_loop3A_139, %parallel_loop3A_123] : memref<32x32xf32, #tpu.memory_space<vmem>>[vector<16xi32>, vector<16xi32>], vector<16xf32>,
        %parallel_loop3A_141 = arith.constant 2 : i32
        %parallel_loop3A_142 = arith.index_cast %parallel_loop3A_141 : i32 to index
        %parallel_loop3A_143 = arith.index_cast %parallel_loop3A_120 : i32 to index
        %parallel_loop3A_144 = tpu.vector_load %arg8[%parallel_loop3A_142, %parallel_loop3A_143] {strides = array<i32>} : memref<32x512xf32, #tpu.memory_space<vmem>>, vector<16xf32>,
        tpu.vector_store %arg8[%parallel_loop3A_142, %parallel_loop3A_143], %parallel_loop3A_140 {strides = array<i32>} : memref<32x512xf32, #tpu.memory_space<vmem>>, vector<16xf32>,
        %parallel_loop3A_145 = arith.constant 3 : i32
        %parallel_loop3A_146 = vector.broadcast %parallel_loop3A_145 : i32 to vector<16xi32>
        %parallel_loop3A_147 = tpu.vector_load_idx %arg5[%parallel_loop3A_146, %parallel_loop3A_123] : memref<32x32xf32, #tpu.memory_space<vmem>>[vector<16xi32>, vector<16xi32>], vector<16xf32>,
        %parallel_loop3A_148 = arith.constant 3 : i32
        %parallel_loop3A_149 = arith.index_cast %parallel_loop3A_148 : i32 to index
        %parallel_loop3A_150 = arith.index_cast %parallel_loop3A_120 : i32 to index
        %parallel_loop3A_151 = tpu.vector_load %arg8[%parallel_loop3A_149, %parallel_loop3A_150] {strides = array<i32>} : memref<32x512xf32, #tpu.memory_space<vmem>>, vector<16xf32>,
        tpu.vector_store %arg8[%parallel_loop3A_149, %parallel_loop3A_150], %parallel_loop3A_147 {strides = array<i32>} : memref<32x512xf32, #tpu.memory_space<vmem>>, vector<16xf32>,
        %parallel_loop3A_152 = arith.constant 4 : i32
        %parallel_loop3A_153 = vector.broadcast %parallel_loop3A_152 : i32 to vector<16xi32>
        %parallel_loop3A_154 = tpu.vector_load_idx %arg5[%parallel_loop3A_153, %parallel_loop3A_123] : memref<32x32xf32, #tpu.memory_space<vmem>>[vector<16xi32>, vector<16xi32>], vector<16xf32>,
        %parallel_loop3A_155 = arith.constant 4 : i32
        %parallel_loop3A_156 = arith.index_cast %parallel_loop3A_155 : i32 to index
        %parallel_loop3A_157 = arith.index_cast %parallel_loop3A_120 : i32 to index
        %parallel_loop3A_158 = tpu.vector_load %arg8[%parallel_loop3A_156, %parallel_loop3A_157] {strides = array<i32>} : memref<32x512xf32, #tpu.memory_space<vmem>>, vector<16xf32>,
        tpu.vector_store %arg8[%parallel_loop3A_156, %parallel_loop3A_157], %parallel_loop3A_154 {strides = array<i32>} : memref<32x512xf32, #tpu.memory_space<vmem>>, vector<16xf32>,
        %parallel_loop3A_159 = arith.constant 5 : i32
        %parallel_loop3A_160 = vector.broadcast %parallel_loop3A_159 : i32 to vector<16xi32>
        %parallel_loop3A_161 = tpu.vector_load_idx %arg5[%parallel_loop3A_160, %parallel_loop3A_123] : memref<32x32xf32, #tpu.memory_space<vmem>>[vector<16xi32>, vector<16xi32>], vector<16xf32>,
        %parallel_loop3A_162 = arith.constant 5 : i32
        %parallel_loop3A_163 = arith.index_cast %parallel_loop3A_162 : i32 to index
        %parallel_loop3A_164 = arith.index_cast %parallel_loop3A_120 : i32 to index
        %parallel_loop3A_165 = tpu.vector_load %arg8[%parallel_loop3A_163, %parallel_loop3A_164] {strides = array<i32>} : memref<32x512xf32, #tpu.memory_space<vmem>>, vector<16xf32>,
        tpu.vector_store %arg8[%parallel_loop3A_163, %parallel_loop3A_164], %parallel_loop3A_161 {strides = array<i32>} : memref<32x512xf32, #tpu.memory_space<vmem>>, vector<16xf32>,
        %parallel_loop3A_166 = arith.constant 6 : i32
        %parallel_loop3A_167 = vector.broadcast %parallel_loop3A_166 : i32 to vector<16xi32>
        %parallel_loop3A_168 = tpu.vector_load_idx %arg5[%parallel_loop3A_167, %parallel_loop3A_123] : memref<32x32xf32, #tpu.memory_space<vmem>>[vector<16xi32>, vector<16xi32>], vector<16xf32>,
        %parallel_loop3A_169 = arith.constant 6 : i32
        %parallel_loop3A_170 = arith.index_cast %parallel_loop3A_169 : i32 to index
        %parallel_loop3A_171 = arith.index_cast %parallel_loop3A_120 : i32 to index
        %parallel_loop3A_172 = tpu.vector_load %arg8[%parallel_loop3A_170, %parallel_loop3A_171] {strides = array<i32>} : memref<32x512xf32, #tpu.memory_space<vmem>>, vector<16xf32>,
        tpu.vector_store %arg8[%parallel_loop3A_170, %parallel_loop3A_171], %parallel_loop3A_168 {strides = array<i32>} : memref<32x512xf32, #tpu.memory_space<vmem>>, vector<16xf32>,
        %parallel_loop3A_173 = arith.constant 7 : i32
        %parallel_loop3A_174 = vector.broadcast %parallel_loop3A_173 : i32 to vector<16xi32>
        %parallel_loop3A_175 = tpu.vector_load_idx %arg5[%parallel_loop3A_174, %parallel_loop3A_123] : memref<32x32xf32, #tpu.memory_space<vmem>>[vector<16xi32>, vector<16xi32>], vector<16xf32>,
        %parallel_loop3A_176 = arith.constant 7 : i32
        %parallel_loop3A_177 = arith.index_cast %parallel_loop3A_176 : i32 to index
        %parallel_loop3A_178 = arith.index_cast %parallel_loop3A_120 : i32 to index
        %parallel_loop3A_179 = tpu.vector_load %arg8[%parallel_loop3A_177, %parallel_loop3A_178] {strides = array<i32>} : memref<32x512xf32, #tpu.memory_space<vmem>>, vector<16xf32>,
        tpu.vector_store %arg8[%parallel_loop3A_177, %parallel_loop3A_178], %parallel_loop3A_175 {strides = array<i32>} : memref<32x512xf32, #tpu.memory_space<vmem>>, vector<16xf32>,
        %parallel_loop3A_180 = arith.constant 8 : i32
        %parallel_loop3A_181 = vector.broadcast %parallel_loop3A_180 : i32 to vector<16xi32>
        %parallel_loop3A_182 = tpu.vector_load_idx %arg5[%parallel_loop3A_181, %parallel_loop3A_123] : memref<32x32xf32, #tpu.memory_space<vmem>>[vector<16xi32>, vector<16xi32>], vector<16xf32>,
        %parallel_loop3A_183 = arith.constant 8 : i32
        %parallel_loop3A_184 = arith.index_cast %parallel_loop3A_183 : i32 to index
        %parallel_loop3A_185 = arith.index_cast %parallel_loop3A_120 : i32 to index
        %parallel_loop3A_186 = tpu.vector_load %arg8[%parallel_loop3A_184, %parallel_loop3A_185] {strides = array<i32>} : memref<32x512xf32, #tpu.memory_space<vmem>>, vector<16xf32>,
        tpu.vector_store %arg8[%parallel_loop3A_184, %parallel_loop3A_185], %parallel_loop3A_182 {strides = array<i32>} : memref<32x512xf32, #tpu.memory_space<vmem>>, vector<16xf32>,
        %parallel_loop3A_187 = arith.constant 9 : i32
        %parallel_loop3A_188 = vector.broadcast %parallel_loop3A_187 : i32 to vector<16xi32>
        %parallel_loop3A_189 = tpu.vector_load_idx %arg5[%parallel_loop3A_188, %parallel_loop3A_123] : memref<32x32xf32, #tpu.memory_space<vmem>>[vector<16xi32>, vector<16xi32>], vector<16xf32>,
        %parallel_loop3A_190 = arith.constant 9 : i32
        %parallel_loop3A_191 = arith.index_cast %parallel_loop3A_190 : i32 to index
        %parallel_loop3A_192 = arith.index_cast %parallel_loop3A_120 : i32 to index
        %parallel_loop3A_193 = tpu.vector_load %arg8[%parallel_loop3A_191, %parallel_loop3A_192] {strides = array<i32>} : memref<32x512xf32, #tpu.memory_space<vmem>>, vector<16xf32>,
        tpu.vector_store %arg8[%parallel_loop3A_191, %parallel_loop3A_192], %parallel_loop3A_189 {strides = array<i32>} : memref<32x512xf32, #tpu.memory_space<vmem>>, vector<16xf32>,
        %parallel_loop3A_194 = arith.constant 10 : i32
        %parallel_loop3A_195 = vector.broadcast %parallel_loop3A_194 : i32 to vector<16xi32>
        %parallel_loop3A_196 = tpu.vector_load_idx %arg5[%parallel_loop3A_195, %parallel_loop3A_123] : memref<32x32xf32, #tpu.memory_space<vmem>>[vector<16xi32>, vector<16xi32>], vector<16xf32>,
        %parallel_loop3A_197 = arith.constant 10 : i32
        %parallel_loop3A_198 = arith.index_cast %parallel_loop3A_197 : i32 to index
        %parallel_loop3A_199 = arith.index_cast %parallel_loop3A_120 : i32 to index
        %parallel_loop3A_200 = tpu.vector_load %arg8[%parallel_loop3A_198, %parallel_loop3A_199] {strides = array<i32>} : memref<32x512xf32, #tpu.memory_space<vmem>>, vector<16xf32>,
        tpu.vector_store %arg8[%parallel_loop3A_198, %parallel_loop3A_199], %parallel_loop3A_196 {strides = array<i32>} : memref<32x512xf32, #tpu.memory_space<vmem>>, vector<16xf32>,
        %parallel_loop3A_201 = arith.constant 11 : i32
        %parallel_loop3A_202 = vector.broadcast %parallel_loop3A_201 : i32 to vector<16xi32>
        %parallel_loop3A_203 = tpu.vector_load_idx %arg5[%parallel_loop3A_202, %parallel_loop3A_123] : memref<32x32xf32, #tpu.memory_space<vmem>>[vector<16xi32>, vector<16xi32>], vector<16xf32>,
        %parallel_loop3A_204 = arith.constant 11 : i32
        %parallel_loop3A_205 = arith.index_cast %parallel_loop3A_204 : i32 to index
        %parallel_loop3A_206 = arith.index_cast %parallel_loop3A_120 : i32 to index
        %parallel_loop3A_207 = tpu.vector_load %arg8[%parallel_loop3A_205, %parallel_loop3A_206] {strides = array<i32>} : memref<32x512xf32, #tpu.memory_space<vmem>>, vector<16xf32>,
        tpu.vector_store %arg8[%parallel_loop3A_205, %parallel_loop3A_206], %parallel_loop3A_203 {strides = array<i32>} : memref<32x512xf32, #tpu.memory_space<vmem>>, vector<16xf32>,
        %parallel_loop3A_208 = arith.constant 12 : i32
        %parallel_loop3A_209 = vector.broadcast %parallel_loop3A_208 : i32 to vector<16xi32>
        %parallel_loop3A_210 = tpu.vector_load_idx %arg5[%parallel_loop3A_209, %parallel_loop3A_123] : memref<32x32xf32, #tpu.memory_space<vmem>>[vector<16xi32>, vector<16xi32>], vector<16xf32>,
        %parallel_loop3A_211 = arith.constant 12 : i32
        %parallel_loop3A_212 = arith.index_cast %parallel_loop3A_211 : i32 to index
        %parallel_loop3A_213 = arith.index_cast %parallel_loop3A_120 : i32 to index
        %parallel_loop3A_214 = tpu.vector_load %arg8[%parallel_loop3A_212, %parallel_loop3A_213] {strides = array<i32>} : memref<32x512xf32, #tpu.memory_space<vmem>>, vector<16xf32>,
        tpu.vector_store %arg8[%parallel_loop3A_212, %parallel_loop3A_213], %parallel_loop3A_210 {strides = array<i32>} : memref<32x512xf32, #tpu.memory_space<vmem>>, vector<16xf32>,
        %parallel_loop3A_215 = arith.constant 13 : i32
        %parallel_loop3A_216 = vector.broadcast %parallel_loop3A_215 : i32 to vector<16xi32>
        %parallel_loop3A_217 = tpu.vector_load_idx %arg5[%parallel_loop3A_216, %parallel_loop3A_123] : memref<32x32xf32, #tpu.memory_space<vmem>>[vector<16xi32>, vector<16xi32>], vector<16xf32>,
        %parallel_loop3A_218 = arith.constant 13 : i32
        %parallel_loop3A_219 = arith.index_cast %parallel_loop3A_218 : i32 to index
        %parallel_loop3A_220 = arith.index_cast %parallel_loop3A_120 : i32 to index
        %parallel_loop3A_221 = tpu.vector_load %arg8[%parallel_loop3A_219, %parallel_loop3A_220] {strides = array<i32>} : memref<32x512xf32, #tpu.memory_space<vmem>>, vector<16xf32>,
        tpu.vector_store %arg8[%parallel_loop3A_219, %parallel_loop3A_220], %parallel_loop3A_217 {strides = array<i32>} : memref<32x512xf32, #tpu.memory_space<vmem>>, vector<16xf32>,
        %parallel_loop3A_222 = arith.constant 14 : i32
        %parallel_loop3A_223 = vector.broadcast %parallel_loop3A_222 : i32 to vector<16xi32>
        %parallel_loop3A_224 = tpu.vector_load_idx %arg5[%parallel_loop3A_223, %parallel_loop3A_123] : memref<32x32xf32, #tpu.memory_space<vmem>>[vector<16xi32>, vector<16xi32>], vector<16xf32>,
        %parallel_loop3A_225 = arith.constant 14 : i32
        %parallel_loop3A_226 = arith.index_cast %parallel_loop3A_225 : i32 to index
        %parallel_loop3A_227 = arith.index_cast %parallel_loop3A_120 : i32 to index
        %parallel_loop3A_228 = tpu.vector_load %arg8[%parallel_loop3A_226, %parallel_loop3A_227] {strides = array<i32>} : memref<32x512xf32, #tpu.memory_space<vmem>>, vector<16xf32>,
        tpu.vector_store %arg8[%parallel_loop3A_226, %parallel_loop3A_227], %parallel_loop3A_224 {strides = array<i32>} : memref<32x512xf32, #tpu.memory_space<vmem>>, vector<16xf32>,
        %parallel_loop3A_229 = arith.constant 15 : i32
        %parallel_loop3A_230 = vector.broadcast %parallel_loop3A_229 : i32 to vector<16xi32>
        %parallel_loop3A_231 = tpu.vector_load_idx %arg5[%parallel_loop3A_230, %parallel_loop3A_123] : memref<32x32xf32, #tpu.memory_space<vmem>>[vector<16xi32>, vector<16xi32>], vector<16xf32>,
        %parallel_loop3A_232 = arith.constant 15 : i32
        %parallel_loop3A_233 = arith.index_cast %parallel_loop3A_232 : i32 to index
        %parallel_loop3A_234 = arith.index_cast %parallel_loop3A_120 : i32 to index
        %parallel_loop3A_235 = tpu.vector_load %arg8[%parallel_loop3A_233, %parallel_loop3A_234] {strides = array<i32>} : memref<32x512xf32, #tpu.memory_space<vmem>>, vector<16xf32>,
        tpu.vector_store %arg8[%parallel_loop3A_233, %parallel_loop3A_234], %parallel_loop3A_231 {strides = array<i32>} : memref<32x512xf32, #tpu.memory_space<vmem>>, vector<16xf32>,
        %parallel_loop3A_236 = arith.constant 16 : i32
        %parallel_loop3A_237 = vector.broadcast %parallel_loop3A_236 : i32 to vector<16xi32>
        %parallel_loop3A_238 = tpu.vector_load_idx %arg5[%parallel_loop3A_237, %parallel_loop3A_123] : memref<32x32xf32, #tpu.memory_space<vmem>>[vector<16xi32>, vector<16xi32>], vector<16xf32>,
        %parallel_loop3A_239 = arith.constant 16 : i32
        %parallel_loop3A_240 = arith.index_cast %parallel_loop3A_239 : i32 to index
        %parallel_loop3A_241 = arith.index_cast %parallel_loop3A_120 : i32 to index
        %parallel_loop3A_242 = tpu.vector_load %arg8[%parallel_loop3A_240, %parallel_loop3A_241] {strides = array<i32>} : memref<32x512xf32, #tpu.memory_space<vmem>>, vector<16xf32>,
        tpu.vector_store %arg8[%parallel_loop3A_240, %parallel_loop3A_241], %parallel_loop3A_238 {strides = array<i32>} : memref<32x512xf32, #tpu.memory_space<vmem>>, vector<16xf32>,
        %parallel_loop3A_243 = arith.constant 17 : i32
        %parallel_loop3A_244 = vector.broadcast %parallel_loop3A_243 : i32 to vector<16xi32>
        %parallel_loop3A_245 = tpu.vector_load_idx %arg5[%parallel_loop3A_244, %parallel_loop3A_123] : memref<32x32xf32, #tpu.memory_space<vmem>>[vector<16xi32>, vector<16xi32>], vector<16xf32>,
        %parallel_loop3A_246 = arith.constant 17 : i32
        %parallel_loop3A_247 = arith.index_cast %parallel_loop3A_246 : i32 to index
        %parallel_loop3A_248 = arith.index_cast %parallel_loop3A_120 : i32 to index
        %parallel_loop3A_249 = tpu.vector_load %arg8[%parallel_loop3A_247, %parallel_loop3A_248] {strides = array<i32>} : memref<32x512xf32, #tpu.memory_space<vmem>>, vector<16xf32>,
        tpu.vector_store %arg8[%parallel_loop3A_247, %parallel_loop3A_248], %parallel_loop3A_245 {strides = array<i32>} : memref<32x512xf32, #tpu.memory_space<vmem>>, vector<16xf32>,
        %parallel_loop3A_250 = arith.constant 18 : i32
        %parallel_loop3A_251 = vector.broadcast %parallel_loop3A_250 : i32 to vector<16xi32>
        %parallel_loop3A_252 = tpu.vector_load_idx %arg5[%parallel_loop3A_251, %parallel_loop3A_123] : memref<32x32xf32, #tpu.memory_space<vmem>>[vector<16xi32>, vector<16xi32>], vector<16xf32>,
        %parallel_loop3A_253 = arith.constant 18 : i32
        %parallel_loop3A_254 = arith.index_cast %parallel_loop3A_253 : i32 to index
        %parallel_loop3A_255 = arith.index_cast %parallel_loop3A_120 : i32 to index
        %parallel_loop3A_256 = tpu.vector_load %arg8[%parallel_loop3A_254, %parallel_loop3A_255] {strides = array<i32>} : memref<32x512xf32, #tpu.memory_space<vmem>>, vector<16xf32>,
        tpu.vector_store %arg8[%parallel_loop3A_254, %parallel_loop3A_255], %parallel_loop3A_252 {strides = array<i32>} : memref<32x512xf32, #tpu.memory_space<vmem>>, vector<16xf32>,
        %parallel_loop3A_257 = arith.constant 19 : i32
        %parallel_loop3A_258 = vector.broadcast %parallel_loop3A_257 : i32 to vector<16xi32>
        %parallel_loop3A_259 = tpu.vector_load_idx %arg5[%parallel_loop3A_258, %parallel_loop3A_123] : memref<32x32xf32, #tpu.memory_space<vmem>>[vector<16xi32>, vector<16xi32>], vector<16xf32>,
        %parallel_loop3A_260 = arith.constant 19 : i32
        %parallel_loop3A_261 = arith.index_cast %parallel_loop3A_260 : i32 to index
        %parallel_loop3A_262 = arith.index_cast %parallel_loop3A_120 : i32 to index
        %parallel_loop3A_263 = tpu.vector_load %arg8[%parallel_loop3A_261, %parallel_loop3A_262] {strides = array<i32>} : memref<32x512xf32, #tpu.memory_space<vmem>>, vector<16xf32>,
        tpu.vector_store %arg8[%parallel_loop3A_261, %parallel_loop3A_262], %parallel_loop3A_259 {strides = array<i32>} : memref<32x512xf32, #tpu.memory_space<vmem>>, vector<16xf32>,
        %parallel_loop3A_264 = arith.constant 20 : i32
        %parallel_loop3A_265 = vector.broadcast %parallel_loop3A_264 : i32 to vector<16xi32>
        %parallel_loop3A_266 = tpu.vector_load_idx %arg5[%parallel_loop3A_265, %parallel_loop3A_123] : memref<32x32xf32, #tpu.memory_space<vmem>>[vector<16xi32>, vector<16xi32>], vector<16xf32>,
        %parallel_loop3A_267 = arith.constant 20 : i32
        %parallel_loop3A_268 = arith.index_cast %parallel_loop3A_267 : i32 to index
        %parallel_loop3A_269 = arith.index_cast %parallel_loop3A_120 : i32 to index
        %parallel_loop3A_270 = tpu.vector_load %arg8[%parallel_loop3A_268, %parallel_loop3A_269] {strides = array<i32>} : memref<32x512xf32, #tpu.memory_space<vmem>>, vector<16xf32>,
        tpu.vector_store %arg8[%parallel_loop3A_268, %parallel_loop3A_269], %parallel_loop3A_266 {strides = array<i32>} : memref<32x512xf32, #tpu.memory_space<vmem>>, vector<16xf32>,
        %parallel_loop3A_271 = arith.constant 21 : i32
        %parallel_loop3A_272 = vector.broadcast %parallel_loop3A_271 : i32 to vector<16xi32>
        %parallel_loop3A_273 = tpu.vector_load_idx %arg5[%parallel_loop3A_272, %parallel_loop3A_123] : memref<32x32xf32, #tpu.memory_space<vmem>>[vector<16xi32>, vector<16xi32>], vector<16xf32>,
        %parallel_loop3A_274 = arith.constant 21 : i32
        %parallel_loop3A_275 = arith.index_cast %parallel_loop3A_274 : i32 to index
        %parallel_loop3A_276 = arith.index_cast %parallel_loop3A_120 : i32 to index
        %parallel_loop3A_277 = tpu.vector_load %arg8[%parallel_loop3A_275, %parallel_loop3A_276] {strides = array<i32>} : memref<32x512xf32, #tpu.memory_space<vmem>>, vector<16xf32>,
        tpu.vector_store %arg8[%parallel_loop3A_275, %parallel_loop3A_276], %parallel_loop3A_273 {strides = array<i32>} : memref<32x512xf32, #tpu.memory_space<vmem>>, vector<16xf32>,
        %parallel_loop3A_278 = arith.constant 22 : i32
        %parallel_loop3A_279 = vector.broadcast %parallel_loop3A_278 : i32 to vector<16xi32>
        %parallel_loop3A_280 = tpu.vector_load_idx %arg5[%parallel_loop3A_279, %parallel_loop3A_123] : memref<32x32xf32, #tpu.memory_space<vmem>>[vector<16xi32>, vector<16xi32>], vector<16xf32>,
        %parallel_loop3A_281 = arith.constant 22 : i32
        %parallel_loop3A_282 = arith.index_cast %parallel_loop3A_281 : i32 to index
        %parallel_loop3A_283 = arith.index_cast %parallel_loop3A_120 : i32 to index
        %parallel_loop3A_284 = tpu.vector_load %arg8[%parallel_loop3A_282, %parallel_loop3A_283] {strides = array<i32>} : memref<32x512xf32, #tpu.memory_space<vmem>>, vector<16xf32>,
        tpu.vector_store %arg8[%parallel_loop3A_282, %parallel_loop3A_283], %parallel_loop3A_280 {strides = array<i32>} : memref<32x512xf32, #tpu.memory_space<vmem>>, vector<16xf32>,
        %parallel_loop3A_285 = arith.constant 23 : i32
        %parallel_loop3A_286 = vector.broadcast %parallel_loop3A_285 : i32 to vector<16xi32>
        %parallel_loop3A_287 = tpu.vector_load_idx %arg5[%parallel_loop3A_286, %parallel_loop3A_123] : memref<32x32xf32, #tpu.memory_space<vmem>>[vector<16xi32>, vector<16xi32>], vector<16xf32>,
        %parallel_loop3A_288 = arith.constant 23 : i32
        %parallel_loop3A_289 = arith.index_cast %parallel_loop3A_288 : i32 to index
        %parallel_loop3A_290 = arith.index_cast %parallel_loop3A_120 : i32 to index
        %parallel_loop3A_291 = tpu.vector_load %arg8[%parallel_loop3A_289, %parallel_loop3A_290] {strides = array<i32>} : memref<32x512xf32, #tpu.memory_space<vmem>>, vector<16xf32>,
        tpu.vector_store %arg8[%parallel_loop3A_289, %parallel_loop3A_290], %parallel_loop3A_287 {strides = array<i32>} : memref<32x512xf32, #tpu.memory_space<vmem>>, vector<16xf32>,
        %parallel_loop3A_292 = arith.constant 24 : i32
        %parallel_loop3A_293 = vector.broadcast %parallel_loop3A_292 : i32 to vector<16xi32>
        %parallel_loop3A_294 = tpu.vector_load_idx %arg5[%parallel_loop3A_293, %parallel_loop3A_123] : memref<32x32xf32, #tpu.memory_space<vmem>>[vector<16xi32>, vector<16xi32>], vector<16xf32>,
        %parallel_loop3A_295 = arith.constant 24 : i32
        %parallel_loop3A_296 = arith.index_cast %parallel_loop3A_295 : i32 to index
        %parallel_loop3A_297 = arith.index_cast %parallel_loop3A_120 : i32 to index
        %parallel_loop3A_298 = tpu.vector_load %arg8[%parallel_loop3A_296, %parallel_loop3A_297] {strides = array<i32>} : memref<32x512xf32, #tpu.memory_space<vmem>>, vector<16xf32>,
        tpu.vector_store %arg8[%parallel_loop3A_296, %parallel_loop3A_297], %parallel_loop3A_294 {strides = array<i32>} : memref<32x512xf32, #tpu.memory_space<vmem>>, vector<16xf32>,
        %parallel_loop3A_299 = arith.constant 25 : i32
        %parallel_loop3A_300 = vector.broadcast %parallel_loop3A_299 : i32 to vector<16xi32>
        %parallel_loop3A_301 = tpu.vector_load_idx %arg5[%parallel_loop3A_300, %parallel_loop3A_123] : memref<32x32xf32, #tpu.memory_space<vmem>>[vector<16xi32>, vector<16xi32>], vector<16xf32>,
        %parallel_loop3A_302 = arith.constant 25 : i32
        %parallel_loop3A_303 = arith.index_cast %parallel_loop3A_302 : i32 to index
        %parallel_loop3A_304 = arith.index_cast %parallel_loop3A_120 : i32 to index
        %parallel_loop3A_305 = tpu.vector_load %arg8[%parallel_loop3A_303, %parallel_loop3A_304] {strides = array<i32>} : memref<32x512xf32, #tpu.memory_space<vmem>>, vector<16xf32>,
        tpu.vector_store %arg8[%parallel_loop3A_303, %parallel_loop3A_304], %parallel_loop3A_301 {strides = array<i32>} : memref<32x512xf32, #tpu.memory_space<vmem>>, vector<16xf32>,
        %parallel_loop3A_306 = arith.constant 26 : i32
        %parallel_loop3A_307 = vector.broadcast %parallel_loop3A_306 : i32 to vector<16xi32>
        %parallel_loop3A_308 = tpu.vector_load_idx %arg5[%parallel_loop3A_307, %parallel_loop3A_123] : memref<32x32xf32, #tpu.memory_space<vmem>>[vector<16xi32>, vector<16xi32>], vector<16xf32>,
        %parallel_loop3A_309 = arith.constant 26 : i32
        %parallel_loop3A_310 = arith.index_cast %parallel_loop3A_309 : i32 to index
        %parallel_loop3A_311 = arith.index_cast %parallel_loop3A_120 : i32 to index
        %parallel_loop3A_312 = tpu.vector_load %arg8[%parallel_loop3A_310, %parallel_loop3A_311] {strides = array<i32>} : memref<32x512xf32, #tpu.memory_space<vmem>>, vector<16xf32>,
        tpu.vector_store %arg8[%parallel_loop3A_310, %parallel_loop3A_311], %parallel_loop3A_308 {strides = array<i32>} : memref<32x512xf32, #tpu.memory_space<vmem>>, vector<16xf32>,
        %parallel_loop3A_313 = arith.constant 27 : i32
        %parallel_loop3A_314 = vector.broadcast %parallel_loop3A_313 : i32 to vector<16xi32>
        %parallel_loop3A_315 = tpu.vector_load_idx %arg5[%parallel_loop3A_314, %parallel_loop3A_123] : memref<32x32xf32, #tpu.memory_space<vmem>>[vector<16xi32>, vector<16xi32>], vector<16xf32>,
        %parallel_loop3A_316 = arith.constant 27 : i32
        %parallel_loop3A_317 = arith.index_cast %parallel_loop3A_316 : i32 to index
        %parallel_loop3A_318 = arith.index_cast %parallel_loop3A_120 : i32 to index
        %parallel_loop3A_319 = tpu.vector_load %arg8[%parallel_loop3A_317, %parallel_loop3A_318] {strides = array<i32>} : memref<32x512xf32, #tpu.memory_space<vmem>>, vector<16xf32>,
        tpu.vector_store %arg8[%parallel_loop3A_317, %parallel_loop3A_318], %parallel_loop3A_315 {strides = array<i32>} : memref<32x512xf32, #tpu.memory_space<vmem>>, vector<16xf32>,
        %parallel_loop3A_320 = arith.constant 28 : i32
        %parallel_loop3A_321 = vector.broadcast %parallel_loop3A_320 : i32 to vector<16xi32>
        %parallel_loop3A_322 = tpu.vector_load_idx %arg5[%parallel_loop3A_321, %parallel_loop3A_123] : memref<32x32xf32, #tpu.memory_space<vmem>>[vector<16xi32>, vector<16xi32>], vector<16xf32>,
        %parallel_loop3A_323 = arith.constant 28 : i32
        %parallel_loop3A_324 = arith.index_cast %parallel_loop3A_323 : i32 to index
        %parallel_loop3A_325 = arith.index_cast %parallel_loop3A_120 : i32 to index
        %parallel_loop3A_326 = tpu.vector_load %arg8[%parallel_loop3A_324, %parallel_loop3A_325] {strides = array<i32>} : memref<32x512xf32, #tpu.memory_space<vmem>>, vector<16xf32>,
        tpu.vector_store %arg8[%parallel_loop3A_324, %parallel_loop3A_325], %parallel_loop3A_322 {strides = array<i32>} : memref<32x512xf32, #tpu.memory_space<vmem>>, vector<16xf32>,
        %parallel_loop3A_327 = arith.constant 29 : i32
        %parallel_loop3A_328 = vector.broadcast %parallel_loop3A_327 : i32 to vector<16xi32>
        %parallel_loop3A_329 = tpu.vector_load_idx %arg5[%parallel_loop3A_328, %parallel_loop3A_123] : memref<32x32xf32, #tpu.memory_space<vmem>>[vector<16xi32>, vector<16xi32>], vector<16xf32>,
        %parallel_loop3A_330 = arith.constant 29 : i32
        %parallel_loop3A_331 = arith.index_cast %parallel_loop3A_330 : i32 to index
        %parallel_loop3A_332 = arith.index_cast %parallel_loop3A_120 : i32 to index
        %parallel_loop3A_333 = tpu.vector_load %arg8[%parallel_loop3A_331, %parallel_loop3A_332] {strides = array<i32>} : memref<32x512xf32, #tpu.memory_space<vmem>>, vector<16xf32>,
        tpu.vector_store %arg8[%parallel_loop3A_331, %parallel_loop3A_332], %parallel_loop3A_329 {strides = array<i32>} : memref<32x512xf32, #tpu.memory_space<vmem>>, vector<16xf32>,
        %parallel_loop3A_334 = arith.constant 30 : i32
        %parallel_loop3A_335 = vector.broadcast %parallel_loop3A_334 : i32 to vector<16xi32>
        %parallel_loop3A_336 = tpu.vector_load_idx %arg5[%parallel_loop3A_335, %parallel_loop3A_123] : memref<32x32xf32, #tpu.memory_space<vmem>>[vector<16xi32>, vector<16xi32>], vector<16xf32>,
        %parallel_loop3A_337 = arith.constant 30 : i32
        %parallel_loop3A_338 = arith.index_cast %parallel_loop3A_337 : i32 to index
        %parallel_loop3A_339 = arith.index_cast %parallel_loop3A_120 : i32 to index
        %parallel_loop3A_340 = tpu.vector_load %arg8[%parallel_loop3A_338, %parallel_loop3A_339] {strides = array<i32>} : memref<32x512xf32, #tpu.memory_space<vmem>>, vector<16xf32>,
        tpu.vector_store %arg8[%parallel_loop3A_338, %parallel_loop3A_339], %parallel_loop3A_336 {strides = array<i32>} : memref<32x512xf32, #tpu.memory_space<vmem>>, vector<16xf32>,
        %parallel_loop3A_341 = arith.constant 31 : i32
        %parallel_loop3A_342 = vector.broadcast %parallel_loop3A_341 : i32 to vector<16xi32>
        %parallel_loop3A_343 = tpu.vector_load_idx %arg5[%parallel_loop3A_342, %parallel_loop3A_123] : memref<32x32xf32, #tpu.memory_space<vmem>>[vector<16xi32>, vector<16xi32>], vector<16xf32>,
        %parallel_loop3A_344 = arith.constant 31 : i32
        %parallel_loop3A_345 = arith.index_cast %parallel_loop3A_344 : i32 to index
        %parallel_loop3A_346 = arith.index_cast %parallel_loop3A_120 : i32 to index
        %parallel_loop3A_347 = tpu.vector_load %arg8[%parallel_loop3A_345, %parallel_loop3A_346] {strides = array<i32>} : memref<32x512xf32, #tpu.memory_space<vmem>>, vector<16xf32>,
        tpu.vector_store %arg8[%parallel_loop3A_345, %parallel_loop3A_346], %parallel_loop3A_343 {strides = array<i32>} : memref<32x512xf32, #tpu.memory_space<vmem>>, vector<16xf32>,
      } {sc.loop_unroll_factor = 2 : i64, sc.parallel_access}
      %dma_start3A_114 = arith.constant 0 : i32
      %dma_start3A_115 = tpu.memref_slice %arg4[%add3A_68, %dma_start3A_114, %mul3A_2] : memref<200x32x16384xf32, #tpu.memory_space<hbm>> -> memref<1x32x512xf32, #tpu.memory_space<hbm>>
      %dma_start3A_116 = tpu.memref_squeeze %dma_start3A_115 : memref<1x32x512xf32, #tpu.memory_space<hbm>> -> memref<32x512xf32, #tpu.memory_space<hbm>>
      %dma_start3A_117 = arith.constant 0 : i32
      %dma_start3A_118 = tpu.memref_slice %arg4[%add3A_68, %dma_start3A_117, %mul3A_2] : memref<200x32x16384xf32, #tpu.memory_space<hbm>> -> memref<1x32x512xf32, #tpu.memory_space<hbm>>
      %dma_start3A_119 = tpu.memref_squeeze %dma_start3A_118 : memref<1x32x512xf32, #tpu.memory_space<hbm>> -> memref<32x512xf32, #tpu.memory_space<hbm>>
      tpu.enqueue_dma source(%arg8 : memref<32x512xf32, #tpu.memory_space<vmem>>) target(%dma_start3A_119 : memref<32x512xf32, #tpu.memory_space<hbm>>) target_semaphore(%arg10 : memref<!tpu.dma_semaphore, #tpu.memory_space<semaphore_mem>>)
    }
    %scan3A_7 = arith.constant 100 : i32
    %dma_wait3A = arith.constant 0 : i32
    %dma_wait3A_8 = arith.constant 0 : i32
    %dma_wait3A_9 = tpu.memref_slice %arg4[%dma_wait3A, %dma_wait3A_8, %mul3A_2] : memref<200x32x16384xf32, #tpu.memory_space<hbm>> -> memref<1x32x512xf32, #tpu.memory_space<hbm>>
    %dma_wait3A_10 = tpu.memref_squeeze %dma_wait3A_9 : memref<1x32x512xf32, #tpu.memory_space<hbm>> -> memref<32x512xf32, #tpu.memory_space<hbm>>
    %dma_wait3A_11 = arith.constant 0 : i32
    %dma_wait3A_12 = tpu.memref_slice %arg4[%dma_wait3A, %dma_wait3A_11, %mul3A_2] : memref<200x32x16384xf32, #tpu.memory_space<hbm>> -> memref<1x32x512xf32, #tpu.memory_space<hbm>>
    %dma_wait3A_13 = tpu.memref_squeeze %dma_wait3A_12 : memref<1x32x512xf32, #tpu.memory_space<hbm>> -> memref<32x512xf32, #tpu.memory_space<hbm>>
    tpu.wait_dma2 semaphore(%arg9 : memref<!tpu.dma_semaphore, #tpu.memory_space<semaphore_mem>>) src(%arg7 : memref<32x512xf32, #tpu.memory_space<vmem>>) dst(%dma_wait3A_13 : memref<32x512xf32, #tpu.memory_space<hbm>>)
    %dma_wait3A_14 = arith.constant 0 : i32
    %dma_wait3A_15 = arith.constant 0 : i32
    %dma_wait3A_16 = tpu.memref_slice %arg4[%dma_wait3A_14, %dma_wait3A_15, %mul3A_2] : memref<200x32x16384xf32, #tpu.memory_space<hbm>> -> memref<1x32x512xf32, #tpu.memory_space<hbm>>
    %dma_wait3A_17 = tpu.memref_squeeze %dma_wait3A_16 : memref<1x32x512xf32, #tpu.memory_space<hbm>> -> memref<32x512xf32, #tpu.memory_space<hbm>>
    %dma_wait3A_18 = arith.constant 0 : i32
    %dma_wait3A_19 = tpu.memref_slice %arg4[%dma_wait3A_14, %dma_wait3A_18, %mul3A_2] : memref<200x32x16384xf32, #tpu.memory_space<hbm>> -> memref<1x32x512xf32, #tpu.memory_space<hbm>>
    %dma_wait3A_20 = tpu.memref_squeeze %dma_wait3A_19 : memref<1x32x512xf32, #tpu.memory_space<hbm>> -> memref<32x512xf32, #tpu.memory_space<hbm>>
    tpu.wait_dma2 semaphore(%arg10 : memref<!tpu.dma_semaphore, #tpu.memory_space<semaphore_mem>>) src(%arg8 : memref<32x512xf32, #tpu.memory_space<vmem>>) dst(%dma_wait3A_20 : memref<32x512xf32, #tpu.memory_space<hbm>>)
    return
  }
}

</mosaic_0001>

<sc_bundles>
// kernel: kernel.3.cloned.1.call-start
scs
__scs_entry_jumppad:
0x0: {  	(pc) =	sbr.rel $0x88, $3  }
0x1: {  	(tag) =	ssettag $0x0;
	lr =	simm.s32 $0x1  }
0x2: {  	[smem:$0x3F9F] =	sst lr;
	_ =	strace $0xD0000000  }
0x3: {  	_ = 	snop  }
0x4: {  	_ = 	snop  }
0x5: {  	_ = 	snop  }
0x6: {  	_ = 	snop  }
0x7: {  	_ = 	snop  }
__scs_overlays_trampoline_lowered:
0x8: {  	[smem:$0x3FAE] =	sst s0  }
0x9: {  	[smem:$0x3FAF] =	sst s1  }
0xa: {  	[smem:$0x3FB0] =	sst s2  }
0xb: {  	[smem:$0x3FB1] =	sst s3  }
0xc: {  	[smem:$0x3FB2] =	sst s4  }
0xd: {  	[smem:$0x3FB3] =	sst s5  }
0xe: {  	[smem:$0x3FB4] =	sst s6  }
0xf: {  	[smem:$0x3FB5] =	sst s7  }
0x10: {  	[smem:$0x3FB6] =	sst s8  }
0x11: {  	[smem:$0x3FB7] =	sst s9;
	s0 =	simm.s32 @!p0 $0x0  }
0x12: {  	s1 =	sld [smem:$0x3F9D];
	s0 =	simm.s32 @p0 $0x1  }
0x13: {  	[smem:$0x3FB8] =	sst s0;
	s0 =	simm.s32 @!p1 $0x0  }
0x14: {  	s2 =	sld [smem:$0x3F9C];
	s0 =	simm.s32 @p1 $0x1  }
0x15: {  	[smem:$0x3FB9] =	sst s0;
	s0 =	simm.s32 @!p2 $0x0  }
0x16: {  	s3 =	sld [smem:$0x3FDB];
	s0 =	simm.s32 @p2 $0x1  }
0x17: {  	s4 =	simm.s32 $0x1BF5;
	[smem:$0x3FBB] =	sst s0  }
0x18: {  	s0 =	sld [smem:$0x3F9E];
	_ =	swait.ge [sflag:s4], $0x0  }
0x19: {  	s7 =	sld [smem:$0x3F9F]  }
0x1a: {  	s8 =	sadd.s32 $0xFFFFE003, lr  }
0x1b: {  	s9 =	sadd.s32 $0xFFFFFEF7, lr;
	s5 =	simm.s32 $0xFFFFFFFF;
	p2 =	slt.u32 s8, $0xFFFFF086  }
0x1c: {  	p1 =	slt.u32 s9, $0xF7A;
	s5 =	simm.s32 @!p2 $0x0  }
0x1d: {  	s5 =	simm.s32 @p1 $0x1;
	p0 =	seq.s32 s7, s2  }
0x1e: {  	s7 =	smul.u32 @!p0 $0xF7A, s2;
	p2 =	seq.s32 @!p0 s5, $0x0  }
0x1f: {  	s9 =	smul.u32 $0xF7A, s1;
	s8 =	simm.s32 @!p0 $0x1BF5;
	p2 =	por !p2, p0  }
0x20: {  	[sflag:s8] =	ssyncset.s32 @!p0 $0xFFFFF086;
	s6 =	sadd.s32 @!p0 s3, s7;
	s7 =	simm.s32 @!p0 $0x108  }
0x21: {  	s3 =	sadd.s32 s3, s9;
	s6 =	sadd.s32 @!p0 $0x88, s6;
	s7 =	simm.s32 @p2 $0x1082  }
0x22: {  	[simem:s7], [sflag:s8] =	dma.local @!p0 [hbm:s6], $0xF7A  }
0x23: {  	s9 =	sor.u32 $0xD0000000, s2;
	s6 =	simm.s32 $0x108;
	_ =	swait.ge @!p0 [sflag:s8], $0x0  }
0x24: {  	s3 =	sadd.s32 $0x88, s3;
	s6 =	simm.s32 @!p1 $0x1082;
	[sflag:s4] =	ssyncset.s32 $0xFFFFF086  }
0x25: {  	[simem:s6], [sflag:s4] =	dma.local [hbm:s3], $0xF7A  }
0x26: {  	[smem:$0x3F9F] =	sst s1;
	(tag) =	ssettag s2;
	_ =	strace s9  }
0x27: {  	s1 =	sld [smem:$0x3FAF]  }
0x28: {  	s2 =	sld [smem:$0x3FB0]  }
0x29: {  	s4 =	sld [smem:$0x3FB2]  }
0x2a: {  	p0 =	seq.s32 s5, $0x0;
	s5 =	sld [smem:$0x3FB3]  }
0x2b: {  	s6 =	sld [smem:$0x3FB4]  }
0x2c: {  	s7 =	sld [smem:$0x3FB5]  }
0x2d: {  	s3 =	simm.s32 $0x108;
	s8 =	sld [smem:$0x3FB6]  }
0x2e: {  	s3 =	simm.s32 @!p0 $0x1082;
	s9 =	sld [smem:$0x3FB7]  }
0x2f: {  	lr =	sadd.s32 s0, s3;
	s0 =	sld [smem:$0x3FAE]  }
0x30: {  	s3 =	sld [smem:$0x3FB1]  }
0x31: {  	[smem:$0x3FBA] =	sst s10  }
0x32: {  	s10 =	sld [smem:$0x3FB8];
	_ =	sdelay $0x3  }
0x33: {  	p0 =	seq.s32 s10, $0x1;
	s10 =	sld [smem:$0x3FBA];
	_ =	sdelay $0x3  }
0x34: {  	[smem:$0x3FBA] =	sst s10  }
0x35: {  	s10 =	sld [smem:$0x3FB9];
	_ =	sdelay $0x3  }
0x36: {  	p1 =	seq.s32 s10, $0x1;
	s10 =	sld [smem:$0x3FBA];
	_ =	sdelay $0x3  }
0x37: {  	[smem:$0x3FBA] =	sst s10  }
0x38: {  	s10 =	sld [smem:$0x3FBB]  }
0x39: {  	_ = 	snop;
	(pc) =	sbr.ind lr, $3  }
0x3a: {  	_ = 	snop  }
0x3b: {  	_ = 	snop  }
0x3c: {  	p2 =	seq.s32 s10, $0x1;
	s10 =	sld [smem:$0x3FBA]  }
0x3d: {  	_ =	shalt  }
0x3e: {  	_ =	shalt  }
0x3f: {  	_ =	shalt  }
0x40: {  	_ =	shalt  }
0x41: {  	_ =	shalt  }
0x42: {  	_ =	shalt  }
0x43: {  	_ =	shalt  }
0x44: {  	_ =	shalt  }
0x45: {  	_ =	shalt  }
0x46: {  	_ =	shalt  }
0x47: {  	_ =	shalt  }
0x48: {  	_ =	shalt  }
0x49: {  	_ =	shalt  }
0x4a: {  	_ =	shalt  }
0x4b: {  	_ =	shalt  }
0x4c: {  	_ =	shalt  }
0x4d: {  	_ =	shalt  }
0x4e: {  	_ =	shalt  }
0x4f: {  	_ =	shalt  }
0x50: {  	_ =	shalt  }
0x51: {  	_ =	shalt  }
0x52: {  	_ =	shalt  }
0x53: {  	_ =	shalt  }
0x54: {  	_ =	shalt  }
0x55: {  	_ =	shalt  }
0x56: {  	_ =	shalt  }
0x57: {  	_ =	shalt  }
0x58: {  	_ =	shalt  }
0x59: {  	_ =	shalt  }
0x5a: {  	_ =	shalt  }
0x5b: {  	_ =	shalt  }
0x5c: {  	_ =	shalt  }
0x5d: {  	_ =	shalt  }
0x5e: {  	_ =	shalt  }
0x5f: {  	_ =	shalt  }
0x60: {  	_ =	shalt  }
0x61: {  	_ =	shalt  }
0x62: {  	_ =	shalt  }
0x63: {  	_ =	shalt  }
0x64: {  	_ =	shalt  }
0x65: {  	_ =	shalt  }
0x66: {  	_ =	shalt  }
0x67: {  	_ =	shalt  }
0x68: {  	_ =	shalt  }
0x69: {  	_ =	shalt  }
0x6a: {  	_ =	shalt  }
0x6b: {  	_ =	shalt  }
0x6c: {  	_ =	shalt  }
0x6d: {  	_ =	shalt  }
0x6e: {  	_ =	shalt  }
0x6f: {  	_ =	shalt  }
0x70: {  	_ =	shalt  }
0x71: {  	_ =	shalt  }
0x72: {  	_ =	shalt  }
0x73: {  	_ =	shalt  }
0x74: {  	_ =	shalt  }
0x75: {  	_ =	shalt  }
0x76: {  	_ =	shalt  }
0x77: {  	_ =	shalt  }
0x78: {  	_ =	shalt  }
0x79: {  	_ =	shalt  }
0x7a: {  	_ =	shalt  }
0x7b: {  	_ =	shalt  }
0x7c: {  	_ =	shalt  }
0x7d: {  	_ =	shalt  }
0x7e: {  	_ =	shalt  }
0x7f: {  	_ =	shalt  }
0x80: {  	_ =	shalt  }
0x81: {  	_ =	shalt  }
0x82: {  	_ =	shalt  }
0x83: {  	_ =	shalt  }
0x84: {  	_ =	shalt  }
0x85: {  	_ =	shalt  }
0x86: {  	_ =	shalt  }
0x87: {  	_ =	shalt  }
.Lfunc_end0:
.L_simem_size_0:
called_computation_lowered:
.L_overlay_start_0:
0x88: {  	s2 =	sld [smem:$0x3FD9]  }
0x89: {  	s3 =	sld [smem:$0x3FFE];
	_ =	sdelay $0x1  }
0x8a: {  	s1 =	srdreg.scid  }
0x8b: {  	s0 =	sand.u32 $0x1, s1  }
0x8c: {  	s17 =	sshll.u32 s0, $0xA;
	s2 =	sadd.s32 s3, s2  }
0x8d: {  	s2 =	sadd.s32 s2, s17  }
0x8e: {  	[smem:$0x3FC6] =	sst s2  }
0x8f: {  	_ = 	snop  }
0x90: {  	s2 =	sld [smem:$0x3FC9]  }
0x91: {  	s18 =	sld [smem:$0x3FD0];
	(tm) =	ssettm $0x1  }
0x92: {  	s4 =	sld [smem:$0x3FFB];
	_ =	sdelay $0x3  }
0x93: {  	_ =	strace s4  }
0x94: {  	s4 =	sld [smem:$0x3FFC];
	_ =	sdelay $0x3  }
0x95: {  	_ =	strace s4  }
0x96: {  	s4 =	sld [smem:$0x3FFD];
	_ =	sdelay $0x3  }
0x97: {  	_ =	strace s4  }
0x98: {  	_ =	strace $0x8FFFFFFF  }
0x99: {  	s19 =	sld [smem:$0x3FDB];
	_ =	sdelay $0x1  }
0x9a: {  	s5 =	simm.s32 $_scs_section_size  }
0x9b: {  	s6 =	simm.s32 $_size__tile_overlayer_lowered;
	s7 =	simm.s32 $_tile_overlayer_lowered  }
0x9c: {  	s22 =	simm.s32 $0x1BFF;
	s21 =	sshll.u32 s7, $0x1;
	s4 =	sadd.s32 s5, s19  }
0x9d: {  	s8 =	simm.s32 $0x0;
	s20 =	sshll.u32 s6, $0x1;
	s6 =	sadd.s32 s21, s4  }
0x9e: {  	[timem:s8], [sflag:s22] =	dma.local [hbm:s6], s20  }
0x9f: {  	_ =	swait.ge [sflag:s22], s20  }
0xa0: {  	s5 =	ssub.s32 $0x0, s20;
	[sflag:s22] =	ssyncset.done $0x0  }
0xa1: {  	[sflag:s22] =	ssyncadd.s32 s5;
	_ =	sdelay $0x1  }
0xa2: {  	s23 =	simm.s32 $0x1B8B  }
0xa3: {  	_ =	swait.ge [sflag:s23], $0x1  }
0xa4: {  	[sflag:s23] =	ssyncset.done $0x0  }
0xa5: {  	s25 =	simm.s32 $0x1B8E;
	s24 =	sld [smem:$0x3FFE];
	[sflag:s23] =	ssyncadd.s32 $0xFFFFFFFF  }
0xa6: {  	s26 =	simm.s32 $execute0_lowered;
	[smem:$0x3FD2] =	sst s25  }
0xa7: {  	s6 =	sshll.u32 s26, $0x1;
	_ =	strace $0x80000046;
	[dreg:$0x1] =	wrdreg $0xFFFFFFFF  }
0xa8: {  	s28 =	simm.s32 $_size_execute0_lowered;
	s4 =	sadd.s32 s4, s6;
	[dreg:$0x0] =	wrdreg $0x0  }
0xa9: {  	s6 =	sshll.u32 s28, $0x1;
	[dreg:$0x2] =	wrdreg s4  }
0xaa: {  	[dreg:$0x3] =	wrdreg s6  }
0xab: {  	[dreg:$0x4] =	wrdreg $0xC0  }
0xac: {  	_ =	task [dreg:s8], $0x5FFFF  }
0xad: {  	[dreg:$0x1] =	wrdreg $0xFFFFFFFF  }
0xae: {  	[dreg:$0x0] =	wrdreg $0x60  }
0xaf: {  	[dreg:$0x2] =	wrdreg s24  }
0xb0: {  	[dreg:$0x3] =	wrdreg s2  }
0xb1: {  	[dreg:$0x4] =	wrdreg s18  }
0xb2: {  	[dreg:$0x5] =	wrdreg $0x9  }
0xb3: {  	_ =	task.clear_ibuf [dreg:s8], $0x6FFFF;
	_ =	strace $0x90000046  }
0xb4: {  	s29 =	simm.s32 $0x9;
	_ =	strace $0x80000048  }
0xb5: {  	_ =	swait.ge [sflag:s29], $0x1  }
0xb6: {  	[sflag:s29] =	ssyncadd.s32 $0xFFFFFFFF  }
0xb7: {  	_ =	strace $0x90000048  }
0xb8: {  	_ =	sfence  }
0xb9: {  	s30 =	sld [smem:$0x0];
	_ =	sdelay $0x2  }
0xba: {  	s31 =	sshll.u32 s1, $0xD;
	s1 =	sshrl.u32 s1, $0x2  }
0xbb: {  	s3 =	sand.u32 $0x4000, s31;
	s1 =	sadd.s32 s1, s30  }
0xbc: {  	s0 =	sor.u32 s3, s0;
	s1 =	sshll.u32 s1, $0x11  }
0xbd: {  	s0 =	sor.u32 s1, s0  }
0xbe: {  	s0 =	sadd.s32 $0x8F2B, s0  }
0xbf: {  	[sflag:s0] =	ssyncadd.remote.s32 $0x1  }
0xc0: {  	_ =	sfence.sel $0xFFFF  }
0xc1: {  	[dreg:$0x0] =	wrdreg $0xFFFFFFFF;
	(pc) =	sbr.abs _section_cstart, $3  }
0xc2: {  	[dreg:$0x1] =	wrdreg $0xFFFFFFFF  }
0xc3: {  	_ =	task.clear_ibuf [dreg:s8], $0x2FFFF;
	_ =	strace $0x9FFFFFFF  }
0xc4: {  	(tm) =	ssettm $0x7FFFFFFF  }
0xc5: {  	_ =	shalt  }
tec
execute0_lowered:
.L_overlay_start_1:
0x0: {  	(tag) =	ssettag $0x1  }
0x1: {  	s0 =	rddreg [dreg:$0x0]  }
0x2: {  	s1 =	rddreg [dreg:$0x1]  }
0x3: {  	s3 =	rddreg [dreg:$0x2]  }
0x4: {  	s2 =	simm.s32 $0x0;
	s4 =	srdreg.scid;
	s6 =	stileid.u32  }
0x5: {  	[smem:$0x7FF] =	sst s2;
	s4 =	sand.u32 $0x1, s4;
	s6 =	sshll.u32 s6, $0xA  }
0x6: {  	s0 =	sadd.s32 $0x400, s0;
	s5 =	ssub.s32 $0x2, s4;
	s4 =	sshll.u32 s4, $0x9  }
0x7: {  	_ =	strace $0x80000047;
	s31 =	sshrl.u32 s5, $0x1;
	s4 =	sor.u32 s4, s6  }
0x8: {  	[dreg:$0x6] =	wrdreg s0;
	s0 =	ssub.s32 s5, s31;
	s1 =	sadd.s32 s1, s4  }
0x9: {  	[dreg:$0x7] =	wrdreg s1;
	s0 =	smax.u32 s0, $0x1  }
0xa: {  	s5 =	sadd.s32 s3, s4;
	s3 =	simm.s32 $0x0;
	[dreg:$0x8] =	wrdreg s0  }
.LBB2_1:
0xb: {  	[dreg:$0x9] =	wrdreg s3  }
0xc: {  	s0 =	rddreg [dreg:$0x6];
	s31 =	simm.s32 $0x3  }
0xd: {  	[tilespmem:s2], [sflag:$0x3] =	stream.linear.gather [hbm4b:s0+s2], $0x1000, $0x38;
	[tilespmem:$0xA000] =	vst v63  }
0xe: {  	_ =	swait.ge [sflag:s31], $0x1000  }
0xf: {  	[sflag:s31] =	ssyncset.done $0x0  }
0x10: {  	s15 =	simm.s32 $0x0;
	[sflag:s31] =	ssyncadd.s32 $0xFFFFF000  }
.LBB2_2:
0x11: {  	s16 =	sshll.u32 s15, $0x1  }
0x12: {  	s0 =	sand.u32 $0x6, s16  }
0x13: {  	p1 =	sne.s32 s0, $0x0  }
0x14: {  	s3 =	rddreg [dreg:$0x7];
	s1 =	sshll.u32 @!p1 s15, $0xC  }
0x15: {  	s4 =	simm.s32 @!p1 $0x1000;
	s1 =	sadd.s32 @!p1 s1, s3;
	s3 =	simm.s32 @!p1 $0x0  }
0x16: {  	[tilespmem:s4], [sflag:$0x3] =	stream.linear.gather @!p1 [hbm4b:s1+s3], $0x1000, $0x38;
	[tilespmem:$0xA000] =	vst v63  }
0x17: {  	s1 =	simm.s32 @!p1 $0x3  }
0x18: {  	p0 =	seq.s32 s15, $0x0;
	_ =	swait.ge @!p1 [sflag:s1], $0x1000  }
0x19: {  	s8 =	simm.s32 $0x0;
	s0 =	sshll.u32 s0, $0x7;
	[sflag:s1] =	ssyncset.done @!p1 $0x0  }
0x1a: {  	s0 =	sor.u32 $0x1000, s0;
	s3 =	simm.s32 @!p0 $0x1;
	[sflag:s1] =	ssyncadd.s32 @!p1 $0xFFFFF000  }
0x1b: {  	s1 =	simm.s32 $0x0;
	_ =	swait.ge @!p0 [sflag:s3], $0x4000;
	[dreg:$0x4] =	wrdreg s0  }
0x1c: {  	s26 =	sand.u32 $0x60, s8;
	s31 =	sand.u32 $0xC00, s1;
	s0 =	rddreg [dreg:$0x4]  }
0x1d: {  	s30 =	sor.u32 $0x10, s26;
	[sflag:s3] =	ssyncset.done @!p0 $0x0;
	s4 =	sadd.s32 s31, s0  }
0x1e: {  	[sflag:s3] =	ssyncadd.s32 @!p0 $0xFFFFC000;
	s9 =	sadd.s32 s30, s4  }
0x1f: {  	v4 =	vld [tilespmem:s9+$0x0];
	_ =	sdelay $0x7  }
0x20: {  	v0 =	vld.idx.msk [tilespmem:v4+s2+$0x0], $0xffff  }
0x21: {  	v1 =	vadd.s32 $0x80, v4  }
0x22: {  	s10 =	sadd.s32 s26, s4  }
0x23: {  	s11 =	sor.u32 $0x2000, s31;
	v3 =	vld [tilespmem:s10+$0x0]  }
0x24: {  	s12 =	sor.u32 s30, s11  }
0x25: {  	[tilespmem:s12+$0x0] =	vst v0  }
0x26: {  	v0 =	vld.idx.msk [tilespmem:v1+s2+$0x0], $0xffff  }
0x27: {  	v1 =	vadd.s32 $0x100, v4;
	_ =	sdelay $0x3  }
0x28: {  	v2 =	vld.idx.msk [tilespmem:v3+s2+$0x0], $0xffff;
	[tilespmem:s12+$0x80] =	vst v0  }
0x29: {  	v0 =	vadd.s32 $0x80, v3;
	v1 =	vld.idx.msk [tilespmem:v1+s2+$0x0], $0xffff  }
0x2a: {  	v5 =	vadd.s32 $0x180, v4;
	_ =	sdelay $0x1  }
0x2b: {  	s7 =	sor.u32 s26, s11  }
0x2c: {  	[tilespmem:s7+$0x0] =	vst v2  }
0x2d: {  	v0 =	vld.idx.msk [tilespmem:v0+s2+$0x0], $0xffff;
	[tilespmem:s12+$0x100] =	vst v1  }
0x2e: {  	v1 =	vadd.s32 $0x100, v3;
	v2 =	vld.idx.msk [tilespmem:v5+s2+$0x0], $0xffff  }
0x2f: {  	v5 =	vadd.s32 $0x200, v4;
	_ =	sdelay $0x2  }
0x30: {  	[tilespmem:s7+$0x80] =	vst v0  }
0x31: {  	v0 =	vld.idx.msk [tilespmem:v1+s2+$0x0], $0xffff;
	[tilespmem:s12+$0x180] =	vst v2  }
0x32: {  	v1 =	vadd.s32 $0x180, v3;
	v2 =	vld.idx.msk [tilespmem:v5+s2+$0x0], $0xffff  }
0x33: {  	v5 =	vadd.s32 $0x280, v4;
	_ =	sdelay $0x2  }
0x34: {  	[tilespmem:s7+$0x100] =	vst v0  }
0x35: {  	v0 =	vld.idx.msk [tilespmem:v1+s2+$0x0], $0xffff;
	[tilespmem:s12+$0x200] =	vst v2  }
0x36: {  	v1 =	vadd.s32 $0x200, v3;
	v2 =	vld.idx.msk [tilespmem:v5+s2+$0x0], $0xffff  }
0x37: {  	v5 =	vadd.s32 $0x300, v4;
	_ =	sdelay $0x2  }
0x38: {  	[tilespmem:s7+$0x180] =	vst v0  }
0x39: {  	v0 =	vld.idx.msk [tilespmem:v1+s2+$0x0], $0xffff;
	[tilespmem:s12+$0x280] =	vst v2  }
0x3a: {  	s13 =	sand.u32 $0x3, s1;
	v1 =	vadd.s32 $0x280, v3;
	v2 =	vld.idx.msk [tilespmem:v5+s2+$0x0], $0xffff  }
0x3b: {  	s3 =	sshll.u32 s13, $0x5;
	v5 =	vadd.s32 $0x380, v4  }
0x3c: {  	s14 =	sadd.s32 $0x0, s3  }
0x3d: {  	s10 =	sadd.s32 $0x10, s14  }
0x3e: {  	s18 =	sor.u32 $0x300, s10;
	[tilespmem:s7+$0x200] =	vst v0  }
0x3f: {  	v0 =	vld.idx.msk [tilespmem:v1+s2+$0x0], $0xffff;
	[tilespmem:s18+$0x2000] =	vst v2  }
0x40: {  	v1 =	vadd.s32 $0x300, v3;
	v2 =	vld.idx.msk [tilespmem:v5+s2+$0x0], $0xffff  }
0x41: {  	v5 =	vadd.s32 $0x400, v4  }
0x42: {  	s6 =	simm.s32 $0x20  }
0x43: {  	s17 =	sand.u32 $0x60, s6;
	s3 =	simm.s32 $0x100  }
0x44: {  	s11 =	rddreg [dreg:$0x4];
	s19 =	sor.u32 $0x380, s10;
	s18 =	sand.u32 $0xC00, s3;
	[tilespmem:s7+$0x280] =	vst v0  }
0x45: {  	s20 =	sadd.s32 s18, s11;
	v1 =	vld.idx.msk [tilespmem:v1+s2+$0x0], $0xffff;
	[tilespmem:s19+$0x2000] =	vst v2;
	s19 =	sor.u32 $0x10, s17  }
0x46: {  	v2 =	vadd.s32 $0x380, v3;
	v6 =	vld.idx.msk [tilespmem:v5+s2+$0x0], $0xffff;
	s21 =	sadd.s32 s19, s20  }
0x47: {  	v0 =	vld [tilespmem:s21+$0x0]  }
0x48: {  	v7 =	vadd.s32 $0x480, v4  }
0x49: {  	s4 =	sor.u32 $0x300, s14  }
0x4a: {  	s22 =	sor.u32 $0x3000, s31;
	[tilespmem:s4+$0x2000] =	vst v1  }
0x4b: {  	s23 =	sor.u32 s30, s22;
	s7 =	sadd.s32 s17, s20;
	v1 =	vld.idx.msk [tilespmem:v2+s2+$0x0], $0xffff  }
0x4c: {  	v5 =	vld [tilespmem:s7+$0x0];
	v2 =	vadd.s32 $0x400, v3;
	[tilespmem:s23+$0x0] =	vst v6  }
0x4d: {  	v6 =	vld.idx.msk [tilespmem:v7+s2+$0x0], $0xffff  }
0x4e: {  	s0 =	sor.u32 s1, s8;
	v7 =	vadd.s32 $0x500, v4  }
0x4f: {  	s0 =	sor.u32 $0x380, s0;
	v8 =	vld.idx.msk [tilespmem:v0+s2+$0x0], $0xffff  }
0x50: {  	s24 =	sor.u32 $0x3080, s31;
	[tilespmem:s0+$0x2000] =	vst v1;
	v1 =	vadd.s32 $0x80, v0  }
0x51: {  	s25 =	sor.u32 s30, s24;
	v2 =	vld.idx.msk [tilespmem:v2+s2+$0x0], $0xffff  }
0x52: {  	v9 =	vadd.s32 $0x480, v3;
	s1 =	sor.u32 $0x2000, s18;
	[tilespmem:s25+$0x0] =	vst v6  }
0x53: {  	s8 =	sor.u32 s19, s1;
	v6 =	vld.idx.msk [tilespmem:v7+s2+$0x0], $0xffff  }
0x54: {  	v7 =	vld.idx.msk [tilespmem:v5+s2+$0x0], $0xffff;
	[tilespmem:s8+$0x0] =	vst v8;
	v8 =	vadd.s32 $0x580, v4  }
0x55: {  	s4 =	sor.u32 s26, s22;
	v10 =	vadd.s32 $0x80, v5;
	v1 =	vld.idx.msk [tilespmem:v1+s2+$0x0], $0xffff  }
0x56: {  	s9 =	sor.u32 $0x3100, s31;
	[tilespmem:s4+$0x0] =	vst v2;
	v2 =	vadd.s32 $0x100, v0  }
0x57: {  	s11 =	sor.u32 s30, s9;
	v9 =	vld.idx.msk [tilespmem:v9+s2+$0x0], $0xffff  }
0x58: {  	v11 =	vadd.s32 $0x500, v3;
	s0 =	sor.u32 s17, s1;
	[tilespmem:s11+$0x0] =	vst v6  }
0x59: {  	[tilespmem:s0+$0x0] =	vst v7;
	v6 =	vld.idx.msk [tilespmem:v8+s2+$0x0], $0xffff  }
0x5a: {  	v7 =	vld.idx.msk [tilespmem:v10+s2+$0x0], $0xffff;
	[tilespmem:s8+$0x80] =	vst v1;
	v1 =	vadd.s32 $0x600, v4  }
0x5b: {  	s7 =	sor.u32 s26, s24;
	v8 =	vadd.s32 $0x100, v5;
	v2 =	vld.idx.msk [tilespmem:v2+s2+$0x0], $0xffff  }
0x5c: {  	s12 =	sor.u32 $0x3180, s31;
	[tilespmem:s7+$0x0] =	vst v9;
	v9 =	vadd.s32 $0x180, v0  }
0x5d: {  	s13 =	sor.u32 s30, s12;
	v10 =	vld.idx.msk [tilespmem:v11+s2+$0x0], $0xffff  }
0x5e: {  	v11 =	vadd.s32 $0x580, v3;
	[tilespmem:s13+$0x0] =	vst v6  }
0x5f: {  	[tilespmem:s0+$0x80] =	vst v7;
	v1 =	vld.idx.msk [tilespmem:v1+s2+$0x0], $0xffff  }
0x60: {  	v6 =	vld.idx.msk [tilespmem:v8+s2+$0x0], $0xffff;
	[tilespmem:s8+$0x100] =	vst v2;
	v2 =	vadd.s32 $0x680, v4  }
0x61: {  	s4 =	sor.u32 s26, s9;
	v7 =	vadd.s32 $0x180, v5;
	v8 =	vld.idx.msk [tilespmem:v9+s2+$0x0], $0xffff  }
0x62: {  	s14 =	sor.u32 $0x3200, s31;
	[tilespmem:s4+$0x0] =	vst v10;
	v9 =	vadd.s32 $0x200, v0  }
0x63: {  	s20 =	sor.u32 s30, s14;
	v10 =	vld.idx.msk [tilespmem:v11+s2+$0x0], $0xffff  }
0x64: {  	v11 =	vadd.s32 $0x600, v3;
	[tilespmem:s20+$0x0] =	vst v1  }
0x65: {  	[tilespmem:s0+$0x100] =	vst v6;
	v1 =	vld.idx.msk [tilespmem:v2+s2+$0x0], $0xffff  }
0x66: {  	v6 =	vadd.s32 $0x700, v4;
	v2 =	vld.idx.msk [tilespmem:v7+s2+$0x0], $0xffff;
	[tilespmem:s8+$0x180] =	vst v8  }
0x67: {  	s7 =	sor.u32 s26, s12;
	v7 =	vadd.s32 $0x200, v5;
	v8 =	vld.idx.msk [tilespmem:v9+s2+$0x0], $0xffff  }
0x68: {  	s21 =	sor.u32 $0x3280, s31;
	[tilespmem:s7+$0x0] =	vst v10;
	v9 =	vadd.s32 $0x280, v0  }
0x69: {  	s22 =	sor.u32 s30, s21;
	v10 =	vld.idx.msk [tilespmem:v11+s2+$0x0], $0xffff  }
0x6a: {  	v11 =	vadd.s32 $0x680, v3;
	[tilespmem:s22+$0x0] =	vst v1  }
0x6b: {  	[tilespmem:s0+$0x180] =	vst v2;
	v1 =	vld.idx.msk [tilespmem:v6+s2+$0x0], $0xffff  }
0x6c: {  	v2 =	vld.idx.msk [tilespmem:v7+s2+$0x0], $0xffff;
	v6 =	vadd.s32 $0x780, v4;
	[tilespmem:s8+$0x200] =	vst v8  }
0x6d: {  	s4 =	sor.u32 s26, s14;
	v7 =	vadd.s32 $0x280, v5;
	v8 =	vld.idx.msk [tilespmem:v9+s2+$0x0], $0xffff  }
0x6e: {  	s23 =	sor.u32 $0x3300, s31;
	[tilespmem:s4+$0x0] =	vst v10;
	v9 =	vadd.s32 $0x300, v0  }
0x6f: {  	s24 =	sor.u32 s30, s23;
	v10 =	vld.idx.msk [tilespmem:v11+s2+$0x0], $0xffff  }
0x70: {  	v11 =	vadd.s32 $0x700, v3;
	[tilespmem:s24+$0x0] =	vst v1  }
0x71: {  	[tilespmem:s0+$0x200] =	vst v2;
	v1 =	vld.idx.msk [tilespmem:v6+s2+$0x0], $0xffff  }
0x72: {  	s25 =	simm.s32 $0x1;
	v2 =	vld.idx.msk [tilespmem:v7+s2+$0x0], $0xffff;
	v6 =	vadd.s32 $0x800, v4;
	[tilespmem:s8+$0x280] =	vst v8  }
0x73: {  	s1 =	sand.u32 $0x3, s25;
	s7 =	sor.u32 s26, s21;
	v7 =	vadd.s32 $0x300, v5;
	v8 =	vld.idx.msk [tilespmem:v9+s2+$0x0], $0xffff  }
0x74: {  	s1 =	sshll.u32 s1, $0x5;
	s8 =	sor.u32 $0x3380, s31;
	[tilespmem:s7+$0x0] =	vst v10;
	v9 =	vadd.s32 $0x380, v0  }
0x75: {  	s1 =	sadd.s32 $0x100, s1;
	s9 =	sor.u32 s30, s8;
	v10 =	vld.idx.msk [tilespmem:v11+s2+$0x0], $0xffff  }
0x76: {  	s11 =	sadd.s32 $0x10, s1;
	v11 =	vadd.s32 $0x780, v3;
	[tilespmem:s9+$0x0] =	vst v1  }
0x77: {  	s12 =	sor.u32 $0x300, s11;
	[tilespmem:s0+$0x280] =	vst v2;
	v1 =	vld.idx.msk [tilespmem:v6+s2+$0x0], $0xffff  }
0x78: {  	v2 =	vld.idx.msk [tilespmem:v7+s2+$0x0], $0xffff;
	v6 =	vadd.s32 $0x880, v4;
	[tilespmem:s12+$0x2000] =	vst v8  }
0x79: {  	s13 =	sor.u32 s26, s23;
	v7 =	vadd.s32 $0x380, v5;
	v8 =	vld.idx.msk [tilespmem:v9+s2+$0x0], $0xffff  }
0x7a: {  	s14 =	sor.u32 $0x4000, s31;
	[tilespmem:s13+$0x0] =	vst v10;
	v9 =	vadd.s32 $0x400, v0  }
0x7b: {  	s10 =	sor.u32 $0x380, s11;
	s22 =	sor.u32 s30, s14;
	v10 =	vld.idx.msk [tilespmem:v11+s2+$0x0], $0xffff  }
0x7c: {  	s0 =	simm.s32 $0x200;
	s12 =	sor.u32 $0x300, s1;
	s1 =	simm.s32 $0x40;
	v11 =	vadd.s32 $0x800, v3;
	[tilespmem:s22+$0x0] =	vst v1  }
0x7d: {  	s23 =	rddreg [dreg:$0x4];
	s20 =	sand.u32 $0x60, s1;
	[tilespmem:s12+$0x2000] =	vst v2;
	s22 =	sand.u32 $0xC00, s0;
	v2 =	vld.idx.msk [tilespmem:v6+s2+$0x0], $0xffff  }
0x7e: {  	s21 =	sor.u32 $0x10, s20;
	v6 =	vld.idx.msk [tilespmem:v7+s2+$0x0], $0xffff;
	v7 =	vadd.s32 $0x900, v4;
	s24 =	sadd.s32 s22, s23;
	[tilespmem:s10+$0x2000] =	vst v8  }
0x7f: {  	s7 =	sor.u32 s26, s8;
	s11 =	sadd.s32 s21, s24;
	v8 =	vld.idx.msk [tilespmem:v9+s2+$0x0], $0xffff  }
0x80: {  	s25 =	sor.u32 $0x4080, s31;
	v9 =	vadd.s32 $0x400, v5;
	[tilespmem:s7+$0x0] =	vst v10;
	v1 =	vld [tilespmem:s11+$0x0]  }
0x81: {  	s8 =	sor.u32 s30, s25;
	s10 =	sadd.s32 s20, s24;
	v10 =	vld.idx.msk [tilespmem:v11+s2+$0x0], $0xffff;
	v11 =	vadd.s32 $0x480, v0  }
0x82: {  	v13 =	vadd.s32 $0x880, v3;
	s3 =	sor.u32 s3, s6;
	v12 =	vld [tilespmem:s10+$0x0];
	[tilespmem:s8+$0x0] =	vst v2  }
0x83: {  	s3 =	sor.u32 $0x380, s3;
	s9 =	sor.u32 $0x3000, s18;
	v2 =	vld.idx.msk [tilespmem:v7+s2+$0x0], $0xffff  }
0x84: {  	s10 =	sor.u32 s19, s9;
	[tilespmem:s3+$0x2000] =	vst v6;
	v6 =	vadd.s32 $0x980, v4  }
0x85: {  	s4 =	sor.u32 s26, s14;
	v7 =	vld.idx.msk [tilespmem:v9+s2+$0x0], $0xffff;
	[tilespmem:s10+$0x0] =	vst v8  }
0x86: {  	v8 =	vadd.s32 $0x480, v5;
	[tilespmem:s4+$0x0] =	vst v10;
	v9 =	vld.idx.msk [tilespmem:v11+s2+$0x0], $0xffff;
	s4 =	sor.u32 $0x4100, s31  }
0x87: {  	v11 =	vadd.s32 $0x500, v0;
	v10 =	vld.idx.msk [tilespmem:v13+s2+$0x0], $0xffff;
	s11 =	sor.u32 s30, s4  }
0x88: {  	v13 =	vadd.s32 $0x900, v3;
	v14 =	vld.idx.msk [tilespmem:v1+s2+$0x0], $0xffff;
	[tilespmem:s11+$0x0] =	vst v2  }
0x89: {  	s13 =	sor.u32 $0x3080, s18;
	s12 =	sor.u32 s17, s9;
	v2 =	vld.idx.msk [tilespmem:v6+s2+$0x0], $0xffff;
	v6 =	vadd.s32 $0x80, v1  }
0x8a: {  	v15 =	vadd.s32 $0xA00, v4;
	s14 =	sor.u32 s19, s13;
	[tilespmem:s12+$0x0] =	vst v7;
	v7 =	vld.idx.msk [tilespmem:v12+s2+$0x0], $0xffff  }
0x8b: {  	s23 =	sor.u32 s26, s25;
	s24 =	sor.u32 $0x2000, s22;
	v16 =	vadd.s32 $0x80, v12;
	v8 =	vld.idx.msk [tilespmem:v8+s2+$0x0], $0xffff;
	[tilespmem:s14+$0x0] =	vst v9  }
0x8c: {  	s25 =	sor.u32 $0x4180, s31;
	s6 =	sor.u32 s21, s24;
	v9 =	vadd.s32 $0x500, v5;
	[tilespmem:s23+$0x0] =	vst v10;
	v10 =	vld.idx.msk [tilespmem:v11+s2+$0x0], $0xffff  }
0x8d: {  	s8 =	sor.u32 s30, s25;
	v11 =	vadd.s32 $0x580, v0;
	[tilespmem:s6+$0x0] =	vst v14;
	v13 =	vld.idx.msk [tilespmem:v13+s2+$0x0], $0xffff  }
0x8e: {  	s3 =	sor.u32 s20, s24;
	v14 =	vadd.s32 $0x980, v3;
	v6 =	vld.idx.msk [tilespmem:v6+s2+$0x0], $0xffff;
	[tilespmem:s8+$0x0] =	vst v2  }
0x8f: {  	s9 =	sor.u32 $0x3100, s18;
	s10 =	sor.u32 s17, s13;
	[tilespmem:s3+$0x0] =	vst v7;
	v7 =	vadd.s32 $0x100, v1;
	v2 =	vld.idx.msk [tilespmem:v15+s2+$0x0], $0xffff  }
0x90: {  	s12 =	sor.u32 s19, s9;
	v15 =	vld.idx.msk [tilespmem:v16+s2+$0x0], $0xffff;
	[tilespmem:s10+$0x0] =	vst v8;
	v8 =	vadd.s32 $0xA80, v4  }
0x91: {  	s4 =	sor.u32 s26, s4;
	v16 =	vadd.s32 $0x100, v12;
	v9 =	vld.idx.msk [tilespmem:v9+s2+$0x0], $0xffff;
	[tilespmem:s12+$0x0] =	vst v10  }
0x92: {  	v10 =	vadd.s32 $0x580, v5;
	v11 =	vld.idx.msk [tilespmem:v11+s2+$0x0], $0xffff;
	[tilespmem:s4+$0x0] =	vst v13;
	s4 =	sor.u32 $0x4200, s31  }
0x93: {  	v13 =	vld.idx.msk [tilespmem:v14+s2+$0x0], $0xffff;
	s13 =	sor.u32 s30, s4;
	[tilespmem:s6+$0x80] =	vst v6;
	v6 =	vadd.s32 $0x600, v0  }
0x94: {  	v14 =	vadd.s32 $0xA00, v3;
	v7 =	vld.idx.msk [tilespmem:v7+s2+$0x0], $0xffff;
	[tilespmem:s13+$0x0] =	vst v2  }
0x95: {  	s14 =	sor.u32 s17, s9;
	s23 =	sor.u32 $0x3180, s18;
	[tilespmem:s3+$0x80] =	vst v15;
	v2 =	vld.idx.msk [tilespmem:v8+s2+$0x0], $0xffff;
	v8 =	vadd.s32 $0x180, v1  }
0x96: {  	s24 =	sor.u32 s19, s23;
	v15 =	vld.idx.msk [tilespmem:v16+s2+$0x0], $0xffff;
	[tilespmem:s14+$0x0] =	vst v9;
	v9 =	vadd.s32 $0xB00, v4  }
0x97: {  	s7 =	sor.u32 s26, s25;
	v16 =	vadd.s32 $0x180, v12;
	v10 =	vld.idx.msk [tilespmem:v10+s2+$0x0], $0xffff;
	[tilespmem:s24+$0x0] =	vst v11  }
0x98: {  	v11 =	vadd.s32 $0x600, v5;
	[tilespmem:s7+$0x0] =	vst v13;
	s7 =	sor.u32 $0x4280, s31;
	v6 =	vld.idx.msk [tilespmem:v6+s2+$0x0], $0xffff  }
0x99: {  	v13 =	vld.idx.msk [tilespmem:v14+s2+$0x0], $0xffff;
	s25 =	sor.u32 s30, s7;
	[tilespmem:s6+$0x100] =	vst v7;
	v7 =	vadd.s32 $0x680, v0  }
0x9a: {  	v14 =	vadd.s32 $0xA80, v3;
	v8 =	vld.idx.msk [tilespmem:v8+s2+$0x0], $0xffff;
	[tilespmem:s25+$0x0] =	vst v2  }
0x9b: {  	s9 =	sor.u32 $0x3200, s18;
	s8 =	sor.u32 s17, s23;
	[tilespmem:s3+$0x100] =	vst v15;
	v2 =	vld.idx.msk [tilespmem:v9+s2+$0x0], $0xffff;
	v9 =	vadd.s32 $0x200, v1  }
0x9c: {  	s12 =	sor.u32 s19, s9;
	v15 =	vld.idx.msk [tilespmem:v16+s2+$0x0], $0xffff;
	[tilespmem:s8+$0x0] =	vst v10;
	v10 =	vadd.s32 $0xB80, v4  }
0x9d: {  	s4 =	sor.u32 s26, s4;
	v16 =	vadd.s32 $0x200, v12;
	v11 =	vld.idx.msk [tilespmem:v11+s2+$0x0], $0xffff;
	[tilespmem:s12+$0x0] =	vst v6  }
0x9e: {  	v6 =	vadd.s32 $0x680, v5;
	[tilespmem:s4+$0x0] =	vst v13;
	s4 =	sor.u32 $0x4300, s31;
	v7 =	vld.idx.msk [tilespmem:v7+s2+$0x0], $0xffff  }
0x9f: {  	v13 =	vld.idx.msk [tilespmem:v14+s2+$0x0], $0xffff;
	s13 =	sor.u32 s30, s4;
	[tilespmem:s6+$0x180] =	vst v8;
	v8 =	vadd.s32 $0x700, v0  }
0xa0: {  	v14 =	vadd.s32 $0xB00, v3;
	v9 =	vld.idx.msk [tilespmem:v9+s2+$0x0], $0xffff;
	[tilespmem:s13+$0x0] =	vst v2  }
0xa1: {  	s23 =	sor.u32 $0x3280, s18;
	s14 =	sor.u32 s17, s9;
	[tilespmem:s3+$0x180] =	vst v15;
	v2 =	vld.idx.msk [tilespmem:v10+s2+$0x0], $0xffff;
	v10 =	vadd.s32 $0x280, v1  }
0xa2: {  	s24 =	sor.u32 s19, s23;
	v15 =	vld.idx.msk [tilespmem:v16+s2+$0x0], $0xffff;
	[tilespmem:s14+$0x0] =	vst v11;
	v11 =	vadd.s32 $0xC00, v4  }
0xa3: {  	s7 =	sor.u32 s26, s7;
	v16 =	vadd.s32 $0x280, v12;
	v6 =	vld.idx.msk [tilespmem:v6+s2+$0x0], $0xffff;
	[tilespmem:s24+$0x0] =	vst v7  }
0xa4: {  	v7 =	vadd.s32 $0x700, v5;
	[tilespmem:s7+$0x0] =	vst v13;
	s7 =	sor.u32 $0x4380, s31;
	v8 =	vld.idx.msk [tilespmem:v8+s2+$0x0], $0xffff  }
0xa5: {  	v13 =	vld.idx.msk [tilespmem:v14+s2+$0x0], $0xffff;
	s25 =	sor.u32 s30, s7;
	[tilespmem:s6+$0x200] =	vst v9;
	v9 =	vadd.s32 $0x780, v0  }
0xa6: {  	v14 =	vadd.s32 $0xB80, v3;
	v10 =	vld.idx.msk [tilespmem:v10+s2+$0x0], $0xffff;
	[tilespmem:s25+$0x0] =	vst v2  }
0xa7: {  	s9 =	sor.u32 $0x3300, s18;
	s8 =	sor.u32 s17, s23;
	[tilespmem:s3+$0x200] =	vst v15;
	v2 =	vld.idx.msk [tilespmem:v11+s2+$0x0], $0xffff;
	v11 =	vadd.s32 $0x300, v1  }
0xa8: {  	s12 =	sor.u32 s19, s9;
	v15 =	vld.idx.msk [tilespmem:v16+s2+$0x0], $0xffff;
	[tilespmem:s8+$0x0] =	vst v6;
	v6 =	vadd.s32 $0xC80, v4  }
0xa9: {  	s4 =	sor.u32 s26, s4;
	v16 =	vadd.s32 $0x300, v12;
	v7 =	vld.idx.msk [tilespmem:v7+s2+$0x0], $0xffff;
	[tilespmem:s12+$0x0] =	vst v8  }
0xaa: {  	s10 =	sor.u32 $0x5000, s31;
	v8 =	vadd.s32 $0x780, v5;
	[tilespmem:s4+$0x0] =	vst v13;
	v9 =	vld.idx.msk [tilespmem:v9+s2+$0x0], $0xffff  }
0xab: {  	s13 =	sor.u32 s30, s10;
	s14 =	simm.s32 $0x2;
	v13 =	vld.idx.msk [tilespmem:v14+s2+$0x0], $0xffff;
	[tilespmem:s6+$0x280] =	vst v10;
	v10 =	vadd.s32 $0x800, v0  }
0xac: {  	s23 =	sand.u32 $0x3, s14;
	v14 =	vadd.s32 $0xC00, v3;
	v11 =	vld.idx.msk [tilespmem:v11+s2+$0x0], $0xffff;
	[tilespmem:s13+$0x0] =	vst v2  }
0xad: {  	s24 =	sor.u32 s17, s9;
	s25 =	sor.u32 $0x3380, s18;
	s4 =	sshll.u32 s23, $0x5;
	[tilespmem:s3+$0x280] =	vst v15;
	v2 =	vld.idx.msk [tilespmem:v6+s2+$0x0], $0xffff;
	v6 =	vadd.s32 $0x380, v1  }
0xae: {  	s8 =	sor.u32 s19, s25;
	s9 =	sadd.s32 $0x200, s4;
	v15 =	vld.idx.msk [tilespmem:v16+s2+$0x0], $0xffff;
	[tilespmem:s24+$0x0] =	vst v7;
	v7 =	vadd.s32 $0xD00, v4  }
0xaf: {  	s12 =	sor.u32 s26, s7;
	s13 =	sadd.s32 $0x10, s9;
	v16 =	vadd.s32 $0x380, v12;
	v8 =	vld.idx.msk [tilespmem:v8+s2+$0x0], $0xffff;
	[tilespmem:s8+$0x0] =	vst v9  }
0xb0: {  	s4 =	sor.u32 $0x5080, s31;
	s14 =	sor.u32 $0x300, s13;
	v9 =	vadd.s32 $0x800, v5;
	[tilespmem:s12+$0x0] =	vst v13;
	v10 =	vld.idx.msk [tilespmem:v10+s2+$0x0], $0xffff  }
0xb1: {  	s23 =	sor.u32 s30, s4;
	v13 =	vld.idx.msk [tilespmem:v14+s2+$0x0], $0xffff;
	[tilespmem:s14+$0x2000] =	vst v11;
	v11 =	vadd.s32 $0x880, v0  }
0xb2: {  	s11 =	sor.u32 $0x300, s9;
	v14 =	vadd.s32 $0xC80, v3;
	v6 =	vld.idx.msk [tilespmem:v6+s2+$0x0], $0xffff;
	[tilespmem:s23+$0x0] =	vst v2  }
0xb3: {  	s7 =	sor.u32 $0x4000, s18;
	s3 =	sor.u32 s17, s25;
	[tilespmem:s11+$0x2000] =	vst v15;
	v2 =	vld.idx.msk [tilespmem:v7+s2+$0x0], $0xffff;
	v7 =	vadd.s32 $0x400, v1  }
0xb4: {  	s28 =	simm.s32 $0x300;
	s24 =	sor.u32 s19, s7;
	v15 =	vld.idx.msk [tilespmem:v16+s2+$0x0], $0xffff;
	[tilespmem:s3+$0x0] =	vst v8  }
0xb5: {  	s29 =	simm.s32 $0x60;
	s10 =	sor.u32 s26, s10;
	s25 =	rddreg [dreg:$0x4];
	v9 =	vld.idx.msk [tilespmem:v9+s2+$0x0], $0xffff;
	[tilespmem:s24+$0x0] =	vst v10  }
0xb6: {  	s6 =	sor.u32 $0x380, s13;
	s23 =	sand.u32 $0x60, s29;
	v8 =	vadd.s32 $0xD80, v4;
	[tilespmem:s10+$0x0] =	vst v13;
	s24 =	sand.u32 $0xC00, s28;
	v10 =	vld.idx.msk [tilespmem:v11+s2+$0x0], $0xffff  }
0xb7: {  	s3 =	sor.u32 $0x5100, s31;
	v13 =	vadd.s32 $0x400, v12;
	v11 =	vld.idx.msk [tilespmem:v14+s2+$0x0], $0xffff;
	s9 =	sadd.s32 s24, s25;
	s25 =	sor.u32 $0x10, s23;
	[tilespmem:s6+$0x2000] =	vst v6  }
0xb8: {  	s0 =	sor.u32 s0, s1;
	s8 =	sor.u32 s30, s3;
	v6 =	vadd.s32 $0x900, v0;
	s12 =	sadd.s32 s25, s9;
	v7 =	vld.idx.msk [tilespmem:v7+s2+$0x0], $0xffff  }
0xb9: {  	v17 =	vadd.s32 $0xD00, v3;
	s0 =	sor.u32 $0x380, s0;
	s13 =	sadd.s32 s23, s9;
	[tilespmem:s8+$0x0] =	vst v2;
	v2 =	vld [tilespmem:s12+$0x0]  }
0xba: {  	s11 =	sor.u32 $0x4080, s18;
	v14 =	vadd.s32 $0x880, v5;
	s6 =	sor.u32 s17, s7;
	v28 =	vld [tilespmem:s13+$0x0];
	[tilespmem:s0+$0x2000] =	vst v15  }
0xbb: {  	v16 =	vadd.s32 $0x480, v1;
	s14 =	sor.u32 s19, s11;
	v8 =	vld.idx.msk [tilespmem:v8+s2+$0x0], $0xffff;
	[tilespmem:s6+$0x0] =	vst v9  }
0xbc: {  	s4 =	sor.u32 s26, s4;
	v9 =	vld.idx.msk [tilespmem:v13+s2+$0x0], $0xffff;
	[tilespmem:s14+$0x0] =	vst v10;
	v10 =	vadd.s32 $0xE00, v4  }
0xbd: {  	s7 =	sor.u32 $0x3000, s22;
	[tilespmem:s4+$0x0] =	vst v11;
	v6 =	vld.idx.msk [tilespmem:v6+s2+$0x0], $0xffff  }
0xbe: {  	s8 =	sor.u32 s21, s7;
	s12 =	sor.u32 $0x5180, s31;
	v13 =	vadd.s32 $0x980, v0;
	v15 =	vld.idx.msk [tilespmem:v17+s2+$0x0], $0xffff  }
0xbf: {  	s9 =	sor.u32 s30, s12;
	[tilespmem:s8+$0x0] =	vst v7;
	v7 =	vld.idx.msk [tilespmem:v14+s2+$0x0], $0xffff  }
0xc0: {  	s0 =	sor.u32 s20, s7;
	s4 =	sor.u32 $0x4100, s18;
	v14 =	vld.idx.msk [tilespmem:v16+s2+$0x0], $0xffff;
	[tilespmem:s9+$0x0] =	vst v8;
	v8 =	vadd.s32 $0x480, v12  }
0xc1: {  	v11 =	vadd.s32 $0x500, v1;
	s10 =	sor.u32 s19, s4;
	[tilespmem:s0+$0x0] =	vst v9;
	v10 =	vld.idx.msk [tilespmem:v10+s2+$0x0], $0xffff  }
0xc2: {  	s3 =	sor.u32 s26, s3;
	v17 =	vadd.s32 $0x900, v5;
	v16 =	vld.idx.msk [tilespmem:v2+s2+$0x0], $0xffff;
	[tilespmem:s10+$0x0] =	vst v6  }
0xc3: {  	s13 =	sor.u32 s17, s11;
	s0 =	sor.u32 $0x3080, s22;
	v6 =	vadd.s32 $0xE80, v4;
	[tilespmem:s3+$0x0] =	vst v15;
	v9 =	vld.idx.msk [tilespmem:v13+s2+$0x0], $0xffff  }
0xc4: {  	s7 =	sor.u32 $0x5200, s31;
	v18 =	vadd.s32 $0x80, v2;
	s14 =	sor.u32 s21, s0;
	v13 =	vld.idx.msk [tilespmem:v28+s2+$0x0], $0xffff;
	[tilespmem:s13+$0x0] =	vst v7  }
0xc5: {  	s8 =	sor.u32 s30, s7;
	s9 =	sor.u32 $0x2000, s24;
	v7 =	vld.idx.msk [tilespmem:v8+s2+$0x0], $0xffff;
	[tilespmem:s14+$0x0] =	vst v14;
	v8 =	vadd.s32 $0xA00, v0  }
0xc6: {  	s11 =	sor.u32 $0x4180, s18;
	s6 =	sor.u32 s25, s9;
	v14 =	vadd.s32 $0x80, v28;
	v11 =	vld.idx.msk [tilespmem:v11+s2+$0x0], $0xffff;
	[tilespmem:s8+$0x0] =	vst v10  }
0xc7: {  	s13 =	sor.u32 s19, s11;
	v10 =	vadd.s32 $0x500, v12;
	[tilespmem:s6+$0x0] =	vst v16;
	v16 =	vld.idx.msk [tilespmem:v17+s2+$0x0], $0xffff  }
0xc8: {  	s1 =	sor.u32 s23, s9;
	v15 =	vadd.s32 $0x580, v1;
	v6 =	vld.idx.msk [tilespmem:v6+s2+$0x0], $0xffff;
	[tilespmem:s13+$0x0] =	vst v9  }
0xc9: {  	s0 =	sor.u32 s20, s0;
	s14 =	sor.u32 $0x3100, s22;
	v17 =	vld.idx.msk [tilespmem:v18+s2+$0x0], $0xffff;
	v18 =	vadd.s32 $0x980, v5;
	[tilespmem:s1+$0x0] =	vst v13  }
0xca: {  	s8 =	sor.u32 s21, s14;
	v9 =	vadd.s32 $0xF00, v4;
	v8 =	vld.idx.msk [tilespmem:v8+s2+$0x0], $0xffff;
	[tilespmem:s0+$0x0] =	vst v7  }
0xcb: {  	s4 =	sor.u32 s17, s4;
	s3 =	sor.u32 $0x5280, s31;
	v13 =	vld.idx.msk [tilespmem:v14+s2+$0x0], $0xffff;
	v14 =	vadd.s32 $0x100, v2;
	[tilespmem:s8+$0x0] =	vst v11  }
0xcc: {  	s9 =	sor.u32 s30, s3;
	v11 =	vadd.s32 $0x100, v28;
	v7 =	vld.idx.msk [tilespmem:v10+s2+$0x0], $0xffff;
	[tilespmem:s4+$0x0] =	vst v16  }
0xcd: {  	v10 =	vadd.s32 $0xA80, v0;
	v15 =	vld.idx.msk [tilespmem:v15+s2+$0x0], $0xffff;
	s4 =	sor.u32 $0x4200, s18;
	[tilespmem:s9+$0x0] =	vst v6  }
0xce: {  	v6 =	vadd.s32 $0x580, v12;
	[tilespmem:s6+$0x80] =	vst v17;
	v17 =	vld.idx.msk [tilespmem:v18+s2+$0x0], $0xffff;
	s13 =	sor.u32 s19, s4  }
0xcf: {  	v16 =	vadd.s32 $0x600, v1;
	v9 =	vld.idx.msk [tilespmem:v9+s2+$0x0], $0xffff;
	[tilespmem:s13+$0x0] =	vst v8  }
0xd0: {  	s14 =	sor.u32 s20, s14;
	v4 =	vadd.s32 $0xF80, v4;
	s8 =	sor.u32 $0x3180, s22;
	v14 =	vld.idx.msk [tilespmem:v14+s2+$0x0], $0xffff;
	[tilespmem:s1+$0x80] =	vst v13  }
0xd1: {  	v8 =	vadd.s32 $0xA00, v5;
	s13 =	sor.u32 s21, s8;
	v11 =	vld.idx.msk [tilespmem:v11+s2+$0x0], $0xffff;
	[tilespmem:s14+$0x0] =	vst v7  }
0xd2: {  	s11 =	sor.u32 s17, s11;
	s0 =	sor.u32 $0x5300, s31;
	v13 =	vadd.s32 $0x180, v2;
	v10 =	vld.idx.msk [tilespmem:v10+s2+$0x0], $0xffff;
	[tilespmem:s13+$0x0] =	vst v15  }
0xd3: {  	s9 =	sor.u32 s30, s0;
	v15 =	vadd.s32 $0x180, v28;
	v6 =	vld.idx.msk [tilespmem:v6+s2+$0x0], $0xffff;
	[tilespmem:s11+$0x0] =	vst v17  }
0xd4: {  	v7 =	vadd.s32 $0xB00, v0;
	v16 =	vld.idx.msk [tilespmem:v16+s2+$0x0], $0xffff;
	[tilespmem:s9+$0x0] =	vst v9  }
0xd5: {  	s11 =	sor.u32 $0x4280, s18;
	v9 =	vadd.s32 $0x600, v12;
	v4 =	vld.idx.msk [tilespmem:v4+s2+$0x0], $0xffff;
	[tilespmem:s6+$0x100] =	vst v14  }
0xd6: {  	s14 =	sor.u32 s19, s11;
	v14 =	vadd.s32 $0x680, v1;
	v8 =	vld.idx.msk [tilespmem:v8+s2+$0x0], $0xffff;
	[tilespmem:s1+$0x100] =	vst v11  }
0xd7: {  	s10 =	sor.u32 s20, s8;
	s13 =	sor.u32 $0x3200, s22;
	v17 =	vadd.s32 $0xD80, v3;
	v13 =	vld.idx.msk [tilespmem:v13+s2+$0x0], $0xffff;
	[tilespmem:s14+$0x0] =	vst v10  }
0xd8: {  	v10 =	vadd.s32 $0xA80, v5;
	v11 =	vld.idx.msk [tilespmem:v15+s2+$0x0], $0xffff;
	s14 =	sor.u32 s21, s13;
	[tilespmem:s10+$0x0] =	vst v6;
	s10 =	sor.u32 $0x5380, s31  }
0xd9: {  	v15 =	vadd.s32 $0x200, v2;
	v7 =	vld.idx.msk [tilespmem:v7+s2+$0x0], $0xffff;
	[tilespmem:s14+$0x0] =	vst v16;
	s8 =	sor.u32 s30, s10  }
0xda: {  	s4 =	sor.u32 s17, s4;
	v16 =	vadd.s32 $0x200, v28;
	v6 =	vld.idx.msk [tilespmem:v9+s2+$0x0], $0xffff;
	[tilespmem:s8+$0x0] =	vst v4  }
0xdb: {  	v9 =	vadd.s32 $0xB80, v0;
	v14 =	vld.idx.msk [tilespmem:v14+s2+$0x0], $0xffff;
	[tilespmem:s4+$0x0] =	vst v8  }
0xdc: {  	v4 =	vadd.s32 $0x680, v12;
	s4 =	sor.u32 $0x4300, s18;
	v8 =	vld.idx.msk [tilespmem:v17+s2+$0x0], $0xffff;
	[tilespmem:s6+$0x180] =	vst v13  }
0xdd: {  	v13 =	vadd.s32 $0x700, v1;
	s9 =	sor.u32 s19, s4;
	v10 =	vld.idx.msk [tilespmem:v10+s2+$0x0], $0xffff;
	[tilespmem:s1+$0x180] =	vst v11  }
0xde: {  	s13 =	sor.u32 s20, s13;
	s31 =	sor.u32 $0x3280, s22;
	v17 =	vadd.s32 $0xE00, v3;
	v15 =	vld.idx.msk [tilespmem:v15+s2+$0x0], $0xffff;
	[tilespmem:s9+$0x0] =	vst v7  }
0xdf: {  	s8 =	sor.u32 s21, s31;
	v7 =	vadd.s32 $0xB00, v5;
	v16 =	vld.idx.msk [tilespmem:v16+s2+$0x0], $0xffff;
	[tilespmem:s13+$0x0] =	vst v6  }
0xe0: {  	v35 =	vadd.s32 $0xF80, v3;
	s12 =	sor.u32 s26, s12;
	v18 =	vadd.s32 $0x280, v2;
	v9 =	vld.idx.msk [tilespmem:v9+s2+$0x0], $0xffff;
	[tilespmem:s8+$0x0] =	vst v14  }
0xe1: {  	s11 =	sor.u32 s17, s11;
	v11 =	vadd.s32 $0xE80, v3;
	v6 =	vadd.s32 $0xF00, v3;
	v3 =	vld.idx.msk [tilespmem:v4+s2+$0x0], $0xffff;
	v4 =	vadd.s32 $0xC00, v0;
	[tilespmem:s12+$0x0] =	vst v8  }
0xe2: {  	v19 =	vadd.s32 $0xB80, v5;
	v24 =	vadd.s32 $0xC00, v5;
	v13 =	vld.idx.msk [tilespmem:v13+s2+$0x0], $0xffff;
	[tilespmem:s11+$0x0] =	vst v10  }
0xe3: {  	v36 =	vadd.s32 $0xC80, v5;
	v33 =	vadd.s32 $0xD00, v5;
	v63 =	vadd.s32 $0xD80, v5;
	s12 =	sor.u32 $0x4380, s18;
	v17 =	vld.idx.msk [tilespmem:v17+s2+$0x0], $0xffff;
	[tilespmem:s6+$0x200] =	vst v15  }
0xe4: {  	v58 =	vadd.s32 $0xE00, v5;
	v23 =	vadd.s32 $0xE80, v5;
	v14 =	vadd.s32 $0x280, v28;
	s9 =	sor.u32 s19, s12;
	v7 =	vld.idx.msk [tilespmem:v7+s2+$0x0], $0xffff;
	[tilespmem:s1+$0x200] =	vst v16  }
0xe5: {  	v22 =	vadd.s32 $0xF00, v5;
	v21 =	vadd.s32 $0xF80, v5;
	v8 =	vadd.s32 $0x980, v12;
	v5 =	vld.idx.msk [tilespmem:v18+s2+$0x0], $0xffff;
	[tilespmem:s9+$0x0] =	vst v9  }
0xe6: {  	v20 =	vadd.s32 $0x700, v12;
	s14 =	sor.u32 $0x3300, s22;
	s13 =	sor.u32 s20, s31;
	v4 =	vld.idx.msk [tilespmem:v4+s2+$0x0], $0xffff;
	[tilespmem:$0x1FF70] =	vst v8  }
0xe7: {  	s31 =	sor.u32 s21, s14;
	v15 =	vadd.s32 $0x780, v1;
	[tilespmem:s13+$0x0] =	vst v3  }
0xe8: {  	[tilespmem:s31+$0x0] =	vst v13;
	v3 =	vadd.s32 $0xA00, v12  }
0xe9: {  	v29 =	vld.idx.msk [tilespmem:v14+s2+$0x0], $0xffff;
	[tilespmem:$0x1FF80] =	vst v3;
	v3 =	vadd.s32 $0xA80, v12  }
0xea: {  	s7 =	sor.u32 s26, s7;
	[tilespmem:$0x1FF90] =	vst v3  }
0xeb: {  	v31 =	vadd.s32 $0xC80, v0;
	v30 =	vadd.s32 $0x300, v2;
	s4 =	sor.u32 s17, s4;
	v3 =	vld.idx.msk [tilespmem:v20+s2+$0x0], $0xffff;
	[tilespmem:s7+$0x0] =	vst v17  }
0xec: {  	v26 =	vadd.s32 $0x780, v12;
	v32 =	vadd.s32 $0x300, v28;
	v15 =	vld.idx.msk [tilespmem:v15+s2+$0x0], $0xffff;
	[tilespmem:s4+$0x0] =	vst v7;
	v7 =	vadd.s32 $0xD80, v12  }
0xed: {  	v51 =	vadd.s32 $0x800, v12;
	v39 =	vadd.s32 $0x880, v12;
	v37 =	vadd.s32 $0x900, v12;
	v17 =	vld.idx.msk [tilespmem:v11+s2+$0x0], $0xffff;
	[tilespmem:$0x1FFA0] =	vst v7  }
0xee: {  	v60 =	vadd.s32 $0xB00, v12;
	v34 =	vadd.s32 $0xB80, v12;
	v27 =	vadd.s32 $0xC00, v12;
	s7 =	sor.u32 $0x5000, s18;
	[tilespmem:s6+$0x280] =	vst v5  }
0xef: {  	v25 =	vadd.s32 $0xC80, v12;
	v18 =	vadd.s32 $0xE00, v12;
	v16 =	vadd.s32 $0xE80, v12;
	v19 =	vld.idx.msk [tilespmem:v19+s2+$0x0], $0xffff;
	s6 =	sor.u32 s19, s7;
	[tilespmem:s1+$0x280] =	vst v29  }
0xf0: {  	s8 =	sor.u32 s20, s14;
	v14 =	vadd.s32 $0xF00, v12;
	v13 =	vadd.s32 $0xF80, v12;
	v20 =	vadd.s32 $0xD00, v12;
	v12 =	vld.idx.msk [tilespmem:v30+s2+$0x0], $0xffff;
	[tilespmem:s6+$0x0] =	vst v4  }
0xf1: {  	v5 =	vadd.s32 $0x800, v1;
	v52 =	vld.idx.msk [tilespmem:v32+s2+$0x0], $0xffff;
	[tilespmem:s8+$0x0] =	vst v3;
	v3 =	vadd.s32 $0x600, v28  }
0xf2: {  	s11 =	sor.u32 $0x3380, s22;
	v30 =	vld.idx.msk [tilespmem:v31+s2+$0x0], $0xffff;
	[tilespmem:$0x1FFB0] =	vst v3;
	v3 =	vadd.s32 $0x680, v28  }
0xf3: {  	s14 =	sor.u32 s21, s11;
	[tilespmem:$0x1FFC0] =	vst v3  }
0xf4: {  	s3 =	sor.u32 s26, s3;
	s30 =	simm.s32 $0x3;
	[tilespmem:s14+$0x0] =	vst v15  }
0xf5: {  	s9 =	sand.u32 $0x3, s30;
	v3 =	vadd.s32 $0x980, v28;
	v54 =	vld.idx.msk [tilespmem:v26+s2+$0x0], $0xffff;
	[tilespmem:s3+$0x0] =	vst v17  }
0xf6: {  	v50 =	vadd.s32 $0x380, v28;
	v49 =	vadd.s32 $0x400, v28;
	v53 =	vadd.s32 $0x380, v2;
	s13 =	sshll.u32 s9, $0x5;
	s31 =	sor.u32 s17, s12;
	v55 =	vld.idx.msk [tilespmem:v5+s2+$0x0], $0xffff;
	[tilespmem:$0x1FFD0] =	vst v3  }
0xf7: {  	v47 =	vadd.s32 $0x480, v28;
	s6 =	sadd.s32 $0x300, s13;
	v4 =	vadd.s32 $0xA00, v28;
	v15 =	vadd.s32 $0xD00, v0;
	[tilespmem:s31+$0x0] =	vst v19  }
0xf8: {  	v46 =	vadd.s32 $0x500, v28;
	v42 =	vadd.s32 $0x580, v28;
	s1 =	sadd.s32 $0x10, s6;
	v3 =	vld.idx.msk [tilespmem:v6+s2+$0x0], $0xffff;
	[tilespmem:$0x1FFE0] =	vst v4;
	v4 =	vadd.s32 $0xA80, v28  }
0xf9: {  	v45 =	vadd.s32 $0x700, v28;
	v38 =	vadd.s32 $0x780, v28;
	v48 =	vadd.s32 $0x880, v28;
	s9 =	sor.u32 $0x5080, s18;
	s8 =	sor.u32 $0x300, s1;
	[tilespmem:$0x1FFF0] =	vst v4  }
0xfa: {  	v44 =	vadd.s32 $0x900, v28;
	v43 =	vadd.s32 $0xC80, v28;
	s12 =	sor.u32 s19, s9;
	v11 =	vadd.s32 $0xC00, v28;
	[tilespmem:s8+$0x2000] =	vst v12;
	v4 =	vld.idx.msk [tilespmem:v24+s2+$0x0], $0xffff  }
0xfb: {  	s11 =	sor.u32 s20, s11;
	v29 =	vadd.s32 $0xD80, v28;
	v32 =	vadd.s32 $0xB00, v28;
	v31 =	vadd.s32 $0x800, v28;
	s6 =	sor.u32 $0x300, s6;
	[tilespmem:s12+$0x0] =	vst v30;
	v6 =	vld.idx.msk [tilespmem:v53+s2+$0x0], $0xffff  }
0xfc: {  	s13 =	sor.u32 s28, s29;
	v26 =	vadd.s32 $0xB80, v28;
	s14 =	sor.u32 $0x4000, s22;
	v17 =	vadd.s32 $0xE80, v28;
	s3 =	sor.u32 s17, s7;
	v19 =	vadd.s32 $0xE00, v28;
	[tilespmem:s6+$0x2000] =	vst v52;
	v5 =	vld.idx.msk [tilespmem:v15+s2+$0x0], $0xffff  }
0xfd: {  	s7 =	sor.u32 s17, s9;
	s4 =	sor.u32 s20, s14;
	s31 =	sor.u32 s21, s14;
	v12 =	vadd.s32 $0xD00, v28;
	[tilespmem:s11+$0x0] =	vst v54;
	v54 =	vadd.s32 $0x400, v2;
	v15 =	vadd.s32 $0xF00, v28;
	v50 =	vld.idx.msk [tilespmem:v50+s2+$0x0], $0xffff  }
0xfe: {  	s12 =	sor.u32 s26, s0;
	s0 =	sor.u32 s26, s10;
	s26 =	sor.u32 $0x380, s13;
	v28 =	vadd.s32 $0xF80, v28;
	[tilespmem:s31+$0x0] =	vst v55;
	v55 =	vadd.s32 $0x880, v1;
	v52 =	vld.idx.msk [tilespmem:v51+s2+$0x0], $0xffff;
	v53 =	vadd.s32 $0xD80, v0  }
.LBB2_3:
0xff: {  	[tilespmem:$0x1FEE0] =	vst v26  }
0x100: {  	[tilespmem:$0x1FF50] =	vst v31  }
0x101: {  	[tilespmem:$0x1FF20] =	vst v11  }
0x102: {  	[tilespmem:$0x1FEC0] =	vst v23  }
0x103: {  	[tilespmem:s12+$0x0] =	vst v3  }
0x104: {  	v8 =	vmov v21;
	[tilespmem:s3+$0x0] =	vst v4  }
0x105: {  	v7 =	vmov v28;
	[tilespmem:$0x1FF10] =	vst v8  }
0x106: {  	v3 =	vmov v43;
	[tilespmem:$0x1FF30] =	vst v7  }
0x107: {  	v51 =	vld.idx.msk [tilespmem:v55+s2+$0x0], $0xffff;
	s1 =	sor.u32 $0x380, s1;
	s11 =	sor.u32 $0x5100, s18;
	[tilespmem:$0x1FF00] =	vst v3  }
0x108: {  	s28 =	sadd.s32 $0x100, s28;
	s8 =	sor.u32 s19, s11;
	[tilespmem:s1+$0x2000] =	vst v6;
	v4 =	vld.idx.msk [tilespmem:v35+s2+$0x0], $0xffff  }
0x109: {  	s10 =	rddreg [dreg:$0x4];
	s29 =	sadd.s32 $0x20, s29;
	s3 =	sand.u32 $0xC00, s28;
	v56 =	vld.idx.msk [tilespmem:v54+s2+$0x0], $0xffff;
	[tilespmem:s8+$0x0] =	vst v5  }
0x10a: {  	s14 =	sor.u32 $0x4080, s22;
	s6 =	sand.u32 $0x60, s29;
	v28 =	vld.idx.msk [tilespmem:v36+s2+$0x0], $0xffff;
	s10 =	sadd.s32 s3, s10;
	v6 =	vadd.s32 $0x900, v1;
	[tilespmem:s26+$0x2000] =	vst v50  }
0x10b: {  	s13 =	sor.u32 s28, s29;
	s1 =	sor.u32 $0x10, s6;
	s9 =	sadd.s32 s6, s10;
	v8 =	vmov v48;
	v5 =	vld.idx.msk [tilespmem:v53+s2+$0x0], $0xffff;
	[tilespmem:s4+$0x0] =	vst v52  }
0x10c: {  	v57 =	vadd.s32 $0x480, v2;
	s10 =	sadd.s32 s1, s10;
	s26 =	sor.u32 $0x380, s13;
	s13 =	sor.u32 s21, s14;
	[tilespmem:$0x1FED0] =	vst v8;
	v7 =	vld [tilespmem:s9+$0x0]  }
0x10d: {  	v3 =	vld [tilespmem:s10+$0x0];
	s4 =	sor.u32 s20, s14;
	[tilespmem:s13+$0x0] =	vst v51;
	s14 =	sor.u32 $0x3000, s24  }
0x10e: {  	v59 =	vadd.s32 $0xE00, v0;
	s8 =	sor.u32 s25, s14;
	[tilespmem:s0+$0x0] =	vst v4  }
0x10f: {  	s9 =	sor.u32 $0x5180, s18;
	v6 =	vld.idx.msk [tilespmem:v6+s2+$0x0], $0xffff;
	[tilespmem:s8+$0x0] =	vst v56  }
0x110: {  	s10 =	sor.u32 s17, s11;
	s11 =	sor.u32 s19, s9;
	v4 =	vld.idx.msk [tilespmem:v49+s2+$0x0], $0xffff;
	[tilespmem:s7+$0x0] =	vst v28  }
0x111: {  	v43 =	vadd.s32 $0x980, v1;
	v48 =	vld.idx.msk [tilespmem:v57+s2+$0x0], $0xffff;
	[tilespmem:s11+$0x0] =	vst v5;
	v9 =	vadd.s32 $0x300, v7  }
0x112: {  	v23 =	vmov v13;
	v28 =	vld.idx.msk [tilespmem:v39+s2+$0x0], $0xffff;
	v13 =	vadd.s32 $0x800, v7;
	[tilespmem:$0x1FEF0] =	vst v9  }
0x113: {  	s13 =	sor.u32 $0x4100, s22;
	v57 =	vadd.s32 $0x500, v2;
	v54 =	vld.idx.msk [tilespmem:v59+s2+$0x0], $0xffff;
	v9 =	vadd.s32 $0x380, v7;
	[tilespmem:$0x1FF60] =	vst v13  }
0x114: {  	v40 =	vmov v32;
	v32 =	vmov v12;
	v12 =	vadd.s32 $0xA00, v1;
	s11 =	sor.u32 s21, s13;
	v59 =	vld.idx.msk [tilespmem:v33+s2+$0x0], $0xffff;
	[tilespmem:$0x1FF40] =	vst v9  }
0x115: {  	v26 =	vmovc v58;
	s31 =	sor.u32 s23, s14;
	s14 =	sor.u32 $0x3080, s24;
	v11 =	vadd.s32 $0x80, v3;
	v5 =	vadd.s32 $0x80, v7;
	v30 =	vld.idx.msk [tilespmem:v3+s2+$0x0], $0xffff;
	[tilespmem:s11+$0x0] =	vst v6;
	v6 =	vadd.s32 $0xE80, v0  }
0x116: {  	v36 =	vmovc v29;
	v29 =	vmovc v63;
	v8 =	vadd.s32 $0x100, v7;
	v63 =	vadd.s32 $0x180, v7;
	v58 =	vadd.s32 $0x200, v7;
	s11 =	sor.u32 s25, s14;
	v43 =	vld.idx.msk [tilespmem:v43+s2+$0x0], $0xffff;
	[tilespmem:s31+$0x0] =	vst v4  }
0x117: {  	v31 =	vmovc v15;
	v35 =	vmovc v25;
	v55 =	vadd.s32 $0x280, v7;
	v49 =	vadd.s32 $0x400, v7;
	v33 =	vadd.s32 $0x480, v7;
	s31 =	sor.u32 $0x5200, s18;
	[tilespmem:s11+$0x0] =	vst v48;
	v61 =	vld.idx.msk [tilespmem:v7+s2+$0x0], $0xffff  }
0x118: {  	v52 =	vmovc v38;
	v38 =	vmovc v60;
	v10 =	vadd.s32 $0x580, v7;
	v60 =	vadd.s32 $0x680, v7;
	v56 =	vadd.s32 $0x700, v7;
	[tilespmem:s4+$0x0] =	vst v28;
	s4 =	sor.u32 s19, s31;
	v13 =	vld.idx.msk [tilespmem:v57+s2+$0x0], $0xffff  }
0x119: {  	v50 =	vmovc v20;
	v25 =	vmovc v14;
	s12 =	sor.u32 s23, s14;
	s8 =	sor.u32 $0x2000, s3;
	v53 =	vadd.s32 $0x780, v7;
	v14 =	vadd.s32 $0x980, v7;
	v15 =	vadd.s32 $0xA00, v7;
	v28 =	vld.idx.msk [tilespmem:v47+s2+$0x0], $0xffff;
	[tilespmem:s4+$0x0] =	vst v54  }
0x11a: {  	v51 =	vmovc v27;
	v27 =	vmovc v16;
	s7 =	sor.u32 s17, s9;
	s9 =	sor.u32 $0x4180, s22;
	v62 =	vadd.s32 $0xB00, v7;
	v41 =	vadd.s32 $0xD00, v7;
	v20 =	vadd.s32 $0xD80, v7;
	s14 =	sor.u32 s1, s8;
	[tilespmem:s10+$0x0] =	vst v59;
	v16 =	vld.idx.msk [tilespmem:v6+s2+$0x0], $0xffff  }
0x11b: {  	v9 =	vadd.s32 $0x500, v7;
	v47 =	vmovc v33;
	v33 =	vmovc v17;
	v17 =	vadd.s32 $0x580, v2;
	s4 =	sor.u32 s21, s9;
	[tilespmem:s14+$0x0] =	vst v30;
	v30 =	vmov v18;
	v18 =	vld.idx.msk [tilespmem:v37+s2+$0x0], $0xffff  }
0x11c: {  	s0 =	sor.u32 s20, s13;
	v4 =	vadd.s32 $0x600, v7;
	v48 =	vadd.s32 $0x880, v7;
	s13 =	sor.u32 s17, s31;
	s31 =	sor.u32 s6, s8;
	v57 =	vadd.s32 $0x900, v7;
	v11 =	vld.idx.msk [tilespmem:v11+s2+$0x0], $0xffff;
	[tilespmem:s4+$0x0] =	vst v43  }
0x11d: {  	s8 =	sor.u32 $0x3100, s24;
	v59 =	vadd.s32 $0xB80, v7;
	v54 =	vadd.s32 $0xC00, v7;
	v37 =	vmovc v34;
	v34 =	vmovc v19;
	v19 =	vadd.s32 $0xF00, v0;
	v12 =	vld.idx.msk [tilespmem:v12+s2+$0x0], $0xffff;
	[tilespmem:s31+$0x0] =	vst v61  }
0x11e: {  	v39 =	vmovc v44;
	v44 =	vmovc v57;
	v57 =	vadd.s32 $0xF00, v7;
	v6 =	vadd.s32 $0xA80, v7;
	v43 =	vadd.s32 $0xC80, v7;
	s4 =	sor.u32 s25, s8;
	v21 =	vld.idx.msk [tilespmem:v5+s2+$0x0], $0xffff;
	[tilespmem:s12+$0x0] =	vst v28  }
0x11f: {  	v61 =	vadd.s32 $0xE80, v7;
	[tilespmem:s4+$0x0] =	vst v13;
	v5 =	vadd.s32 $0xE00, v7;
	s12 =	sor.u32 s23, s8;
	s8 =	sor.u32 $0x5280, s18;
	v28 =	vadd.s32 $0xF80, v7;
	v7 =	vld.idx.msk [tilespmem:v46+s2+$0x0], $0xffff  }
0x120: {  	s11 =	sor.u32 s20, s9;
	s9 =	sor.u32 s19, s8;
	v46 =	vmov v9;
	v9 =	vld.idx.msk [tilespmem:v17+s2+$0x0], $0xffff  }
0x121: {  	v17 =	vld [tilespmem:$0x1FF70];
	[tilespmem:s9+$0x0] =	vst v16  }
0x122: {  	v16 =	vld.idx.msk [tilespmem:v19+s2+$0x0], $0xffff  }
0x123: {  	v19 =	vld [tilespmem:$0x1FFD0];
	_ =	sdelay $0x2  }
0x124: {  	v24 =	vmov v22;
	v22 =	vadd.s32 $0x100, v3  }
0x125: {  	[tilespmem:s0+$0x0] =	vst v18  }
0x126: {  	[tilespmem:s14+$0x80] =	vst v11;
	v18 =	vmov v19  }
0x127: {  	v13 =	vadd.s32 $0xA80, v1;
	s10 =	sor.u32 s17, s8;
	s8 =	sor.u32 $0x4200, s22;
	[tilespmem:$0x1FF70] =	vst v18  }
0x128: {  	s0 =	sor.u32 s21, s8;
	v11 =	vadd.s32 $0x600, v2;
	v17 =	vld.idx.msk [tilespmem:v17+s2+$0x0], $0xffff;
	[tilespmem:s31+$0x80] =	vst v21  }
0x129: {  	v18 =	vmov v14;
	v14 =	vld.idx.msk [tilespmem:v22+s2+$0x0], $0xffff;
	[tilespmem:s0+$0x0] =	vst v12;
	v12 =	vadd.s32 $0xF80, v0  }
0x12a: {  	s4 =	sor.u32 s20, s8;
	s9 =	sor.u32 $0x3180, s24;
	v8 =	vld.idx.msk [tilespmem:v8+s2+$0x0], $0xffff;
	[tilespmem:s12+$0x0] =	vst v7  }
0x12b: {  	s8 =	sor.u32 s23, s9;
	s0 =	sor.u32 s25, s9;
	s9 =	sor.u32 $0x5300, s18;
	v7 =	vld.idx.msk [tilespmem:v42+s2+$0x0], $0xffff  }
0x12c: {  	v0 =	vmov v1;
	v1 =	vmov v2;
	v2 =	vmov v3;
	v3 =	vld.idx.msk [tilespmem:v13+s2+$0x0], $0xffff;
	[tilespmem:s0+$0x0] =	vst v9;
	s12 =	sor.u32 s17, s9;
	s9 =	sor.u32 s19, s9  }
0x12d: {  	v42 =	vmov v10;
	v10 =	vld.idx.msk [tilespmem:v11+s2+$0x0], $0xffff;
	[tilespmem:s9+$0x0] =	vst v16  }
0x12e: {  	v11 =	vld.idx.msk [tilespmem:v12+s2+$0x0], $0xffff  }
0x12f: {  	[tilespmem:s14+$0x100] =	vst v14;
	v14 =	vld [tilespmem:$0x1FF80]  }
0x130: {  	v13 =	vadd.s32 $0x180, v2  }
0x131: {  	v9 =	vadd.s32 $0xB00, v0;
	_ =	sdelay $0x1  }
0x132: {  	s9 =	sor.u32 $0x4280, s22;
	[tilespmem:s11+$0x0] =	vst v17;
	v17 =	vld [tilespmem:$0x1FFE0]  }
0x133: {  	s0 =	sor.u32 s21, s9  }
0x134: {  	v13 =	vld.idx.msk [tilespmem:v13+s2+$0x0], $0xffff;
	[tilespmem:s0+$0x0] =	vst v3  }
0x135: {  	s11 =	sor.u32 s20, s9;
	s9 =	sor.u32 $0x3200, s24;
	v12 =	vadd.s32 $0x680, v1;
	v3 =	vld.idx.msk [tilespmem:v9+s2+$0x0], $0xffff  }
0x136: {  	s0 =	sor.u32 s25, s9;
	v14 =	vld.idx.msk [tilespmem:v14+s2+$0x0], $0xffff;
	[tilespmem:s31+$0x100] =	vst v8  }
0x137: {  	[tilespmem:s0+$0x0] =	vst v10;
	v16 =	vmov v17;
	v8 =	vld.idx.msk [tilespmem:v63+s2+$0x0], $0xffff  }
0x138: {  	s18 =	sor.u32 $0x5380, s18;
	[tilespmem:s8+$0x0] =	vst v7;
	v7 =	vld [tilespmem:$0x1FFB0]  }
0x139: {  	[tilespmem:$0x1FF80] =	vst v16;
	s8 =	sor.u32 s23, s9;
	s9 =	sor.u32 s19, s18  }
0x13a: {  	v16 =	vmov v15;
	v15 =	vmov v4;
	v4 =	vld.idx.msk [tilespmem:v12+s2+$0x0], $0xffff;
	[tilespmem:s9+$0x0] =	vst v11  }
0x13b: {  	[tilespmem:s14+$0x180] =	vst v13;
	v13 =	vld [tilespmem:$0x1FF90];
	_ =	sdelay $0x2  }
0x13c: {  	v12 =	vld [tilespmem:$0x1FFA0]  }
0x13d: {  	[tilespmem:$0x1FFB0] =	vst v15;
	v15 =	vld [tilespmem:$0x1FFF0]  }
0x13e: {  	v7 =	vld.idx.msk [tilespmem:v7+s2+$0x0], $0xffff  }
0x13f: {  	[tilespmem:s4+$0x0] =	vst v14  }
0x140: {  	v9 =	vadd.s32 $0x200, v2;
	v11 =	vld.idx.msk [tilespmem:v29+s2+$0x0], $0xffff  }
0x141: {  	v13 =	vld.idx.msk [tilespmem:v13+s2+$0x0], $0xffff;
	[tilespmem:s31+$0x180] =	vst v8  }
0x142: {  	s0 =	sor.u32 s17, s18;
	v14 =	vmov v15;
	v8 =	vld.idx.msk [tilespmem:v58+s2+$0x0], $0xffff  }
0x143: {  	v10 =	vadd.s32 $0xB80, v0;
	s17 =	smov.u32 s20;
	s20 =	smov.u32 s23;
	s18 =	smov.u32 s22;
	v63 =	vmov v12;
	v12 =	vmov v36;
	[tilespmem:s8+$0x0] =	vst v7;
	v7 =	vld [tilespmem:$0x1FFC0]  }
0x144: {  	s23 =	smov.u32 s6;
	s22 =	smov.u32 s24;
	s19 =	sor.u32 $0x4300, s18;
	[tilespmem:$0x1FFA0] =	vst v12  }
0x145: {  	s24 =	smov.u32 s3;
	s6 =	sor.u32 $0x3280, s22;
	s3 =	sor.u32 s17, s19;
	v12 =	vadd.s32 $0x700, v1;
	[tilespmem:$0x1FF90] =	vst v14;
	v14 =	vmov v6;
	v6 =	vld.idx.msk [tilespmem:v9+s2+$0x0], $0xffff  }
0x146: {  	s4 =	sor.u32 s21, s19;
	s19 =	smov.u32 s21;
	s21 =	smov.u32 s25  }
0x147: {  	s25 =	smov.u32 s1;
	s1 =	sor.u32 s21, s6;
	[tilespmem:s4+$0x0] =	vst v3;
	v9 =	vadd.s32 $0x280, v2  }
0x148: {  	v3 =	vld.idx.msk [tilespmem:v10+s2+$0x0], $0xffff;
	[tilespmem:s1+$0x0] =	vst v4;
	v10 =	vmov v60  }
0x149: {  	[tilespmem:$0x1FFC0] =	vst v10  }
0x14a: {  	v4 =	vadd.s32 $0xC00, v0;
	v10 =	vld.idx.msk [tilespmem:v12+s2+$0x0], $0xffff;
	[tilespmem:s14+$0x200] =	vst v6  }
0x14b: {  	v7 =	vld.idx.msk [tilespmem:v7+s2+$0x0], $0xffff;
	[tilespmem:s7+$0x0] =	vst v11;
	s7 =	sor.u32 $0x4380, s18  }
0x14c: {  	v19 =	vmov v5;
	v5 =	vadd.s32 $0x780, v1;
	v9 =	vld.idx.msk [tilespmem:v9+s2+$0x0], $0xffff;
	[tilespmem:s11+$0x0] =	vst v13;
	s1 =	sor.u32 s19, s7  }
0x14d: {  	v11 =	vld.idx.msk [tilespmem:v26+s2+$0x0], $0xffff;
	[tilespmem:s1+$0x0] =	vst v3  }
0x14e: {  	s8 =	sor.u32 $0x3300, s22;
	v6 =	vld.idx.msk [tilespmem:v38+s2+$0x0], $0xffff;
	[tilespmem:s31+$0x200] =	vst v8;
	v8 =	vadd.s32 $0x300, v2  }
0x14f: {  	s1 =	sor.u32 s21, s8;
	v3 =	vld.idx.msk [tilespmem:v4+s2+$0x0], $0xffff  }
0x150: {  	s9 =	sor.u32 s20, s6;
	v4 =	vld.idx.msk [tilespmem:v55+s2+$0x0], $0xffff;
	[tilespmem:s1+$0x0] =	vst v10  }
0x151: {  	v5 =	vld.idx.msk [tilespmem:v5+s2+$0x0], $0xffff;
	[tilespmem:s9+$0x0] =	vst v7  }
0x152: {  	[tilespmem:s14+$0x280] =	vst v9;
	v7 =	vld.idx.msk [tilespmem:v45+s2+$0x0], $0xffff  }
0x153: {  	s11 =	sor.u32 $0x5000, s18;
	[tilespmem:s13+$0x0] =	vst v11;
	v8 =	vld.idx.msk [tilespmem:v8+s2+$0x0], $0xffff  }
0x154: {  	s1 =	sor.u32 s19, s11;
	[tilespmem:s3+$0x0] =	vst v6;
	v6 =	vld [tilespmem:$0x1FEC0]  }
0x155: {  	[tilespmem:s1+$0x0] =	vst v3;
	v3 =	vld [tilespmem:$0x1FEF0]  }
0x156: {  	v10 =	vadd.s32 $0xC80, v0;
	_ =	sdelay $0x1  }
0x157: {  	v12 =	vld [tilespmem:$0x1FEE0]  }
0x158: {  	s30 =	sadd.s32 $0x1, s30;
	v9 =	vadd.s32 $0x800, v1;
	s14 =	sor.u32 $0x3380, s22  }
0x159: {  	[tilespmem:$0x1FFD0] =	vst v18;
	s4 =	sor.u32 s17, s7;
	s7 =	sor.u32 s21, s14;
	s13 =	sand.u32 $0x3, s30;
	v11 =	vld.idx.msk [tilespmem:v37+s2+$0x0], $0xffff  }
0x15a: {  	s1 =	sshll.u32 s13, $0x5;
	v10 =	vld.idx.msk [tilespmem:v10+s2+$0x0], $0xffff;
	[tilespmem:s7+$0x0] =	vst v5  }
0x15b: {  	s9 =	sor.u32 s20, s8;
	s1 =	sadd.s32 s1, s28;
	v6 =	vld.idx.msk [tilespmem:v6+s2+$0x0], $0xffff;
	[tilespmem:s31+$0x280] =	vst v4  }
0x15c: {  	v18 =	vmov v34;
	v34 =	vmov v12;
	v12 =	vld.idx.msk [tilespmem:v3+s2+$0x0], $0xffff;
	[tilespmem:s9+$0x0] =	vst v7;
	s9 =	sor.u32 $0x300, s1;
	s1 =	sadd.s32 $0x10, s1  }
0x15d: {  	s3 =	sor.u32 s17, s11;
	v9 =	vld.idx.msk [tilespmem:v9+s2+$0x0], $0xffff;
	s11 =	sor.u32 $0x300, s1  }
0x15e: {  	[tilespmem:s11+$0x2000] =	vst v8;
	v8 =	vld [tilespmem:$0x1FF40];
	_ =	sdelay $0x3  }
0x15f: {  	v7 =	vld.idx.msk [tilespmem:v52+s2+$0x0], $0xffff;
	[tilespmem:s10+$0x0] =	vst v6  }
0x160: {  	[tilespmem:s4+$0x0] =	vst v11  }
0x161: {  	v3 =	vld.idx.msk [tilespmem:v24+s2+$0x0], $0xffff  }
0x162: {  	v4 =	vld.idx.msk [tilespmem:v51+s2+$0x0], $0xffff;
	[tilespmem:s9+$0x2000] =	vst v12  }
0x163: {  	[tilespmem:$0x1FFE0] =	vst v16;
	v16 =	vmov v33;
	v33 =	vmov v50;
	s31 =	sor.u32 s20, s14;
	v50 =	vld.idx.msk [tilespmem:v8+s2+$0x0], $0xffff  }
0x164: {  	[tilespmem:s31+$0x0] =	vst v7;
	v7 =	vld [tilespmem:$0x1FF50];
	_ =	sdelay $0x5  }
0x165: {  	v22 =	vmov v25;
	v25 =	vld [tilespmem:$0x1FF00]  }
0x166: {  	v13 =	vadd.s32 $0x380, v2;
	v6 =	vld [tilespmem:$0x1FF20]  }
0x167: {  	v52 =	vld.idx.msk [tilespmem:v7+s2+$0x0], $0xffff  }
0x168: {  	p1 =	slt.u32 s29, $0x1E0;
	v5 =	vadd.s32 $0xD00, v0;
	v7 =	vld [tilespmem:$0x1FF60]  }
.Ltmp0:
0x169: {  	v21 =	vmov v23;
	v36 =	vmov v35;
	v35 =	vld [tilespmem:$0x1FF10];
	(pc) =	sbr.rel @p1 .LBB2_3-.Ltmp0, $4  }
0x16a: {  	v23 =	vmovc v27;
	v17 =	vmovc v61;
	v15 =	vmov v57;
	v29 =	vmov v20;
	s13 =	sor.u32 $0x5080, s18;
	v37 =	vmov v39;
	v39 =	vld [tilespmem:$0x1FED0]  }
0x16b: {  	v20 =	vmovc v32;
	v32 =	vmovc v62;
	v58 =	vmov v30;
	[tilespmem:$0x1FFF0] =	vst v14;
	v60 =	vmov v40;
	s14 =	sor.u32 $0x4000, s22;
	s4 =	sor.u32 s19, s13;
	v27 =	vmov v6;
	v6 =	vld.idx.msk [tilespmem:v13+s2+$0x0], $0xffff  }
0x16c: {  	v14 =	vmovc v31;
	v26 =	vmovc v59;
	v38 =	vmov v53;
	v53 =	vadd.s32 $0xD80, v0;
	v55 =	vadd.s32 $0x880, v1;
	v13 =	vld [tilespmem:$0x1FF30];
	[tilespmem:s4+$0x0] =	vst v10;
	s31 =	sor.u32 s21, s14  }
0x16d: {  	v45 =	vmovc v56;
	s7 =	sor.u32 s17, s13;
	v11 =	vmovc v54;
	v54 =	vadd.s32 $0x400, v2;
	v12 =	vmov v41;
	s4 =	sor.u32 s20, s14;
	v5 =	vld.idx.msk [tilespmem:v5+s2+$0x0], $0xffff;
	[tilespmem:s31+$0x0] =	vst v9;
	v31 =	vmov v7  }
0x16e: {  	_ =	sdelay $0x2  }
0x16f: {  	[tilespmem:s12+$0x0] =	vst v3  }
0x170: {  	v3 =	vld.idx.msk [tilespmem:v55+s2+$0x0], $0xffff;
	s6 =	sor.u32 $0x380, s1;
	[tilespmem:s26+$0x2000] =	vst v50  }
0x171: {  	v9 =	vld.idx.msk [tilespmem:v49+s2+$0x0], $0xffff;
	[tilespmem:s6+$0x2000] =	vst v6;
	v6 =	vadd.s32 $0x900, v1  }
0x172: {  	[tilespmem:s3+$0x0] =	vst v4;
	s1 =	sor.u32 $0x5100, s18;
	v7 =	vld.idx.msk [tilespmem:v54+s2+$0x0], $0xffff  }
0x173: {  	s10 =	sor.u32 $0x4080, s22;
	v8 =	vadd.s32 $0x480, v2;
	[tilespmem:s4+$0x0] =	vst v52;
	v4 =	vld.idx.msk [tilespmem:v35+s2+$0x0], $0xffff;
	s9 =	sor.u32 s19, s1  }
0x174: {  	s12 =	sor.u32 $0x3000, s24;
	s11 =	sor.u32 s21, s10;
	[tilespmem:s9+$0x0] =	vst v5;
	v5 =	vld.idx.msk [tilespmem:v36+s2+$0x0], $0xffff  }
0x175: {  	s14 =	sor.u32 s23, s12;
	v10 =	vld.idx.msk [tilespmem:v53+s2+$0x0], $0xffff;
	[tilespmem:s11+$0x0] =	vst v3  }
0x176: {  	s13 =	sor.u32 s25, s12;
	[tilespmem:s14+$0x0] =	vst v9;
	v6 =	vld.idx.msk [tilespmem:v6+s2+$0x0], $0xffff  }
0x177: {  	v3 =	vadd.s32 $0xE00, v0;
	v9 =	vld.idx.msk [tilespmem:v47+s2+$0x0], $0xffff;
	[tilespmem:s13+$0x0] =	vst v7  }
0x178: {  	[tilespmem:s0+$0x0] =	vst v4;
	s0 =	sor.u32 $0x5180, s18;
	v7 =	vld.idx.msk [tilespmem:v8+s2+$0x0], $0xffff  }
0x179: {  	s3 =	sor.u32 $0x4100, s22;
	v4 =	vld.idx.msk [tilespmem:v39+s2+$0x0], $0xffff;
	s26 =	sor.u32 s19, s0;
	[tilespmem:s7+$0x0] =	vst v5;
	v8 =	vadd.s32 $0x500, v2  }
0x17a: {  	s8 =	sor.u32 $0x3080, s24;
	v5 =	vadd.s32 $0x980, v1;
	s7 =	sor.u32 s21, s3;
	[tilespmem:s26+$0x0] =	vst v10  }
0x17b: {  	s4 =	sor.u32 s23, s8;
	[tilespmem:s7+$0x0] =	vst v6  }
0x17c: {  	s9 =	sor.u32 s25, s8;
	v52 =	vld.idx.msk [tilespmem:v3+s2+$0x0], $0xffff;
	[tilespmem:s4+$0x0] =	vst v9  }
0x17d: {  	s6 =	sor.u32 s20, s10;
	v6 =	vld.idx.msk [tilespmem:v46+s2+$0x0], $0xffff;
	[tilespmem:s9+$0x0] =	vst v7  }
0x17e: {  	[tilespmem:s6+$0x0] =	vst v4;
	v4 =	vld.idx.msk [tilespmem:v8+s2+$0x0], $0xffff  }
0x17f: {  	v3 =	vld.idx.msk [tilespmem:v5+s2+$0x0], $0xffff;
	v5 =	vadd.s32 $0x580, v2  }
0x180: {  	s10 =	sor.u32 $0x3100, s24  }
0x181: {  	s4 =	sor.u32 s23, s10  }
0x182: {  	s11 =	sor.u32 s25, s10;
	[tilespmem:s4+$0x0] =	vst v6  }
0x183: {  	v6 =	vld.idx.msk [tilespmem:v42+s2+$0x0], $0xffff;
	[tilespmem:s11+$0x0] =	vst v4  }
0x184: {  	v4 =	vld.idx.msk [tilespmem:v5+s2+$0x0], $0xffff;
	_ =	sdelay $0x1  }
0x185: {  	s12 =	sor.u32 $0x3180, s24  }
0x186: {  	s4 =	sor.u32 s23, s12  }
0x187: {  	s13 =	sor.u32 s25, s12;
	[tilespmem:s4+$0x0] =	vst v6  }
0x188: {  	[tilespmem:s13+$0x0] =	vst v4  }
0x189: {  	v6 =	vld [tilespmem:$0x1FFB0];
	_ =	sdelay $0x1  }
0x18a: {  	v5 =	vadd.s32 $0x600, v2;
	_ =	sdelay $0x4  }
0x18b: {  	v4 =	vld.idx.msk [tilespmem:v5+s2+$0x0], $0xffff  }
0x18c: {  	v5 =	vadd.s32 $0x680, v2;
	v6 =	vld.idx.msk [tilespmem:v6+s2+$0x0], $0xffff;
	_ =	sdelay $0x1  }
0x18d: {  	s14 =	sor.u32 $0x3200, s24  }
0x18e: {  	s26 =	sor.u32 s25, s14  }
0x18f: {  	v33 =	vld.idx.msk [tilespmem:v33+s2+$0x0], $0xffff;
	s4 =	sor.u32 s23, s14;
	[tilespmem:s26+$0x0] =	vst v4  }
0x190: {  	v4 =	vld.idx.msk [tilespmem:v5+s2+$0x0], $0xffff;
	[tilespmem:s4+$0x0] =	vst v6  }
0x191: {  	v6 =	vld [tilespmem:$0x1FFC0];
	_ =	sdelay $0x7  }
0x192: {  	v5 =	vadd.s32 $0x700, v2;
	v6 =	vld.idx.msk [tilespmem:v6+s2+$0x0], $0xffff;
	_ =	sdelay $0x1  }
0x193: {  	s6 =	sor.u32 $0x3280, s24  }
0x194: {  	s7 =	sor.u32 s25, s6  }
0x195: {  	s4 =	sor.u32 s23, s6;
	[tilespmem:s7+$0x0] =	vst v4  }
0x196: {  	v4 =	vld.idx.msk [tilespmem:v5+s2+$0x0], $0xffff;
	[tilespmem:s4+$0x0] =	vst v6  }
0x197: {  	v5 =	vadd.s32 $0x780, v2;
	v6 =	vld.idx.msk [tilespmem:v45+s2+$0x0], $0xffff;
	_ =	sdelay $0x1  }
0x198: {  	s8 =	sor.u32 $0x3300, s24  }
0x199: {  	s9 =	sor.u32 s25, s8  }
0x19a: {  	[tilespmem:s9+$0x0] =	vst v4;
	s4 =	sor.u32 s23, s8  }
0x19b: {  	v4 =	vld.idx.msk [tilespmem:v5+s2+$0x0], $0xffff;
	[tilespmem:s4+$0x0] =	vst v6  }
0x19c: {  	v5 =	vadd.s32 $0x800, v2;
	v6 =	vld.idx.msk [tilespmem:v38+s2+$0x0], $0xffff;
	_ =	sdelay $0x1  }
0x19d: {  	s10 =	sor.u32 $0x3380, s24  }
0x19e: {  	s11 =	sor.u32 s25, s10  }
0x19f: {  	[tilespmem:s11+$0x0] =	vst v4;
	s4 =	sor.u32 s23, s10  }
0x1a0: {  	v4 =	vld.idx.msk [tilespmem:v5+s2+$0x0], $0xffff;
	[tilespmem:s4+$0x0] =	vst v6  }
0x1a1: {  	v5 =	vadd.s32 $0x880, v2;
	v6 =	vld.idx.msk [tilespmem:v31+s2+$0x0], $0xffff;
	_ =	sdelay $0x1  }
0x1a2: {  	s12 =	sor.u32 $0x4000, s24  }
0x1a3: {  	s13 =	sor.u32 s25, s12  }
0x1a4: {  	[tilespmem:s13+$0x0] =	vst v4;
	s4 =	sor.u32 s23, s12  }
0x1a5: {  	v4 =	vld.idx.msk [tilespmem:v5+s2+$0x0], $0xffff;
	[tilespmem:s4+$0x0] =	vst v6  }
0x1a6: {  	v5 =	vadd.s32 $0x900, v2;
	v6 =	vld.idx.msk [tilespmem:v48+s2+$0x0], $0xffff;
	_ =	sdelay $0x1  }
0x1a7: {  	s14 =	sor.u32 $0x4080, s24  }
0x1a8: {  	s26 =	sor.u32 s25, s14;
	v7 =	vld.idx.msk [tilespmem:v37+s2+$0x0], $0xffff  }
0x1a9: {  	[tilespmem:s26+$0x0] =	vst v4;
	s4 =	sor.u32 s23, s14  }
0x1aa: {  	v4 =	vld.idx.msk [tilespmem:v5+s2+$0x0], $0xffff;
	[tilespmem:s4+$0x0] =	vst v6  }
0x1ab: {  	v6 =	vld.idx.msk [tilespmem:v44+s2+$0x0], $0xffff  }
0x1ac: {  	s3 =	sor.u32 s20, s3  }
0x1ad: {  	s6 =	sor.u32 $0x4100, s24;
	[tilespmem:s3+$0x0] =	vst v7  }
0x1ae: {  	s7 =	sor.u32 s25, s6;
	v8 =	vld [tilespmem:$0x1FF70]  }
0x1af: {  	s4 =	sor.u32 s23, s6;
	[tilespmem:s7+$0x0] =	vst v4  }
0x1b0: {  	[tilespmem:s4+$0x0] =	vst v6  }
0x1b1: {  	v6 =	vld [tilespmem:$0x1FFD0];
	_ =	sdelay $0x1  }
0x1b2: {  	v5 =	vadd.s32 $0x980, v2;
	_ =	sdelay $0x2  }
0x1b3: {  	v8 =	vld.idx.msk [tilespmem:v8+s2+$0x0], $0xffff;
	_ =	sdelay $0x1  }
0x1b4: {  	s8 =	sor.u32 $0x4180, s22;
	v4 =	vld.idx.msk [tilespmem:v5+s2+$0x0], $0xffff  }
0x1b5: {  	s9 =	sor.u32 s21, s8;
	v6 =	vld.idx.msk [tilespmem:v6+s2+$0x0], $0xffff  }
0x1b6: {  	s3 =	sor.u32 s20, s8;
	[tilespmem:s9+$0x0] =	vst v3  }
0x1b7: {  	s10 =	sor.u32 $0x4180, s24;
	[tilespmem:s3+$0x0] =	vst v8  }
0x1b8: {  	s11 =	sor.u32 s25, s10;
	v8 =	vld [tilespmem:$0x1FF80]  }
0x1b9: {  	s4 =	sor.u32 s23, s10;
	[tilespmem:s11+$0x0] =	vst v4  }
0x1ba: {  	v7 =	vadd.s32 $0xA00, v1;
	[tilespmem:s4+$0x0] =	vst v6  }
0x1bb: {  	v6 =	vld [tilespmem:$0x1FFE0];
	_ =	sdelay $0x1  }
0x1bc: {  	v5 =	vadd.s32 $0xA00, v2;
	_ =	sdelay $0x1  }
0x1bd: {  	v3 =	vld.idx.msk [tilespmem:v7+s2+$0x0], $0xffff  }
0x1be: {  	v8 =	vld.idx.msk [tilespmem:v8+s2+$0x0], $0xffff;
	_ =	sdelay $0x1  }
0x1bf: {  	s12 =	sor.u32 $0x4200, s22;
	v4 =	vld.idx.msk [tilespmem:v5+s2+$0x0], $0xffff  }
0x1c0: {  	s13 =	sor.u32 s21, s12;
	v6 =	vld.idx.msk [tilespmem:v6+s2+$0x0], $0xffff  }
0x1c1: {  	s3 =	sor.u32 s20, s12;
	[tilespmem:s13+$0x0] =	vst v3  }
0x1c2: {  	s14 =	sor.u32 $0x4200, s24;
	[tilespmem:s3+$0x0] =	vst v8  }
0x1c3: {  	s26 =	sor.u32 s25, s14;
	v8 =	vld [tilespmem:$0x1FF90]  }
0x1c4: {  	s4 =	sor.u32 s23, s14;
	[tilespmem:s26+$0x0] =	vst v4  }
0x1c5: {  	v7 =	vadd.s32 $0xA80, v1;
	[tilespmem:s4+$0x0] =	vst v6  }
0x1c6: {  	v6 =	vld [tilespmem:$0x1FFF0];
	_ =	sdelay $0x3  }
0x1c7: {  	v5 =	vadd.s32 $0xA80, v2;
	v3 =	vld.idx.msk [tilespmem:v7+s2+$0x0], $0xffff  }
0x1c8: {  	v7 =	vadd.s32 $0xB00, v1;
	v8 =	vld.idx.msk [tilespmem:v8+s2+$0x0], $0xffff;
	_ =	sdelay $0x1  }
0x1c9: {  	s6 =	sor.u32 $0x4280, s22  }
0x1ca: {  	s7 =	sor.u32 s21, s6;
	v6 =	vld.idx.msk [tilespmem:v6+s2+$0x0], $0xffff  }
0x1cb: {  	s3 =	sor.u32 s20, s6;
	v4 =	vld.idx.msk [tilespmem:v5+s2+$0x0], $0xffff;
	[tilespmem:s7+$0x0] =	vst v3  }
0x1cc: {  	v5 =	vadd.s32 $0xB00, v2;
	v3 =	vld.idx.msk [tilespmem:v7+s2+$0x0], $0xffff;
	[tilespmem:s3+$0x0] =	vst v8  }
0x1cd: {  	s8 =	sor.u32 $0x4280, s24;
	v7 =	vadd.s32 $0xB80, v1;
	v8 =	vld.idx.msk [tilespmem:v60+s2+$0x0], $0xffff  }
0x1ce: {  	s4 =	sor.u32 s23, s8  }
0x1cf: {  	s10 =	sor.u32 $0x4300, s22;
	s9 =	sor.u32 s25, s8;
	[tilespmem:s4+$0x0] =	vst v6  }
0x1d0: {  	s11 =	sor.u32 s21, s10;
	[tilespmem:s9+$0x0] =	vst v4;
	v6 =	vld.idx.msk [tilespmem:v32+s2+$0x0], $0xffff  }
0x1d1: {  	v4 =	vld.idx.msk [tilespmem:v5+s2+$0x0], $0xffff;
	[tilespmem:s11+$0x0] =	vst v3;
	s3 =	sor.u32 s20, s10  }
0x1d2: {  	v5 =	vadd.s32 $0xB80, v2;
	v3 =	vld.idx.msk [tilespmem:v7+s2+$0x0], $0xffff;
	[tilespmem:s3+$0x0] =	vst v8  }
0x1d3: {  	s12 =	sor.u32 $0x4300, s24;
	v7 =	vadd.s32 $0xC00, v1;
	v8 =	vld.idx.msk [tilespmem:v34+s2+$0x0], $0xffff  }
0x1d4: {  	s4 =	sor.u32 s23, s12  }
0x1d5: {  	s14 =	sor.u32 $0x4380, s22;
	s13 =	sor.u32 s25, s12;
	[tilespmem:s4+$0x0] =	vst v6  }
0x1d6: {  	s26 =	sor.u32 s21, s14;
	[tilespmem:s13+$0x0] =	vst v4;
	v6 =	vld.idx.msk [tilespmem:v26+s2+$0x0], $0xffff  }
0x1d7: {  	v4 =	vld.idx.msk [tilespmem:v5+s2+$0x0], $0xffff;
	[tilespmem:s26+$0x0] =	vst v3;
	s3 =	sor.u32 s20, s14  }
0x1d8: {  	v5 =	vadd.s32 $0xC00, v2;
	v3 =	vld.idx.msk [tilespmem:v7+s2+$0x0], $0xffff;
	[tilespmem:s3+$0x0] =	vst v8  }
0x1d9: {  	s6 =	sor.u32 $0x4380, s24;
	v7 =	vadd.s32 $0xC80, v1;
	v8 =	vld.idx.msk [tilespmem:v27+s2+$0x0], $0xffff  }
0x1da: {  	s4 =	sor.u32 s23, s6  }
0x1db: {  	s8 =	sor.u32 $0x5000, s22;
	s7 =	sor.u32 s25, s6;
	[tilespmem:s4+$0x0] =	vst v6  }
0x1dc: {  	s9 =	sor.u32 s21, s8;
	[tilespmem:s7+$0x0] =	vst v4;
	v6 =	vld.idx.msk [tilespmem:v11+s2+$0x0], $0xffff  }
0x1dd: {  	v4 =	vld.idx.msk [tilespmem:v5+s2+$0x0], $0xffff;
	[tilespmem:s9+$0x0] =	vst v3;
	s3 =	sor.u32 s20, s8  }
0x1de: {  	v5 =	vadd.s32 $0xC80, v2;
	v3 =	vld.idx.msk [tilespmem:v7+s2+$0x0], $0xffff;
	[tilespmem:s3+$0x0] =	vst v8  }
0x1df: {  	s10 =	sor.u32 $0x5000, s24;
	v7 =	vadd.s32 $0xD00, v1;
	v8 =	vld.idx.msk [tilespmem:v25+s2+$0x0], $0xffff  }
0x1e0: {  	s4 =	sor.u32 s23, s10  }
0x1e1: {  	s11 =	sor.u32 s25, s10;
	s12 =	sor.u32 $0x5080, s22;
	[tilespmem:s4+$0x0] =	vst v6  }
0x1e2: {  	s13 =	sor.u32 s21, s12;
	[tilespmem:s11+$0x0] =	vst v4;
	v6 =	vld.idx.msk [tilespmem:v43+s2+$0x0], $0xffff  }
0x1e3: {  	v4 =	vld.idx.msk [tilespmem:v5+s2+$0x0], $0xffff;
	[tilespmem:s13+$0x0] =	vst v3;
	s3 =	sor.u32 s20, s12  }
0x1e4: {  	v3 =	vld.idx.msk [tilespmem:v7+s2+$0x0], $0xffff;
	[tilespmem:s3+$0x0] =	vst v8  }
0x1e5: {  	s1 =	sor.u32 s17, s1;
	s14 =	sor.u32 $0x5080, s24;
	v5 =	vadd.s32 $0xD00, v2;
	v8 =	vld.idx.msk [tilespmem:v20+s2+$0x0], $0xffff  }
0x1e6: {  	[tilespmem:s1+$0x0] =	vst v33;
	s4 =	sor.u32 s23, s14  }
0x1e7: {  	s26 =	sor.u32 s25, s14;
	[tilespmem:s4+$0x0] =	vst v6;
	s4 =	sor.u32 $0x5100, s22  }
0x1e8: {  	[tilespmem:s26+$0x0] =	vst v4;
	s6 =	sor.u32 s21, s4  }
0x1e9: {  	v9 =	vld.idx.msk [tilespmem:v63+s2+$0x0], $0xffff;
	s7 =	sor.u32 s20, s4;
	[tilespmem:s6+$0x0] =	vst v3  }
0x1ea: {  	v7 =	vadd.s32 $0xD80, v1;
	v4 =	vld.idx.msk [tilespmem:v5+s2+$0x0], $0xffff;
	[tilespmem:s7+$0x0] =	vst v8  }
0x1eb: {  	v5 =	vadd.s32 $0xD80, v2;
	v8 =	vld [tilespmem:$0x1FFA0]  }
0x1ec: {  	v6 =	vld.idx.msk [tilespmem:v12+s2+$0x0], $0xffff  }
0x1ed: {  	s8 =	sor.u32 $0x5100, s24  }
0x1ee: {  	s9 =	sor.u32 s25, s8  }
0x1ef: {  	s0 =	sor.u32 s17, s0;
	v3 =	vld.idx.msk [tilespmem:v7+s2+$0x0], $0xffff;
	[tilespmem:s9+$0x0] =	vst v4  }
0x1f0: {  	s10 =	sor.u32 s23, s8;
	[tilespmem:s0+$0x0] =	vst v9;
	v9 =	vadd.s32 $0xE80, v0;
	v4 =	vld.idx.msk [tilespmem:v5+s2+$0x0], $0xffff  }
0x1f1: {  	s26 =	sor.u32 $0x5200, s18;
	v7 =	vadd.s32 $0xE00, v1;
	v10 =	vld.idx.msk [tilespmem:v58+s2+$0x0], $0xffff;
	[tilespmem:s10+$0x0] =	vst v6  }
0x1f2: {  	s11 =	sor.u32 $0x5180, s22;
	s4 =	sor.u32 s19, s26;
	v5 =	vadd.s32 $0xE00, v2;
	v6 =	vld.idx.msk [tilespmem:v29+s2+$0x0], $0xffff  }
0x1f3: {  	s13 =	sor.u32 $0x5180, s24;
	s12 =	sor.u32 s21, s11;
	[tilespmem:s4+$0x0] =	vst v52;
	v8 =	vld.idx.msk [tilespmem:v8+s2+$0x0], $0xffff  }
0x1f4: {  	s14 =	sor.u32 s25, s13;
	[tilespmem:s12+$0x0] =	vst v3  }
0x1f5: {  	s6 =	sor.u32 s17, s26;
	v9 =	vld.idx.msk [tilespmem:v9+s2+$0x0], $0xffff;
	[tilespmem:s14+$0x0] =	vst v4  }
0x1f6: {  	s0 =	sor.u32 s23, s13;
	v3 =	vld.idx.msk [tilespmem:v7+s2+$0x0], $0xffff;
	[tilespmem:s6+$0x0] =	vst v10;
	v10 =	vadd.s32 $0xF00, v0  }
0x1f7: {  	s1 =	sor.u32 s20, s11;
	v7 =	vadd.s32 $0xE80, v1;
	v4 =	vld.idx.msk [tilespmem:v5+s2+$0x0], $0xffff;
	[tilespmem:s0+$0x0] =	vst v6  }
0x1f8: {  	s11 =	sor.u32 $0x5280, s18;
	v5 =	vadd.s32 $0xE80, v2;
	v6 =	vld.idx.msk [tilespmem:v19+s2+$0x0], $0xffff;
	[tilespmem:s1+$0x0] =	vst v8  }
0x1f9: {  	s7 =	sor.u32 $0x5200, s22;
	s12 =	sor.u32 s19, s11;
	v8 =	vld.idx.msk [tilespmem:v18+s2+$0x0], $0xffff  }
0x1fa: {  	s8 =	sor.u32 s21, s7;
	s9 =	sor.u32 $0x5200, s24;
	v11 =	vld.idx.msk [tilespmem:v23+s2+$0x0], $0xffff;
	[tilespmem:s12+$0x0] =	vst v9  }
0x1fb: {  	s10 =	sor.u32 s25, s9;
	[tilespmem:s8+$0x0] =	vst v3;
	v9 =	vld.idx.msk [tilespmem:v10+s2+$0x0], $0xffff  }
0x1fc: {  	v0 =	vadd.s32 $0xF80, v0;
	s0 =	sor.u32 s23, s9;
	v3 =	vld.idx.msk [tilespmem:v7+s2+$0x0], $0xffff;
	[tilespmem:s10+$0x0] =	vst v4  }
0x1fd: {  	v7 =	vadd.s32 $0xF00, v1;
	s1 =	sor.u32 s20, s7;
	v4 =	vld.idx.msk [tilespmem:v5+s2+$0x0], $0xffff;
	[tilespmem:s0+$0x0] =	vst v6  }
0x1fe: {  	s13 =	sor.u32 s17, s11;
	s6 =	sor.u32 $0x5300, s18;
	v5 =	vadd.s32 $0xF00, v2;
	v6 =	vld.idx.msk [tilespmem:v17+s2+$0x0], $0xffff;
	[tilespmem:s1+$0x0] =	vst v8  }
0x1ff: {  	s14 =	sor.u32 $0x5280, s22;
	[tilespmem:s13+$0x0] =	vst v11;
	s7 =	sor.u32 s19, s6;
	v8 =	vld.idx.msk [tilespmem:v16+s2+$0x0], $0xffff  }
0x200: {  	s3 =	sor.u32 $0x5280, s24;
	s26 =	sor.u32 s21, s14;
	v10 =	vld.idx.msk [tilespmem:v22+s2+$0x0], $0xffff;
	[tilespmem:s7+$0x0] =	vst v9  }
0x201: {  	s4 =	sor.u32 s25, s3;
	[tilespmem:s26+$0x0] =	vst v3;
	v0 =	vld.idx.msk [tilespmem:v0+s2+$0x0], $0xffff  }
0x202: {  	s0 =	sor.u32 s23, s3;
	v3 =	vld.idx.msk [tilespmem:v7+s2+$0x0], $0xffff;
	[tilespmem:s4+$0x0] =	vst v4  }
0x203: {  	v1 =	vadd.s32 $0xF80, v1;
	s1 =	sor.u32 s20, s14;
	v4 =	vld.idx.msk [tilespmem:v5+s2+$0x0], $0xffff;
	[tilespmem:s0+$0x0] =	vst v6  }
0x204: {  	s8 =	sor.u32 s17, s6;
	s13 =	sor.u32 $0x5380, s18;
	v2 =	vadd.s32 $0xF80, v2;
	v5 =	vld.idx.msk [tilespmem:v15+s2+$0x0], $0xffff;
	[tilespmem:s1+$0x0] =	vst v8  }
0x205: {  	s9 =	sor.u32 $0x5300, s22;
	[tilespmem:s8+$0x0] =	vst v10;
	s14 =	sor.u32 s19, s13;
	v7 =	vld.idx.msk [tilespmem:v14+s2+$0x0], $0xffff  }
0x206: {  	s11 =	sor.u32 $0x5300, s24;
	s10 =	sor.u32 s21, s9;
	[tilespmem:s14+$0x0] =	vst v0  }
0x207: {  	s12 =	sor.u32 s25, s11;
	v6 =	vld.idx.msk [tilespmem:v21+s2+$0x0], $0xffff;
	[tilespmem:s10+$0x0] =	vst v3  }
0x208: {  	s0 =	sor.u32 s23, s11;
	v1 =	vld.idx.msk [tilespmem:v1+s2+$0x0], $0xffff;
	[tilespmem:s12+$0x0] =	vst v4  }
0x209: {  	s1 =	sor.u32 s20, s9;
	v2 =	vld.idx.msk [tilespmem:v2+s2+$0x0], $0xffff;
	[tilespmem:s0+$0x0] =	vst v5  }
0x20a: {  	v0 =	vld.idx.msk [tilespmem:v28+s2+$0x0], $0xffff;
	[tilespmem:s1+$0x0] =	vst v7  }
0x20b: {  	s18 =	sor.u32 s17, s13;
	s19 =	sor.u32 $0x5380, s22;
	v3 =	vld.idx.msk [tilespmem:v13+s2+$0x0], $0xffff  }
0x20c: {  	s24 =	sor.u32 $0x5380, s24;
	s22 =	sor.u32 s21, s19;
	[tilespmem:s18+$0x0] =	vst v6  }
0x20d: {  	s16 =	sor.u32 $0x1, s16;
	s25 =	sor.u32 s25, s24;
	[tilespmem:s22+$0x0] =	vst v1  }
0x20e: {  	s6 =	simm.s32 $0x20000;
	s7 =	simm.s32 $0x2000;
	s0 =	sor.u32 s23, s24;
	[tilespmem:s25+$0x0] =	vst v2  }
0x20f: {  	s26 =	sshll.u32 s15, $0x11;
	s8 =	sshll.u32 s16, $0x7;
	s1 =	sor.u32 s20, s19;
	[tilespmem:s0+$0x0] =	vst v0  }
0x210: {  	s3 =	sadd.s32 s26, s5;
	s4 =	simm.s32 $0x1000;
	s0 =	sand.u32 $0x380, s8;
	[tilespmem:s1+$0x0] =	vst v3  }
0x211: {  	[hbm4b:s3+s4] =	stream.strided.scatter [tilespmem:s7], [sflag:$0x1], $0x4000, s6, s4, $0x38;
	[tilespmem:$0xA000] =	vst v63  }
0x212: {  	s11 =	simm.s32 $0x0;
	s0 =	sor.u32 $0x1000, s0;
	s3 =	simm.s32 @!p0 $0x2  }
0x213: {  	s10 =	simm.s32 $0x0;
	_ =	swait.ge @!p0 [sflag:s3], $0x4000;
	[dreg:$0x5] =	wrdreg s0  }
0x214: {  	s26 =	sand.u32 $0x60, s11;
	s31 =	sand.u32 $0xC00, s10;
	s9 =	rddreg [dreg:$0x5]  }
0x215: {  	s30 =	sor.u32 $0x10, s26;
	[sflag:s3] =	ssyncset.done @!p0 $0x0;
	s4 =	sadd.s32 s31, s9  }
0x216: {  	[sflag:s3] =	ssyncadd.s32 @!p0 $0xFFFFC000;
	s12 =	sadd.s32 s30, s4  }
0x217: {  	v4 =	vld [tilespmem:s12+$0x0];
	_ =	sdelay $0x7  }
0x218: {  	v0 =	vld.idx.msk [tilespmem:v4+s2+$0x0], $0xffff  }
0x219: {  	v1 =	vadd.s32 $0x80, v4  }
0x21a: {  	s13 =	sadd.s32 s26, s4  }
0x21b: {  	s14 =	sor.u32 $0x6000, s31;
	v3 =	vld [tilespmem:s13+$0x0]  }
0x21c: {  	s17 =	sor.u32 s30, s14  }
0x21d: {  	[tilespmem:s17+$0x0] =	vst v0  }
0x21e: {  	v0 =	vld.idx.msk [tilespmem:v1+s2+$0x0], $0xffff  }
0x21f: {  	v1 =	vadd.s32 $0x100, v4;
	_ =	sdelay $0x3  }
0x220: {  	v2 =	vld.idx.msk [tilespmem:v3+s2+$0x0], $0xffff;
	[tilespmem:s17+$0x80] =	vst v0  }
0x221: {  	v0 =	vadd.s32 $0x80, v3;
	v1 =	vld.idx.msk [tilespmem:v1+s2+$0x0], $0xffff  }
0x222: {  	v5 =	vadd.s32 $0x180, v4;
	_ =	sdelay $0x1  }
0x223: {  	s18 =	sor.u32 s26, s14  }
0x224: {  	[tilespmem:s18+$0x0] =	vst v2  }
0x225: {  	v0 =	vld.idx.msk [tilespmem:v0+s2+$0x0], $0xffff;
	[tilespmem:s17+$0x100] =	vst v1  }
0x226: {  	v1 =	vadd.s32 $0x100, v3;
	v2 =	vld.idx.msk [tilespmem:v5+s2+$0x0], $0xffff  }
0x227: {  	v5 =	vadd.s32 $0x200, v4;
	_ =	sdelay $0x2  }
0x228: {  	[tilespmem:s18+$0x80] =	vst v0  }
0x229: {  	v0 =	vld.idx.msk [tilespmem:v1+s2+$0x0], $0xffff;
	[tilespmem:s17+$0x180] =	vst v2  }
0x22a: {  	v1 =	vadd.s32 $0x180, v3;
	v2 =	vld.idx.msk [tilespmem:v5+s2+$0x0], $0xffff  }
0x22b: {  	v5 =	vadd.s32 $0x280, v4;
	_ =	sdelay $0x2  }
0x22c: {  	[tilespmem:s18+$0x100] =	vst v0  }
0x22d: {  	v0 =	vld.idx.msk [tilespmem:v1+s2+$0x0], $0xffff;
	[tilespmem:s17+$0x200] =	vst v2  }
0x22e: {  	v1 =	vadd.s32 $0x200, v3;
	v2 =	vld.idx.msk [tilespmem:v5+s2+$0x0], $0xffff  }
0x22f: {  	v5 =	vadd.s32 $0x300, v4;
	_ =	sdelay $0x2  }
0x230: {  	[tilespmem:s18+$0x180] =	vst v0  }
0x231: {  	v0 =	vld.idx.msk [tilespmem:v1+s2+$0x0], $0xffff;
	[tilespmem:s17+$0x280] =	vst v2  }
0x232: {  	s19 =	sand.u32 $0x3, s10;
	v1 =	vadd.s32 $0x280, v3;
	v2 =	vld.idx.msk [tilespmem:v5+s2+$0x0], $0xffff  }
0x233: {  	s3 =	sshll.u32 s19, $0x5;
	v5 =	vadd.s32 $0x380, v4  }
0x234: {  	s20 =	sadd.s32 $0x0, s3  }
0x235: {  	s8 =	sadd.s32 $0x10, s20  }
0x236: {  	s21 =	sor.u32 $0x300, s8;
	[tilespmem:s18+$0x200] =	vst v0  }
0x237: {  	v0 =	vld.idx.msk [tilespmem:v1+s2+$0x0], $0xffff;
	[tilespmem:s21+$0x6000] =	vst v2  }
0x238: {  	v1 =	vadd.s32 $0x300, v3;
	v2 =	vld.idx.msk [tilespmem:v5+s2+$0x0], $0xffff  }
0x239: {  	v5 =	vadd.s32 $0x400, v4;
	_ =	sdelay $0x1  }
0x23a: {  	s6 =	simm.s32 $0x20;
	s9 =	rddreg [dreg:$0x5];
	s3 =	simm.s32 $0x100  }
0x23b: {  	s22 =	sor.u32 $0x380, s8;
	s17 =	sand.u32 $0x60, s6;
	[tilespmem:s18+$0x280] =	vst v0;
	s18 =	sand.u32 $0xC00, s3  }
0x23c: {  	s19 =	sor.u32 $0x10, s17;
	v1 =	vld.idx.msk [tilespmem:v1+s2+$0x0], $0xffff;
	s23 =	sadd.s32 s18, s9;
	[tilespmem:s22+$0x6000] =	vst v2  }
0x23d: {  	v2 =	vadd.s32 $0x380, v3;
	s24 =	sadd.s32 s19, s23;
	v6 =	vld.idx.msk [tilespmem:v5+s2+$0x0], $0xffff  }
0x23e: {  	v0 =	vld [tilespmem:s24+$0x0]  }
0x23f: {  	v7 =	vadd.s32 $0x480, v4  }
0x240: {  	s4 =	sor.u32 $0x300, s20  }
0x241: {  	s25 =	sor.u32 $0x7000, s31;
	[tilespmem:s4+$0x6000] =	vst v1  }
0x242: {  	s9 =	sor.u32 s30, s25;
	s7 =	sadd.s32 s17, s23;
	v1 =	vld.idx.msk [tilespmem:v2+s2+$0x0], $0xffff  }
0x243: {  	v5 =	vld [tilespmem:s7+$0x0];
	v2 =	vadd.s32 $0x400, v3;
	[tilespmem:s9+$0x0] =	vst v6  }
0x244: {  	v6 =	vld.idx.msk [tilespmem:v7+s2+$0x0], $0xffff  }
0x245: {  	s0 =	sor.u32 s10, s11;
	v7 =	vadd.s32 $0x500, v4  }
0x246: {  	s0 =	sor.u32 $0x380, s0;
	v8 =	vld.idx.msk [tilespmem:v0+s2+$0x0], $0xffff  }
0x247: {  	s10 =	sor.u32 $0x7080, s31;
	[tilespmem:s0+$0x6000] =	vst v1;
	v1 =	vadd.s32 $0x80, v0  }
0x248: {  	s11 =	sor.u32 s30, s10;
	v2 =	vld.idx.msk [tilespmem:v2+s2+$0x0], $0xffff  }
0x249: {  	v9 =	vadd.s32 $0x480, v3;
	s12 =	sor.u32 $0x6000, s18;
	[tilespmem:s11+$0x0] =	vst v6  }
0x24a: {  	s13 =	sor.u32 s19, s12;
	v6 =	vld.idx.msk [tilespmem:v7+s2+$0x0], $0xffff  }
0x24b: {  	v7 =	vld.idx.msk [tilespmem:v5+s2+$0x0], $0xffff;
	[tilespmem:s13+$0x0] =	vst v8;
	v8 =	vadd.s32 $0x580, v4  }
0x24c: {  	s4 =	sor.u32 s26, s25;
	v10 =	vadd.s32 $0x80, v5;
	v1 =	vld.idx.msk [tilespmem:v1+s2+$0x0], $0xffff  }
0x24d: {  	s14 =	sor.u32 $0x7100, s31;
	[tilespmem:s4+$0x0] =	vst v2;
	v2 =	vadd.s32 $0x100, v0  }
0x24e: {  	s20 =	sor.u32 s30, s14;
	v9 =	vld.idx.msk [tilespmem:v9+s2+$0x0], $0xffff  }
0x24f: {  	v11 =	vadd.s32 $0x500, v3;
	s0 =	sor.u32 s17, s12;
	[tilespmem:s20+$0x0] =	vst v6  }
0x250: {  	[tilespmem:s0+$0x0] =	vst v7;
	v6 =	vld.idx.msk [tilespmem:v8+s2+$0x0], $0xffff  }
0x251: {  	v7 =	vld.idx.msk [tilespmem:v10+s2+$0x0], $0xffff;
	[tilespmem:s13+$0x80] =	vst v1;
	v1 =	vadd.s32 $0x600, v4  }
0x252: {  	s7 =	sor.u32 s26, s10;
	v8 =	vadd.s32 $0x100, v5;
	v2 =	vld.idx.msk [tilespmem:v2+s2+$0x0], $0xffff  }
0x253: {  	s21 =	sor.u32 $0x7180, s31;
	[tilespmem:s7+$0x0] =	vst v9  }
0x254: {  	s22 =	sor.u32 s30, s21;
	v9 =	vadd.s32 $0x180, v0;
	v10 =	vld.idx.msk [tilespmem:v11+s2+$0x0], $0xffff  }
0x255: {  	v11 =	vadd.s32 $0x580, v3;
	[tilespmem:s22+$0x0] =	vst v6  }
0x256: {  	[tilespmem:s0+$0x80] =	vst v7;
	v1 =	vld.idx.msk [tilespmem:v1+s2+$0x0], $0xffff  }
0x257: {  	v6 =	vld.idx.msk [tilespmem:v8+s2+$0x0], $0xffff;
	[tilespmem:s13+$0x100] =	vst v2;
	v2 =	vadd.s32 $0x680, v4  }
0x258: {  	s4 =	sor.u32 s26, s14;
	v7 =	vadd.s32 $0x180, v5  }
0x259: {  	s23 =	sor.u32 $0x7200, s31;
	v8 =	vld.idx.msk [tilespmem:v9+s2+$0x0], $0xffff;
	[tilespmem:s4+$0x0] =	vst v10  }
0x25a: {  	s24 =	sor.u32 s30, s23;
	v9 =	vadd.s32 $0x200, v0;
	v10 =	vld.idx.msk [tilespmem:v11+s2+$0x0], $0xffff  }
0x25b: {  	v11 =	vadd.s32 $0x600, v3;
	[tilespmem:s24+$0x0] =	vst v1  }
0x25c: {  	[tilespmem:s0+$0x100] =	vst v6;
	v1 =	vld.idx.msk [tilespmem:v2+s2+$0x0], $0xffff  }
0x25d: {  	v6 =	vadd.s32 $0x700, v4;
	v2 =	vld.idx.msk [tilespmem:v7+s2+$0x0], $0xffff  }
0x25e: {  	s7 =	sor.u32 s26, s21;
	v7 =	vadd.s32 $0x200, v5;
	[tilespmem:s13+$0x180] =	vst v8  }
0x25f: {  	s25 =	sor.u32 $0x7280, s31;
	v8 =	vld.idx.msk [tilespmem:v9+s2+$0x0], $0xffff;
	[tilespmem:s7+$0x0] =	vst v10  }
0x260: {  	s9 =	sor.u32 s30, s25;
	v9 =	vadd.s32 $0x280, v0;
	v10 =	vld.idx.msk [tilespmem:v11+s2+$0x0], $0xffff  }
0x261: {  	v11 =	vadd.s32 $0x680, v3;
	[tilespmem:s9+$0x0] =	vst v1  }
0x262: {  	[tilespmem:s0+$0x180] =	vst v2;
	v1 =	vld.idx.msk [tilespmem:v6+s2+$0x0], $0xffff  }
0x263: {  	v2 =	vld.idx.msk [tilespmem:v7+s2+$0x0], $0xffff;
	v6 =	vadd.s32 $0x780, v4  }
0x264: {  	s4 =	sor.u32 s26, s23;
	v7 =	vadd.s32 $0x280, v5;
	[tilespmem:s13+$0x200] =	vst v8  }
0x265: {  	s10 =	sor.u32 $0x7300, s31;
	v8 =	vld.idx.msk [tilespmem:v9+s2+$0x0], $0xffff;
	[tilespmem:s4+$0x0] =	vst v10  }
0x266: {  	s11 =	sor.u32 s30, s10;
	v9 =	vadd.s32 $0x300, v0;
	v10 =	vld.idx.msk [tilespmem:v11+s2+$0x0], $0xffff  }
0x267: {  	v11 =	vadd.s32 $0x700, v3;
	[tilespmem:s11+$0x0] =	vst v1  }
0x268: {  	[tilespmem:s0+$0x200] =	vst v2;
	v1 =	vld.idx.msk [tilespmem:v6+s2+$0x0], $0xffff  }
0x269: {  	v2 =	vld.idx.msk [tilespmem:v7+s2+$0x0], $0xffff;
	v6 =	vadd.s32 $0x800, v4  }
0x26a: {  	s12 =	simm.s32 $0x1;
	s7 =	sor.u32 s26, s25;
	v7 =	vadd.s32 $0x300, v5;
	[tilespmem:s13+$0x280] =	vst v8  }
0x26b: {  	s1 =	sand.u32 $0x3, s12;
	s13 =	sor.u32 $0x7380, s31;
	v8 =	vld.idx.msk [tilespmem:v9+s2+$0x0], $0xffff;
	[tilespmem:s7+$0x0] =	vst v10  }
0x26c: {  	s1 =	sshll.u32 s1, $0x5;
	v9 =	vadd.s32 $0x380, v0;
	s14 =	sor.u32 s30, s13;
	v10 =	vld.idx.msk [tilespmem:v11+s2+$0x0], $0xffff  }
0x26d: {  	s1 =	sadd.s32 $0x100, s1;
	v11 =	vadd.s32 $0x780, v3;
	[tilespmem:s14+$0x0] =	vst v1  }
0x26e: {  	s20 =	sadd.s32 $0x10, s1;
	[tilespmem:s0+$0x280] =	vst v2;
	v1 =	vld.idx.msk [tilespmem:v6+s2+$0x0], $0xffff  }
0x26f: {  	s21 =	sor.u32 $0x300, s20;
	v2 =	vld.idx.msk [tilespmem:v7+s2+$0x0], $0xffff;
	v6 =	vadd.s32 $0x880, v4  }
0x270: {  	s22 =	sor.u32 s26, s10;
	v7 =	vadd.s32 $0x380, v5;
	[tilespmem:s21+$0x6000] =	vst v8  }
0x271: {  	s8 =	sor.u32 $0x380, s20;
	s10 =	sor.u32 $0x300, s1;
	s23 =	sor.u32 $0x8000, s31;
	v8 =	vld.idx.msk [tilespmem:v9+s2+$0x0], $0xffff;
	[tilespmem:s22+$0x0] =	vst v10  }
0x272: {  	s1 =	simm.s32 $0x40;
	s24 =	sor.u32 s30, s23;
	s0 =	simm.s32 $0x200;
	v9 =	vadd.s32 $0x400, v0;
	v10 =	vld.idx.msk [tilespmem:v11+s2+$0x0], $0xffff  }
0x273: {  	s20 =	sand.u32 $0x60, s1;
	s25 =	rddreg [dreg:$0x5];
	s22 =	sand.u32 $0xC00, s0;
	v11 =	vadd.s32 $0x800, v3;
	[tilespmem:s24+$0x0] =	vst v1  }
0x274: {  	s21 =	sor.u32 $0x10, s20;
	[tilespmem:s10+$0x6000] =	vst v2;
	s10 =	sadd.s32 s22, s25;
	v2 =	vld.idx.msk [tilespmem:v6+s2+$0x0], $0xffff  }
0x275: {  	v6 =	vld.idx.msk [tilespmem:v7+s2+$0x0], $0xffff;
	v7 =	vadd.s32 $0x900, v4;
	s9 =	sadd.s32 s21, s10  }
0x276: {  	s7 =	sor.u32 s26, s13;
	[tilespmem:s8+$0x6000] =	vst v8;
	v1 =	vld [tilespmem:s9+$0x0]  }
0x277: {  	s11 =	sor.u32 $0x8080, s31;
	v8 =	vld.idx.msk [tilespmem:v9+s2+$0x0], $0xffff;
	v9 =	vadd.s32 $0x400, v5;
	[tilespmem:s7+$0x0] =	vst v10  }
0x278: {  	s12 =	sor.u32 s30, s11;
	s8 =	sadd.s32 s20, s10;
	v10 =	vld.idx.msk [tilespmem:v11+s2+$0x0], $0xffff;
	v11 =	vadd.s32 $0x480, v0  }
0x279: {  	v12 =	vadd.s32 $0x880, v3;
	s3 =	sor.u32 s3, s6;
	v14 =	vld [tilespmem:s8+$0x0];
	[tilespmem:s12+$0x0] =	vst v2  }
0x27a: {  	s3 =	sor.u32 $0x380, s3;
	s13 =	sor.u32 $0x7000, s18;
	v2 =	vld.idx.msk [tilespmem:v7+s2+$0x0], $0xffff  }
0x27b: {  	s14 =	sor.u32 s19, s13;
	[tilespmem:s3+$0x6000] =	vst v6;
	v6 =	vadd.s32 $0x980, v4  }
0x27c: {  	s4 =	sor.u32 s26, s23;
	v7 =	vld.idx.msk [tilespmem:v9+s2+$0x0], $0xffff;
	[tilespmem:s14+$0x0] =	vst v8  }
0x27d: {  	v8 =	vadd.s32 $0x480, v5;
	[tilespmem:s4+$0x0] =	vst v10;
	v9 =	vld.idx.msk [tilespmem:v11+s2+$0x0], $0xffff;
	s4 =	sor.u32 $0x8100, s31  }
0x27e: {  	v11 =	vadd.s32 $0x500, v0;
	v10 =	vld.idx.msk [tilespmem:v12+s2+$0x0], $0xffff;
	s23 =	sor.u32 s30, s4  }
0x27f: {  	v13 =	vld.idx.msk [tilespmem:v1+s2+$0x0], $0xffff;
	v12 =	vadd.s32 $0x900, v3;
	[tilespmem:s23+$0x0] =	vst v2  }
0x280: {  	s24 =	sor.u32 s17, s13;
	s25 =	sor.u32 $0x7080, s18;
	v2 =	vld.idx.msk [tilespmem:v6+s2+$0x0], $0xffff;
	v6 =	vadd.s32 $0x80, v1  }
0x281: {  	v15 =	vadd.s32 $0xA00, v4;
	s9 =	sor.u32 s19, s25;
	[tilespmem:s24+$0x0] =	vst v7;
	v7 =	vld.idx.msk [tilespmem:v14+s2+$0x0], $0xffff  }
0x282: {  	s10 =	sor.u32 s26, s11;
	s11 =	sor.u32 $0x6000, s22;
	v16 =	vadd.s32 $0x80, v14;
	v8 =	vld.idx.msk [tilespmem:v8+s2+$0x0], $0xffff;
	[tilespmem:s9+$0x0] =	vst v9  }
0x283: {  	s6 =	sor.u32 s21, s11;
	s12 =	sor.u32 $0x8180, s31;
	v9 =	vadd.s32 $0x500, v5;
	[tilespmem:s10+$0x0] =	vst v10;
	v10 =	vld.idx.msk [tilespmem:v11+s2+$0x0], $0xffff  }
0x284: {  	s13 =	sor.u32 s30, s12;
	[tilespmem:s6+$0x0] =	vst v13;
	v11 =	vadd.s32 $0x580, v0;
	v12 =	vld.idx.msk [tilespmem:v12+s2+$0x0], $0xffff  }
0x285: {  	s3 =	sor.u32 s20, s11;
	v13 =	vadd.s32 $0x980, v3;
	v6 =	vld.idx.msk [tilespmem:v6+s2+$0x0], $0xffff;
	[tilespmem:s13+$0x0] =	vst v2  }
0x286: {  	s8 =	sor.u32 s17, s25;
	s14 =	sor.u32 $0x7100, s18;
	[tilespmem:s3+$0x0] =	vst v7;
	v7 =	vadd.s32 $0x100, v1;
	v2 =	vld.idx.msk [tilespmem:v15+s2+$0x0], $0xffff  }
0x287: {  	s23 =	sor.u32 s19, s14;
	v15 =	vld.idx.msk [tilespmem:v16+s2+$0x0], $0xffff;
	[tilespmem:s8+$0x0] =	vst v8;
	v8 =	vadd.s32 $0xA80, v4  }
0x288: {  	s4 =	sor.u32 s26, s4;
	v16 =	vadd.s32 $0x100, v14;
	v9 =	vld.idx.msk [tilespmem:v9+s2+$0x0], $0xffff;
	[tilespmem:s23+$0x0] =	vst v10  }
0x289: {  	s24 =	sor.u32 $0x8200, s31;
	v10 =	vadd.s32 $0x580, v5;
	v11 =	vld.idx.msk [tilespmem:v11+s2+$0x0], $0xffff;
	[tilespmem:s4+$0x0] =	vst v12  }
0x28a: {  	s25 =	sor.u32 s30, s24;
	[tilespmem:s6+$0x80] =	vst v6;
	v6 =	vadd.s32 $0x600, v0;
	v12 =	vld.idx.msk [tilespmem:v13+s2+$0x0], $0xffff  }
0x28b: {  	v13 =	vadd.s32 $0xA00, v3;
	v7 =	vld.idx.msk [tilespmem:v7+s2+$0x0], $0xffff;
	[tilespmem:s25+$0x0] =	vst v2  }
0x28c: {  	s9 =	sor.u32 s17, s14;
	s10 =	sor.u32 $0x7180, s18;
	[tilespmem:s3+$0x80] =	vst v15;
	v2 =	vld.idx.msk [tilespmem:v8+s2+$0x0], $0xffff;
	v8 =	vadd.s32 $0x180, v1  }
0x28d: {  	s11 =	sor.u32 s19, s10;
	v15 =	vld.idx.msk [tilespmem:v16+s2+$0x0], $0xffff;
	[tilespmem:s9+$0x0] =	vst v9;
	v9 =	vadd.s32 $0xB00, v4  }
0x28e: {  	s7 =	sor.u32 s26, s12;
	v16 =	vadd.s32 $0x180, v14;
	v10 =	vld.idx.msk [tilespmem:v10+s2+$0x0], $0xffff;
	[tilespmem:s11+$0x0] =	vst v11  }
0x28f: {  	v11 =	vadd.s32 $0x600, v5;
	v6 =	vld.idx.msk [tilespmem:v6+s2+$0x0], $0xffff;
	[tilespmem:s7+$0x0] =	vst v12;
	s7 =	sor.u32 $0x8280, s31  }
0x290: {  	[tilespmem:s6+$0x100] =	vst v7;
	v7 =	vadd.s32 $0x680, v0;
	v12 =	vld.idx.msk [tilespmem:v13+s2+$0x0], $0xffff;
	s12 =	sor.u32 s30, s7  }
0x291: {  	v13 =	vadd.s32 $0xA80, v3;
	v8 =	vld.idx.msk [tilespmem:v8+s2+$0x0], $0xffff;
	[tilespmem:s12+$0x0] =	vst v2  }
0x292: {  	s14 =	sor.u32 $0x7200, s18;
	s13 =	sor.u32 s17, s10;
	[tilespmem:s3+$0x100] =	vst v15;
	v2 =	vld.idx.msk [tilespmem:v9+s2+$0x0], $0xffff;
	v9 =	vadd.s32 $0x200, v1  }
0x293: {  	s23 =	sor.u32 s19, s14;
	v15 =	vld.idx.msk [tilespmem:v16+s2+$0x0], $0xffff;
	[tilespmem:s13+$0x0] =	vst v10;
	v10 =	vadd.s32 $0xB80, v4  }
0x294: {  	s4 =	sor.u32 s26, s24;
	v16 =	vadd.s32 $0x200, v14;
	v11 =	vld.idx.msk [tilespmem:v11+s2+$0x0], $0xffff;
	[tilespmem:s23+$0x0] =	vst v6  }
0x295: {  	s24 =	sor.u32 $0x8300, s31;
	v6 =	vadd.s32 $0x680, v5;
	v7 =	vld.idx.msk [tilespmem:v7+s2+$0x0], $0xffff;
	[tilespmem:s4+$0x0] =	vst v12  }
0x296: {  	s25 =	sor.u32 s30, s24;
	[tilespmem:s6+$0x180] =	vst v8;
	v8 =	vadd.s32 $0x700, v0;
	v12 =	vld.idx.msk [tilespmem:v13+s2+$0x0], $0xffff  }
0x297: {  	v13 =	vadd.s32 $0xB00, v3;
	v9 =	vld.idx.msk [tilespmem:v9+s2+$0x0], $0xffff;
	[tilespmem:s25+$0x0] =	vst v2  }
0x298: {  	s10 =	sor.u32 $0x7280, s18;
	s9 =	sor.u32 s17, s14;
	[tilespmem:s3+$0x180] =	vst v15;
	v2 =	vld.idx.msk [tilespmem:v10+s2+$0x0], $0xffff;
	v10 =	vadd.s32 $0x280, v1  }
0x299: {  	s11 =	sor.u32 s19, s10;
	v15 =	vld.idx.msk [tilespmem:v16+s2+$0x0], $0xffff;
	[tilespmem:s9+$0x0] =	vst v11;
	v11 =	vadd.s32 $0xC00, v4  }
0x29a: {  	s7 =	sor.u32 s26, s7;
	v16 =	vadd.s32 $0x280, v14;
	v6 =	vld.idx.msk [tilespmem:v6+s2+$0x0], $0xffff;
	[tilespmem:s11+$0x0] =	vst v7  }
0x29b: {  	v7 =	vadd.s32 $0x700, v5;
	v8 =	vld.idx.msk [tilespmem:v8+s2+$0x0], $0xffff;
	[tilespmem:s7+$0x0] =	vst v12;
	s7 =	sor.u32 $0x8380, s31  }
0x29c: {  	[tilespmem:s6+$0x200] =	vst v9;
	v9 =	vadd.s32 $0x780, v0;
	v12 =	vld.idx.msk [tilespmem:v13+s2+$0x0], $0xffff;
	s12 =	sor.u32 s30, s7  }
0x29d: {  	v13 =	vadd.s32 $0xB80, v3;
	v10 =	vld.idx.msk [tilespmem:v10+s2+$0x0], $0xffff;
	[tilespmem:s12+$0x0] =	vst v2  }
0x29e: {  	s14 =	sor.u32 $0x7300, s18;
	s13 =	sor.u32 s17, s10;
	[tilespmem:s3+$0x200] =	vst v15;
	v2 =	vld.idx.msk [tilespmem:v11+s2+$0x0], $0xffff;
	v11 =	vadd.s32 $0x300, v1  }
0x29f: {  	s23 =	sor.u32 s19, s14;
	v15 =	vld.idx.msk [tilespmem:v16+s2+$0x0], $0xffff;
	[tilespmem:s13+$0x0] =	vst v6;
	v6 =	vadd.s32 $0xC80, v4  }
0x2a0: {  	s4 =	sor.u32 s26, s24;
	v16 =	vadd.s32 $0x300, v14;
	v7 =	vld.idx.msk [tilespmem:v7+s2+$0x0], $0xffff;
	[tilespmem:s23+$0x0] =	vst v8  }
0x2a1: {  	s8 =	sor.u32 $0x9000, s31;
	v8 =	vadd.s32 $0x780, v5;
	v9 =	vld.idx.msk [tilespmem:v9+s2+$0x0], $0xffff;
	[tilespmem:s4+$0x0] =	vst v12  }
0x2a2: {  	s24 =	sor.u32 s30, s8;
	s25 =	simm.s32 $0x2;
	[tilespmem:s6+$0x280] =	vst v10;
	v10 =	vadd.s32 $0x800, v0;
	v12 =	vld.idx.msk [tilespmem:v13+s2+$0x0], $0xffff  }
0x2a3: {  	s10 =	sand.u32 $0x3, s25;
	v13 =	vadd.s32 $0xC00, v3;
	v11 =	vld.idx.msk [tilespmem:v11+s2+$0x0], $0xffff;
	[tilespmem:s24+$0x0] =	vst v2  }
0x2a4: {  	s11 =	sor.u32 s17, s14;
	s12 =	sor.u32 $0x7380, s18;
	s4 =	sshll.u32 s10, $0x5;
	[tilespmem:s3+$0x280] =	vst v15;
	v2 =	vld.idx.msk [tilespmem:v6+s2+$0x0], $0xffff;
	v6 =	vadd.s32 $0x380, v1  }
0x2a5: {  	s13 =	sor.u32 s19, s12;
	s14 =	sadd.s32 $0x200, s4;
	v15 =	vld.idx.msk [tilespmem:v16+s2+$0x0], $0xffff;
	[tilespmem:s11+$0x0] =	vst v7;
	v7 =	vadd.s32 $0xD00, v4  }
0x2a6: {  	s23 =	sor.u32 s26, s7;
	s24 =	sadd.s32 $0x10, s14;
	v16 =	vadd.s32 $0x380, v14;
	v8 =	vld.idx.msk [tilespmem:v8+s2+$0x0], $0xffff;
	[tilespmem:s13+$0x0] =	vst v9  }
0x2a7: {  	s4 =	sor.u32 $0x9080, s31;
	s25 =	sor.u32 $0x300, s24;
	v9 =	vadd.s32 $0x800, v5;
	v10 =	vld.idx.msk [tilespmem:v10+s2+$0x0], $0xffff;
	[tilespmem:s23+$0x0] =	vst v12  }
0x2a8: {  	s10 =	sor.u32 s30, s4;
	[tilespmem:s25+$0x6000] =	vst v11;
	v11 =	vadd.s32 $0x880, v0;
	v12 =	vld.idx.msk [tilespmem:v13+s2+$0x0], $0xffff  }
0x2a9: {  	s28 =	simm.s32 $0x300;
	s29 =	simm.s32 $0x60;
	s9 =	sor.u32 $0x300, s14;
	v6 =	vld.idx.msk [tilespmem:v6+s2+$0x0], $0xffff;
	[tilespmem:s10+$0x0] =	vst v2  }
0x2aa: {  	s7 =	sor.u32 $0x8000, s18;
	s3 =	sor.u32 s17, s12;
	s12 =	rddreg [dreg:$0x5];
	v13 =	vadd.s32 $0xC80, v3;
	[tilespmem:s9+$0x6000] =	vst v15;
	v2 =	vld.idx.msk [tilespmem:v7+s2+$0x0], $0xffff  }
0x2ab: {  	s11 =	sor.u32 s19, s7;
	s6 =	sor.u32 $0x380, s24;
	s24 =	sand.u32 $0xC00, s28;
	v7 =	vadd.s32 $0x400, v1;
	v15 =	vld.idx.msk [tilespmem:v16+s2+$0x0], $0xffff;
	[tilespmem:s3+$0x0] =	vst v8  }
0x2ac: {  	s14 =	sadd.s32 s24, s12;
	s23 =	sand.u32 $0x60, s29;
	v9 =	vld.idx.msk [tilespmem:v9+s2+$0x0], $0xffff;
	[tilespmem:s11+$0x0] =	vst v10  }
0x2ad: {  	s8 =	sor.u32 s26, s8;
	v8 =	vadd.s32 $0xD80, v4;
	s11 =	sadd.s32 s23, s14;
	v10 =	vld.idx.msk [tilespmem:v11+s2+$0x0], $0xffff  }
0x2ae: {  	s3 =	sor.u32 $0x9100, s31;
	[tilespmem:s8+$0x0] =	vst v12;
	v12 =	vadd.s32 $0x400, v14;
	v28 =	vld [tilespmem:s11+$0x0]  }
0x2af: {  	s0 =	sor.u32 s0, s1;
	s25 =	sor.u32 $0x10, s23;
	s13 =	sor.u32 s30, s3;
	[tilespmem:s6+$0x6000] =	vst v6;
	v6 =	vadd.s32 $0x900, v0;
	v11 =	vld.idx.msk [tilespmem:v13+s2+$0x0], $0xffff  }
0x2b0: {  	s0 =	sor.u32 $0x380, s0;
	s9 =	sadd.s32 s25, s14;
	v13 =	vadd.s32 $0x880, v5;
	v7 =	vld.idx.msk [tilespmem:v7+s2+$0x0], $0xffff;
	[tilespmem:s13+$0x0] =	vst v2  }
0x2b1: {  	v17 =	vadd.s32 $0xD00, v3;
	s10 =	sor.u32 $0x8080, s18;
	v2 =	vld [tilespmem:s9+$0x0];
	s13 =	sor.u32 s17, s7;
	[tilespmem:s0+$0x6000] =	vst v15  }
0x2b2: {  	v16 =	vadd.s32 $0x480, v1;
	s12 =	sor.u32 s19, s10;
	v8 =	vld.idx.msk [tilespmem:v8+s2+$0x0], $0xffff;
	[tilespmem:s13+$0x0] =	vst v9  }
0x2b3: {  	s4 =	sor.u32 s26, s4;
	s14 =	sor.u32 $0x7000, s22;
	[tilespmem:s12+$0x0] =	vst v10;
	v10 =	vadd.s32 $0xE00, v4;
	v9 =	vld.idx.msk [tilespmem:v12+s2+$0x0], $0xffff  }
0x2b4: {  	s6 =	sor.u32 s21, s14;
	v6 =	vld.idx.msk [tilespmem:v6+s2+$0x0], $0xffff;
	[tilespmem:s4+$0x0] =	vst v11  }
0x2b5: {  	s12 =	sor.u32 $0x9180, s31;
	v12 =	vadd.s32 $0x980, v0;
	[tilespmem:s6+$0x0] =	vst v7;
	v7 =	vld.idx.msk [tilespmem:v13+s2+$0x0], $0xffff  }
0x2b6: {  	s7 =	sor.u32 s30, s12;
	v15 =	vld.idx.msk [tilespmem:v17+s2+$0x0], $0xffff  }
0x2b7: {  	s0 =	sor.u32 s20, s14;
	s4 =	sor.u32 $0x8100, s18;
	v13 =	vld.idx.msk [tilespmem:v16+s2+$0x0], $0xffff;
	[tilespmem:s7+$0x0] =	vst v8;
	v8 =	vadd.s32 $0x480, v14  }
0x2b8: {  	v11 =	vadd.s32 $0x500, v1;
	s8 =	sor.u32 s19, s4;
	v10 =	vld.idx.msk [tilespmem:v10+s2+$0x0], $0xffff;
	[tilespmem:s0+$0x0] =	vst v9  }
0x2b9: {  	s10 =	sor.u32 s17, s10;
	v17 =	vadd.s32 $0x900, v5;
	v16 =	vld.idx.msk [tilespmem:v2+s2+$0x0], $0xffff;
	[tilespmem:s8+$0x0] =	vst v6  }
0x2ba: {  	s3 =	sor.u32 s26, s3;
	s0 =	sor.u32 $0x7080, s22;
	v6 =	vadd.s32 $0xE80, v4;
	v9 =	vld.idx.msk [tilespmem:v12+s2+$0x0], $0xffff;
	[tilespmem:s10+$0x0] =	vst v7  }
0x2bb: {  	v18 =	vadd.s32 $0x80, v2;
	s7 =	sor.u32 $0x9200, s31;
	s11 =	sor.u32 s21, s0;
	v12 =	vld.idx.msk [tilespmem:v28+s2+$0x0], $0xffff;
	[tilespmem:s3+$0x0] =	vst v15  }
0x2bc: {  	s14 =	sor.u32 $0x6000, s24;
	s13 =	sor.u32 s30, s7;
	v7 =	vld.idx.msk [tilespmem:v8+s2+$0x0], $0xffff;
	[tilespmem:s11+$0x0] =	vst v13;
	v8 =	vadd.s32 $0xA00, v0  }
0x2bd: {  	s9 =	sor.u32 $0x8180, s18;
	s6 =	sor.u32 s25, s14;
	v13 =	vadd.s32 $0x80, v28;
	v11 =	vld.idx.msk [tilespmem:v11+s2+$0x0], $0xffff;
	[tilespmem:s13+$0x0] =	vst v10  }
0x2be: {  	s10 =	sor.u32 s19, s9;
	v10 =	vadd.s32 $0x500, v14;
	[tilespmem:s6+$0x0] =	vst v16;
	v16 =	vld.idx.msk [tilespmem:v17+s2+$0x0], $0xffff  }
0x2bf: {  	s1 =	sor.u32 s23, s14;
	v15 =	vadd.s32 $0x580, v1;
	v6 =	vld.idx.msk [tilespmem:v6+s2+$0x0], $0xffff;
	[tilespmem:s10+$0x0] =	vst v9  }
0x2c0: {  	s0 =	sor.u32 s20, s0;
	s11 =	sor.u32 $0x7100, s22;
	v17 =	vld.idx.msk [tilespmem:v18+s2+$0x0], $0xffff;
	v18 =	vadd.s32 $0x980, v5;
	[tilespmem:s1+$0x0] =	vst v12  }
0x2c1: {  	s13 =	sor.u32 s21, s11;
	v9 =	vadd.s32 $0xF00, v4;
	v8 =	vld.idx.msk [tilespmem:v8+s2+$0x0], $0xffff;
	[tilespmem:s0+$0x0] =	vst v7  }
0x2c2: {  	s4 =	sor.u32 s17, s4;
	s3 =	sor.u32 $0x9280, s31;
	v12 =	vld.idx.msk [tilespmem:v13+s2+$0x0], $0xffff;
	v13 =	vadd.s32 $0x100, v2;
	[tilespmem:s13+$0x0] =	vst v11  }
0x2c3: {  	s14 =	sor.u32 s30, s3;
	v11 =	vadd.s32 $0x100, v28;
	v7 =	vld.idx.msk [tilespmem:v10+s2+$0x0], $0xffff;
	[tilespmem:s4+$0x0] =	vst v16  }
0x2c4: {  	v10 =	vadd.s32 $0xA80, v0;
	v15 =	vld.idx.msk [tilespmem:v15+s2+$0x0], $0xffff;
	s4 =	sor.u32 $0x8200, s18;
	[tilespmem:s14+$0x0] =	vst v6  }
0x2c5: {  	v6 =	vadd.s32 $0x580, v14;
	[tilespmem:s6+$0x80] =	vst v17;
	v17 =	vld.idx.msk [tilespmem:v18+s2+$0x0], $0xffff;
	s10 =	sor.u32 s19, s4  }
0x2c6: {  	v16 =	vadd.s32 $0x600, v1;
	v9 =	vld.idx.msk [tilespmem:v9+s2+$0x0], $0xffff;
	[tilespmem:s10+$0x0] =	vst v8  }
0x2c7: {  	s8 =	sor.u32 $0x7180, s22;
	s11 =	sor.u32 s20, s11;
	v4 =	vadd.s32 $0xF80, v4;
	v13 =	vld.idx.msk [tilespmem:v13+s2+$0x0], $0xffff;
	[tilespmem:s1+$0x80] =	vst v12  }
0x2c8: {  	s13 =	sor.u32 s21, s8;
	v8 =	vadd.s32 $0xA00, v5;
	v11 =	vld.idx.msk [tilespmem:v11+s2+$0x0], $0xffff;
	[tilespmem:s11+$0x0] =	vst v7  }
0x2c9: {  	s9 =	sor.u32 s17, s9;
	s0 =	sor.u32 $0x9300, s31;
	v12 =	vadd.s32 $0x180, v2;
	v10 =	vld.idx.msk [tilespmem:v10+s2+$0x0], $0xffff;
	[tilespmem:s13+$0x0] =	vst v15  }
0x2ca: {  	s14 =	sor.u32 s30, s0;
	v15 =	vadd.s32 $0x180, v28;
	v6 =	vld.idx.msk [tilespmem:v6+s2+$0x0], $0xffff;
	[tilespmem:s9+$0x0] =	vst v17  }
0x2cb: {  	v7 =	vadd.s32 $0xB00, v0;
	v16 =	vld.idx.msk [tilespmem:v16+s2+$0x0], $0xffff;
	[tilespmem:s14+$0x0] =	vst v9  }
0x2cc: {  	s9 =	sor.u32 $0x8280, s18;
	v9 =	vadd.s32 $0x600, v14;
	v4 =	vld.idx.msk [tilespmem:v4+s2+$0x0], $0xffff;
	[tilespmem:s6+$0x100] =	vst v13  }
0x2cd: {  	s11 =	sor.u32 s19, s9;
	v13 =	vadd.s32 $0x680, v1;
	v8 =	vld.idx.msk [tilespmem:v8+s2+$0x0], $0xffff;
	[tilespmem:s1+$0x100] =	vst v11  }
0x2ce: {  	s8 =	sor.u32 s20, s8;
	v17 =	vadd.s32 $0xD80, v3;
	v12 =	vld.idx.msk [tilespmem:v12+s2+$0x0], $0xffff;
	[tilespmem:s11+$0x0] =	vst v10;
	s11 =	sor.u32 $0x7200, s22  }
0x2cf: {  	s10 =	sor.u32 $0x9380, s31;
	v10 =	vadd.s32 $0xA80, v5;
	v11 =	vld.idx.msk [tilespmem:v15+s2+$0x0], $0xffff;
	[tilespmem:s8+$0x0] =	vst v6;
	s13 =	sor.u32 s21, s11  }
0x2d0: {  	s14 =	sor.u32 s30, s10;
	v15 =	vadd.s32 $0x200, v2;
	v7 =	vld.idx.msk [tilespmem:v7+s2+$0x0], $0xffff;
	[tilespmem:s13+$0x0] =	vst v16  }
0x2d1: {  	s4 =	sor.u32 s17, s4;
	v6 =	vld.idx.msk [tilespmem:v9+s2+$0x0], $0xffff;
	v9 =	vadd.s32 $0xB80, v0;
	[tilespmem:s14+$0x0] =	vst v4  }
0x2d2: {  	v16 =	vadd.s32 $0x200, v28;
	v13 =	vld.idx.msk [tilespmem:v13+s2+$0x0], $0xffff;
	[tilespmem:s4+$0x0] =	vst v8  }
0x2d3: {  	v4 =	vadd.s32 $0x680, v14;
	s4 =	sor.u32 $0x8300, s18;
	v8 =	vld.idx.msk [tilespmem:v17+s2+$0x0], $0xffff;
	[tilespmem:s6+$0x180] =	vst v12  }
0x2d4: {  	v12 =	vadd.s32 $0x700, v1;
	s13 =	sor.u32 s19, s4;
	v10 =	vld.idx.msk [tilespmem:v10+s2+$0x0], $0xffff;
	[tilespmem:s1+$0x180] =	vst v11  }
0x2d5: {  	v17 =	vadd.s32 $0xE00, v3;
	s14 =	sor.u32 s20, s11;
	s11 =	sor.u32 $0x7280, s22;
	v15 =	vld.idx.msk [tilespmem:v15+s2+$0x0], $0xffff;
	[tilespmem:s13+$0x0] =	vst v7  }
0x2d6: {  	v7 =	vadd.s32 $0xB00, v5;
	s13 =	sor.u32 s21, s11;
	v9 =	vld.idx.msk [tilespmem:v9+s2+$0x0], $0xffff;
	[tilespmem:s14+$0x0] =	vst v6  }
0x2d7: {  	v19 =	vadd.s32 $0xE80, v3;
	v20 =	vadd.s32 $0x280, v2;
	v18 =	vld.idx.msk [tilespmem:v16+s2+$0x0], $0xffff;
	s14 =	sor.u32 s26, s12;
	[tilespmem:s13+$0x0] =	vst v13  }
0x2d8: {  	s9 =	sor.u32 s17, s9;
	v11 =	vadd.s32 $0xF80, v3;
	v6 =	vadd.s32 $0xF00, v3;
	v3 =	vld.idx.msk [tilespmem:v4+s2+$0x0], $0xffff;
	v4 =	vadd.s32 $0xC00, v0;
	[tilespmem:s14+$0x0] =	vst v8  }
0x2d9: {  	v21 =	vadd.s32 $0xB80, v5;
	v27 =	vadd.s32 $0xC00, v5;
	s12 =	sor.u32 $0x8380, s18;
	v12 =	vld.idx.msk [tilespmem:v12+s2+$0x0], $0xffff;
	[tilespmem:s9+$0x0] =	vst v10  }
0x2da: {  	v25 =	vadd.s32 $0xC80, v5;
	v24 =	vadd.s32 $0xD00, v5;
	v63 =	vadd.s32 $0xD80, v5;
	v17 =	vld.idx.msk [tilespmem:v17+s2+$0x0], $0xffff;
	[tilespmem:s6+$0x200] =	vst v15;
	s9 =	sor.u32 s19, s12  }
0x2db: {  	v58 =	vadd.s32 $0xE00, v5;
	v56 =	vadd.s32 $0xE80, v5;
	v22 =	vadd.s32 $0x280, v28;
	v7 =	vld.idx.msk [tilespmem:v7+s2+$0x0], $0xffff;
	[tilespmem:s9+$0x0] =	vst v9  }
0x2dc: {  	v16 =	vadd.s32 $0xF00, v5;
	v13 =	vadd.s32 $0xF80, v5;
	v8 =	vadd.s32 $0x900, v14;
	v5 =	vld.idx.msk [tilespmem:v20+s2+$0x0], $0xffff;
	[tilespmem:s1+$0x200] =	vst v18  }
0x2dd: {  	v4 =	vld.idx.msk [tilespmem:v4+s2+$0x0], $0xffff;
	[tilespmem:$0x1FE60] =	vst v8;
	v8 =	vadd.s32 $0x980, v14  }
0x2de: {  	v23 =	vadd.s32 $0x700, v14;
	s11 =	sor.u32 s20, s11;
	s13 =	sor.u32 $0x7300, s22;
	[tilespmem:$0x1FE70] =	vst v8  }
0x2df: {  	s14 =	sor.u32 s21, s13;
	v15 =	vadd.s32 $0x780, v1;
	[tilespmem:s11+$0x0] =	vst v3  }
0x2e0: {  	[tilespmem:s14+$0x0] =	vst v12;
	v3 =	vadd.s32 $0xA00, v14  }
0x2e1: {  	v53 =	vld.idx.msk [tilespmem:v22+s2+$0x0], $0xffff;
	[tilespmem:$0x1FE80] =	vst v3;
	v3 =	vadd.s32 $0xA80, v14  }
0x2e2: {  	v55 =	vadd.s32 $0xC80, v0;
	v54 =	vadd.s32 $0x300, v2;
	s7 =	sor.u32 s26, s7;
	[tilespmem:$0x1FE90] =	vst v3  }
0x2e3: {  	v30 =	vadd.s32 $0x780, v14;
	v50 =	vadd.s32 $0x800, v14;
	v38 =	vadd.s32 $0xB00, v14;
	s4 =	sor.u32 s17, s4;
	v3 =	vld.idx.msk [tilespmem:v23+s2+$0x0], $0xffff;
	[tilespmem:s7+$0x0] =	vst v17  }
0x2e4: {  	v29 =	vadd.s32 $0xB80, v14;
	v26 =	vadd.s32 $0xC00, v14;
	v57 =	vadd.s32 $0x300, v28;
	v59 =	vld.idx.msk [tilespmem:v15+s2+$0x0], $0xffff;
	[tilespmem:s4+$0x0] =	vst v7;
	s7 =	sor.u32 $0x9000, s18  }
0x2e5: {  	v10 =	vadd.s32 $0xC80, v14;
	v20 =	vadd.s32 $0xE00, v14;
	[tilespmem:s6+$0x280] =	vst v5;
	v5 =	vadd.s32 $0x800, v1;
	v17 =	vld.idx.msk [tilespmem:v19+s2+$0x0], $0xffff;
	s6 =	sor.u32 s19, s7  }
0x2e6: {  	v9 =	vadd.s32 $0x880, v14;
	v18 =	vadd.s32 $0xE80, v14;
	v22 =	vadd.s32 $0xD80, v14;
	v19 =	vld.idx.msk [tilespmem:v21+s2+$0x0], $0xffff;
	[tilespmem:s6+$0x0] =	vst v4  }
0x2e7: {  	s8 =	sor.u32 s20, s13;
	v12 =	vadd.s32 $0xF80, v14;
	v23 =	vadd.s32 $0xD00, v14;
	v15 =	vadd.s32 $0xF00, v14;
	v14 =	vld.idx.msk [tilespmem:v54+s2+$0x0], $0xffff;
	[tilespmem:s1+$0x280] =	vst v53;
	s1 =	sor.u32 $0x7380, s22  }
0x2e8: {  	s30 =	simm.s32 $0x3;
	v21 =	vld.idx.msk [tilespmem:v55+s2+$0x0], $0xffff;
	s11 =	sor.u32 s21, s1;
	[tilespmem:s8+$0x0] =	vst v3  }
0x2e9: {  	v61 =	vadd.s32 $0xD00, v0;
	v49 =	vadd.s32 $0x400, v28;
	v47 =	vadd.s32 $0x480, v28;
	s3 =	sor.u32 s26, s3;
	s9 =	sand.u32 $0x3, s30;
	v51 =	vld.idx.msk [tilespmem:v57+s2+$0x0], $0xffff;
	[tilespmem:s11+$0x0] =	vst v59  }
0x2ea: {  	v46 =	vadd.s32 $0x500, v28;
	v60 =	vadd.s32 $0x380, v2;
	s6 =	sshll.u32 s9, $0x5;
	v62 =	vld.idx.msk [tilespmem:v5+s2+$0x0], $0xffff;
	[tilespmem:s3+$0x0] =	vst v17;
	v5 =	vadd.s32 $0x980, v28  }
0x2eb: {  	v45 =	vadd.s32 $0x580, v28;
	v44 =	vadd.s32 $0x600, v28;
	v43 =	vadd.s32 $0x680, v28;
	s13 =	sor.u32 s17, s12;
	s8 =	sadd.s32 $0x300, s6;
	v3 =	vld.idx.msk [tilespmem:v30+s2+$0x0], $0xffff;
	[tilespmem:$0x1FEA0] =	vst v5  }
0x2ec: {  	v42 =	vadd.s32 $0x700, v28;
	v4 =	vadd.s32 $0x380, v28;
	s6 =	sadd.s32 $0x10, s8;
	v5 =	vadd.s32 $0xA00, v28;
	[tilespmem:s13+$0x0] =	vst v19  }
0x2ed: {  	v37 =	vadd.s32 $0x780, v28;
	v48 =	vadd.s32 $0x880, v28;
	v41 =	vadd.s32 $0x900, v28;
	s9 =	sor.u32 $0x9080, s18;
	s14 =	sor.u32 $0x300, s6;
	v53 =	vld.idx.msk [tilespmem:v6+s2+$0x0], $0xffff;
	[tilespmem:$0x1FEB0] =	vst v5  }
0x2ee: {  	v36 =	vadd.s32 $0xA80, v28;
	v40 =	vadd.s32 $0xB00, v28;
	v34 =	vadd.s32 $0xC80, v28;
	s11 =	sor.u32 s19, s9;
	[tilespmem:s14+$0x6000] =	vst v14;
	v54 =	vld.idx.msk [tilespmem:v27+s2+$0x0], $0xffff  }
0x2ef: {  	v32 =	vadd.s32 $0xD00, v28;
	s0 =	sor.u32 s26, s0;
	v8 =	vadd.s32 $0x800, v28;
	v55 =	vadd.s32 $0x400, v2;
	s8 =	sor.u32 $0x300, s8;
	[tilespmem:s11+$0x0] =	vst v21;
	v5 =	vld.idx.msk [tilespmem:v60+s2+$0x0], $0xffff  }
0x2f0: {  	s12 =	sor.u32 s28, s29;
	s1 =	sor.u32 s20, s1;
	v30 =	vadd.s32 $0xB80, v28;
	v17 =	vadd.s32 $0xE80, v28;
	v19 =	vadd.s32 $0xE00, v28;
	s13 =	sor.u32 $0x8000, s22;
	[tilespmem:s8+$0x6000] =	vst v51;
	v52 =	vld.idx.msk [tilespmem:v61+s2+$0x0], $0xffff  }
0x2f1: {  	s26 =	sor.u32 s26, s10;
	s31 =	sor.u32 $0x380, s12;
	v27 =	vadd.s32 $0xC00, v28;
	v21 =	vadd.s32 $0xD80, v28;
	v14 =	vadd.s32 $0xF00, v28;
	s14 =	sor.u32 s21, s13;
	v6 =	vld.idx.msk [tilespmem:v4+s2+$0x0], $0xffff;
	[tilespmem:s1+$0x0] =	vst v3  }
0x2f2: {  	s3 =	sor.u32 s17, s7;
	s10 =	sor.u32 s20, s13;
	v28 =	vadd.s32 $0xF80, v28;
	[tilespmem:s14+$0x0] =	vst v62;
	v3 =	vadd.s32 $0x880, v1;
	s1 =	sor.u32 s17, s9;
	v4 =	vld.idx.msk [tilespmem:v50+s2+$0x0], $0xffff;
	v50 =	vadd.s32 $0xD80, v0  }
.LBB2_5:
0x2f3: {  	[tilespmem:$0x1FDD0] =	vst v14  }
0x2f4: {  	[tilespmem:$0x1FD80] =	vst v29  }
0x2f5: {  	[tilespmem:$0x1FDE0] =	vst v26  }
0x2f6: {  	[tilespmem:$0x1FE30] =	vst v8  }
0x2f7: {  	[tilespmem:s0+$0x0] =	vst v53  }
0x2f8: {  	v8 =	vmov v28;
	[tilespmem:s3+$0x0] =	vst v54  }
0x2f9: {  	s12 =	sor.u32 $0x380, s6;
	[tilespmem:$0x1FDF0] =	vst v8  }
0x2fa: {  	v51 =	vld.idx.msk [tilespmem:v3+s2+$0x0], $0xffff;
	s8 =	sor.u32 $0x9100, s18;
	v3 =	vmov v34;
	[tilespmem:s12+$0x6000] =	vst v5  }
0x2fb: {  	s28 =	sadd.s32 $0x100, s28;
	s29 =	sadd.s32 $0x20, s29;
	s13 =	sor.u32 s19, s8;
	[tilespmem:$0x1FE00] =	vst v3;
	v39 =	vld.idx.msk [tilespmem:v55+s2+$0x0], $0xffff  }
0x2fc: {  	s4 =	rddreg [dreg:$0x5];
	s7 =	sand.u32 $0x60, s29;
	s6 =	sand.u32 $0xC00, s28;
	v53 =	vld.idx.msk [tilespmem:v11+s2+$0x0], $0xffff;
	[tilespmem:s13+$0x0] =	vst v52  }
0x2fd: {  	v5 =	vadd.s32 $0x900, v1;
	s4 =	sadd.s32 s6, s4;
	s3 =	sor.u32 $0x10, s7;
	v13 =	vmov v13;
	v28 =	vld.idx.msk [tilespmem:v25+s2+$0x0], $0xffff;
	[tilespmem:s31+$0x6000] =	vst v6  }
0x2fe: {  	s14 =	sadd.s32 s7, s4;
	s4 =	sadd.s32 s3, s4;
	[tilespmem:$0x1FDA0] =	vst v13;
	v6 =	vld.idx.msk [tilespmem:v50+s2+$0x0], $0xffff  }
0x2ff: {  	s11 =	sor.u32 $0x8080, s22;
	v7 =	vmov v10;
	v3 =	vld [tilespmem:s4+$0x0];
	[tilespmem:s10+$0x0] =	vst v4  }
0x300: {  	v33 =	vadd.s32 $0x480, v2;
	s12 =	sor.u32 s21, s11;
	[tilespmem:$0x1FDC0] =	vst v7;
	v7 =	vld [tilespmem:s14+$0x0]  }
0x301: {  	[tilespmem:s12+$0x0] =	vst v51;
	v4 =	vadd.s32 $0xE00, v0  }
0x302: {  	s13 =	sor.u32 $0x7000, s24;
	v5 =	vld.idx.msk [tilespmem:v5+s2+$0x0], $0xffff;
	[tilespmem:s26+$0x0] =	vst v53  }
0x303: {  	s0 =	sor.u32 s25, s13;
	s26 =	sor.u32 $0x9180, s18;
	v51 =	vld.idx.msk [tilespmem:v49+s2+$0x0], $0xffff;
	[tilespmem:s1+$0x0] =	vst v28  }
0x304: {  	s4 =	sor.u32 s20, s11;
	[tilespmem:s0+$0x0] =	vst v39;
	s11 =	sor.u32 s19, s26;
	v28 =	vld.idx.msk [tilespmem:v9+s2+$0x0], $0xffff  }
0x305: {  	s9 =	sor.u32 s28, s29;
	s12 =	sor.u32 $0x8100, s22;
	v39 =	vadd.s32 $0x980, v1;
	v9 =	vmov v48;
	v48 =	vld.idx.msk [tilespmem:v33+s2+$0x0], $0xffff;
	[tilespmem:s11+$0x0] =	vst v6;
	v13 =	vadd.s32 $0x800, v7  }
0x306: {  	v55 =	vadd.s32 $0x500, v2;
	s31 =	sor.u32 $0x380, s9;
	s9 =	sor.u32 s21, s12;
	v6 =	vld.idx.msk [tilespmem:v4+s2+$0x0], $0xffff;
	[tilespmem:$0x1FE50] =	vst v13  }
0x307: {  	s14 =	sor.u32 s23, s13;
	v33 =	vld.idx.msk [tilespmem:v3+s2+$0x0], $0xffff;
	[tilespmem:s9+$0x0] =	vst v5;
	v5 =	vadd.s32 $0xE80, v0  }
0x308: {  	s13 =	sor.u32 $0x7080, s24;
	v59 =	vld.idx.msk [tilespmem:v24+s2+$0x0], $0xffff;
	[tilespmem:s14+$0x0] =	vst v51  }
0x309: {  	s10 =	sor.u32 s17, s8;
	s8 =	sor.u32 s25, s13;
	s14 =	sor.u32 $0x9200, s18;
	v61 =	vld.idx.msk [tilespmem:v7+s2+$0x0], $0xffff;
	[tilespmem:s4+$0x0] =	vst v28  }
0x30a: {  	v39 =	vld.idx.msk [tilespmem:v39+s2+$0x0], $0xffff;
	[tilespmem:s8+$0x0] =	vst v48;
	s4 =	sor.u32 s19, s14  }
0x30b: {  	v11 =	vmov v12;
	v52 =	vmov v23;
	v13 =	vld.idx.msk [tilespmem:v55+s2+$0x0], $0xffff;
	[tilespmem:s4+$0x0] =	vst v6  }
0x30c: {  	v12 =	vadd.s32 $0xA00, v1;
	v25 =	vmovc v16;
	v23 =	vmovc v37;
	v37 =	vmov v17;
	v17 =	vadd.s32 $0x580, v2;
	[tilespmem:$0x1FE10] =	vst v11;
	v16 =	vld.idx.msk [tilespmem:v5+s2+$0x0], $0xffff  }
0x30d: {  	v11 =	vadd.s32 $0x80, v3;
	v57 =	vadd.s32 $0x80, v7;
	v8 =	vadd.s32 $0x100, v7;
	[tilespmem:$0x1FE40] =	vst v9;
	v4 =	vmovc v32;
	v5 =	vld [tilespmem:$0x1FE60]  }
0x30e: {  	v29 =	vmovc v63;
	v26 =	vmovc v58;
	v63 =	vadd.s32 $0x180, v7;
	v58 =	vadd.s32 $0x200, v7;
	[tilespmem:$0x1FDB0] =	vst v4;
	v4 =	vadd.s32 $0x300, v7  }
0x30f: {  	v54 =	vadd.s32 $0x280, v7;
	v49 =	vadd.s32 $0x400, v7;
	[tilespmem:$0x1FD90] =	vst v4;
	v4 =	vadd.s32 $0x380, v7  }
0x310: {  	s1 =	sor.u32 s17, s26;
	s26 =	sor.u32 $0x6000, s6;
	v34 =	vadd.s32 $0x480, v7;
	v10 =	vadd.s32 $0x580, v7;
	v60 =	vadd.s32 $0x680, v7;
	s9 =	sor.u32 s23, s13;
	[tilespmem:$0x1FE20] =	vst v4  }
0x311: {  	v24 =	vmovc v56;
	v56 =	vadd.s32 $0x700, v7;
	v53 =	vadd.s32 $0x780, v7;
	v35 =	vadd.s32 $0x900, v7;
	s13 =	sor.u32 s17, s14;
	s14 =	sor.u32 s3, s26;
	s8 =	sor.u32 $0x8180, s22;
	v28 =	vld.idx.msk [tilespmem:v47+s2+$0x0], $0xffff;
	[tilespmem:s10+$0x0] =	vst v59  }
0x312: {  	v31 =	vmovc v36;
	v36 =	vmovc v21;
	v14 =	vadd.s32 $0x980, v7;
	v62 =	vadd.s32 $0xB00, v7;
	v9 =	vadd.s32 $0x500, v7;
	s4 =	sor.u32 s21, s8;
	s10 =	sor.u32 $0x7100, s24;
	[tilespmem:s14+$0x0] =	vst v33  }
0x313: {  	v50 =	vmovc v27;
	v32 =	vadd.s32 $0xD00, v7;
	v4 =	vadd.s32 $0x600, v7;
	v51 =	vmovc v15;
	v15 =	vadd.s32 $0xA00, v7;
	v11 =	vld.idx.msk [tilespmem:v11+s2+$0x0], $0xffff;
	[tilespmem:s4+$0x0] =	vst v39;
	s4 =	sor.u32 s25, s10  }
0x314: {  	v27 =	vmovc v18;
	s0 =	sor.u32 s20, s12;
	s12 =	sor.u32 s7, s26;
	v48 =	vadd.s32 $0x880, v7;
	v47 =	vmovc v34;
	v6 =	vadd.s32 $0xA80, v7;
	v59 =	vadd.s32 $0xB80, v7;
	v12 =	vld.idx.msk [tilespmem:v12+s2+$0x0], $0xffff;
	[tilespmem:s4+$0x0] =	vst v13  }
0x315: {  	v55 =	vadd.s32 $0xC00, v7;
	v18 =	vld.idx.msk [tilespmem:v5+s2+$0x0], $0xffff;
	v5 =	vmovc v41;
	v41 =	vmovc v35;
	v35 =	vmov v19;
	v19 =	vadd.s32 $0xF00, v0;
	[tilespmem:s12+$0x0] =	vst v61  }
0x316: {  	v34 =	vadd.s32 $0xC80, v7;
	v39 =	vmovc v30;
	v30 =	vmovc v20;
	v20 =	vadd.s32 $0xD80, v7;
	v61 =	vadd.s32 $0xE80, v7;
	v21 =	vld.idx.msk [tilespmem:v57+s2+$0x0], $0xffff;
	[tilespmem:s9+$0x0] =	vst v28  }
0x317: {  	s26 =	sor.u32 $0x9280, s18;
	[tilespmem:$0x1FE60] =	vst v5;
	v5 =	vadd.s32 $0xE00, v7;
	v57 =	vadd.s32 $0xF00, v7;
	v28 =	vadd.s32 $0xF80, v7;
	v7 =	vld.idx.msk [tilespmem:v46+s2+$0x0], $0xffff  }
0x318: {  	s9 =	sor.u32 s19, s26;
	v46 =	vmov v9;
	v9 =	vld.idx.msk [tilespmem:v17+s2+$0x0], $0xffff  }
0x319: {  	[tilespmem:s9+$0x0] =	vst v16;
	v17 =	vld [tilespmem:$0x1FE70]  }
0x31a: {  	v16 =	vld.idx.msk [tilespmem:v19+s2+$0x0], $0xffff  }
0x31b: {  	v19 =	vld [tilespmem:$0x1FEA0];
	_ =	sdelay $0x2  }
0x31c: {  	v33 =	vmov v22;
	v22 =	vadd.s32 $0x100, v3  }
0x31d: {  	[tilespmem:s0+$0x0] =	vst v18  }
0x31e: {  	s11 =	sor.u32 s20, s8;
	[tilespmem:s14+$0x80] =	vst v11;
	v18 =	vmov v19  }
0x31f: {  	s8 =	sor.u32 s23, s10;
	s10 =	sor.u32 s17, s26;
	v13 =	vadd.s32 $0xA80, v1;
	s26 =	sor.u32 $0x8200, s22;
	v17 =	vld.idx.msk [tilespmem:v17+s2+$0x0], $0xffff;
	[tilespmem:s12+$0x80] =	vst v21  }
0x320: {  	v11 =	vadd.s32 $0x600, v2;
	s0 =	sor.u32 s21, s26;
	[tilespmem:$0x1FE70] =	vst v18  }
0x321: {  	v18 =	vmov v14;
	v14 =	vld.idx.msk [tilespmem:v22+s2+$0x0], $0xffff;
	[tilespmem:s0+$0x0] =	vst v12;
	v12 =	vadd.s32 $0xF80, v0  }
0x322: {  	s9 =	sor.u32 $0x7180, s24;
	v8 =	vld.idx.msk [tilespmem:v8+s2+$0x0], $0xffff;
	[tilespmem:s8+$0x0] =	vst v7  }
0x323: {  	s4 =	sor.u32 s20, s26;
	s26 =	sor.u32 $0x9300, s18;
	v7 =	vld.idx.msk [tilespmem:v45+s2+$0x0], $0xffff;
	s0 =	sor.u32 s25, s9  }
0x324: {  	s8 =	sor.u32 s23, s9;
	v0 =	vmov v1;
	v1 =	vmov v2;
	v2 =	vmov v3;
	s9 =	sor.u32 s19, s26;
	v3 =	vld.idx.msk [tilespmem:v13+s2+$0x0], $0xffff;
	[tilespmem:s0+$0x0] =	vst v9  }
0x325: {  	v45 =	vmov v10;
	v10 =	vld.idx.msk [tilespmem:v11+s2+$0x0], $0xffff;
	[tilespmem:s9+$0x0] =	vst v16  }
0x326: {  	v11 =	vld.idx.msk [tilespmem:v12+s2+$0x0], $0xffff  }
0x327: {  	[tilespmem:s14+$0x100] =	vst v14;
	v14 =	vld [tilespmem:$0x1FE80]  }
0x328: {  	v13 =	vadd.s32 $0x180, v2  }
0x329: {  	v9 =	vadd.s32 $0xB00, v0;
	_ =	sdelay $0x1  }
0x32a: {  	s0 =	sor.u32 s17, s26;
	s26 =	sor.u32 $0x8280, s22  }
0x32b: {  	s9 =	sor.u32 s21, s26  }
0x32c: {  	v12 =	vadd.s32 $0x680, v1;
	v13 =	vld.idx.msk [tilespmem:v13+s2+$0x0], $0xffff;
	[tilespmem:s9+$0x0] =	vst v3  }
0x32d: {  	[tilespmem:s11+$0x0] =	vst v17;
	v3 =	vld.idx.msk [tilespmem:v9+s2+$0x0], $0xffff  }
0x32e: {  	s11 =	sor.u32 s20, s26;
	s26 =	sor.u32 $0x7200, s24;
	v14 =	vld.idx.msk [tilespmem:v14+s2+$0x0], $0xffff;
	[tilespmem:s12+$0x100] =	vst v8  }
0x32f: {  	s18 =	sor.u32 $0x9380, s18;
	s9 =	sor.u32 s25, s26;
	v8 =	vld.idx.msk [tilespmem:v63+s2+$0x0], $0xffff;
	[tilespmem:s8+$0x0] =	vst v7  }
0x330: {  	v9 =	vadd.s32 $0x200, v2;
	[tilespmem:s9+$0x0] =	vst v10;
	s8 =	sor.u32 s23, s26;
	s26 =	sor.u32 s17, s18;
	s18 =	sor.u32 s19, s18;
	v7 =	vld.idx.msk [tilespmem:v44+s2+$0x0], $0xffff  }
0x331: {  	v44 =	vmov v4;
	v4 =	vld.idx.msk [tilespmem:v12+s2+$0x0], $0xffff;
	[tilespmem:s18+$0x0] =	vst v11  }
0x332: {  	v10 =	vadd.s32 $0xB80, v0;
	[tilespmem:s14+$0x180] =	vst v13;
	v13 =	vld [tilespmem:$0x1FE90]  }
0x333: {  	s17 =	smov.u32 s20;
	s18 =	smov.u32 s22  }
0x334: {  	s20 =	smov.u32 s23;
	s22 =	smov.u32 s24;
	v12 =	vadd.s32 $0x700, v1;
	s19 =	sor.u32 $0x8300, s18  }
0x335: {  	v22 =	vmov v36;
	v36 =	vmov v6;
	s23 =	smov.u32 s7;
	s7 =	sor.u32 $0x7280, s22;
	s9 =	sor.u32 s21, s19;
	v6 =	vld.idx.msk [tilespmem:v9+s2+$0x0], $0xffff;
	[tilespmem:s4+$0x0] =	vst v14  }
0x336: {  	v9 =	vadd.s32 $0x280, v2;
	s4 =	sor.u32 s17, s19;
	s19 =	smov.u32 s21;
	[tilespmem:s9+$0x0] =	vst v3;
	s21 =	smov.u32 s25  }
0x337: {  	s25 =	smov.u32 s3;
	v3 =	vld.idx.msk [tilespmem:v10+s2+$0x0], $0xffff;
	s3 =	sor.u32 s21, s7  }
0x338: {  	v11 =	vld.idx.msk [tilespmem:v29+s2+$0x0], $0xffff;
	[tilespmem:s3+$0x0] =	vst v4  }
0x339: {  	v10 =	vld.idx.msk [tilespmem:v12+s2+$0x0], $0xffff  }
0x33a: {  	s9 =	sor.u32 s20, s7;
	s7 =	sor.u32 $0x8380, s18;
	v4 =	vadd.s32 $0xC00, v0;
	[tilespmem:s14+$0x200] =	vst v6;
	v13 =	vld.idx.msk [tilespmem:v13+s2+$0x0], $0xffff  }
0x33b: {  	s3 =	sor.u32 s19, s7;
	v9 =	vld.idx.msk [tilespmem:v9+s2+$0x0], $0xffff;
	[tilespmem:s12+$0x180] =	vst v8  }
0x33c: {  	[tilespmem:s3+$0x0] =	vst v3;
	v8 =	vld.idx.msk [tilespmem:v58+s2+$0x0], $0xffff  }
0x33d: {  	v19 =	vmov v5;
	v5 =	vadd.s32 $0x780, v1;
	[tilespmem:s8+$0x0] =	vst v7  }
0x33e: {  	s8 =	sor.u32 $0x7300, s22;
	v7 =	vld.idx.msk [tilespmem:v43+s2+$0x0], $0xffff;
	[tilespmem:s1+$0x0] =	vst v11  }
0x33f: {  	v3 =	vld.idx.msk [tilespmem:v4+s2+$0x0], $0xffff;
	s3 =	sor.u32 s21, s8;
	[tilespmem:s11+$0x0] =	vst v13  }
0x340: {  	[tilespmem:s3+$0x0] =	vst v10;
	v11 =	vld.idx.msk [tilespmem:v26+s2+$0x0], $0xffff  }
0x341: {  	v6 =	vld.idx.msk [tilespmem:v38+s2+$0x0], $0xffff;
	[tilespmem:s12+$0x200] =	vst v8;
	v8 =	vadd.s32 $0x300, v2  }
0x342: {  	v5 =	vld.idx.msk [tilespmem:v5+s2+$0x0], $0xffff  }
0x343: {  	v4 =	vld.idx.msk [tilespmem:v54+s2+$0x0], $0xffff;
	[tilespmem:s9+$0x0] =	vst v7  }
0x344: {  	[tilespmem:s14+$0x280] =	vst v9;
	v7 =	vld.idx.msk [tilespmem:v42+s2+$0x0], $0xffff  }
0x345: {  	s11 =	sor.u32 $0x9000, s18;
	[tilespmem:s13+$0x0] =	vst v11;
	v11 =	vld [tilespmem:$0x1FD80]  }
0x346: {  	v8 =	vld.idx.msk [tilespmem:v8+s2+$0x0], $0xffff;
	[tilespmem:s4+$0x0] =	vst v6;
	s4 =	sor.u32 s19, s11  }
0x347: {  	[tilespmem:s4+$0x0] =	vst v3;
	v3 =	vld [tilespmem:$0x1FD90];
	_ =	sdelay $0x1  }
0x348: {  	v10 =	vadd.s32 $0xC80, v0;
	_ =	sdelay $0x2  }
0x349: {  	v6 =	vld.idx.msk [tilespmem:v24+s2+$0x0], $0xffff  }
0x34a: {  	v11 =	vld.idx.msk [tilespmem:v11+s2+$0x0], $0xffff  }
0x34b: {  	s14 =	sor.u32 $0x7380, s22;
	s9 =	sor.u32 s20, s8;
	[tilespmem:s12+$0x280] =	vst v4;
	v4 =	vld.idx.msk [tilespmem:v10+s2+$0x0], $0xffff  }
0x34c: {  	v10 =	vld.idx.msk [tilespmem:v3+s2+$0x0], $0xffff;
	[tilespmem:s9+$0x0] =	vst v7;
	s9 =	sor.u32 s21, s14  }
0x34d: {  	[tilespmem:s9+$0x0] =	vst v5;
	v5 =	vld [tilespmem:$0x1FDE0];
	_ =	sdelay $0x1  }
0x34e: {  	s30 =	sadd.s32 $0x1, s30;
	v9 =	vadd.s32 $0x800, v1  }
0x34f: {  	s13 =	sand.u32 $0x3, s30  }
0x350: {  	v12 =	vadd.s32 $0x380, v2;
	s4 =	sshll.u32 s13, $0x5  }
0x351: {  	s4 =	sadd.s32 s4, s28  }
0x352: {  	s24 =	smov.u32 s6;
	s1 =	sor.u32 s17, s7;
	s6 =	sadd.s32 $0x10, s4;
	v7 =	vld.idx.msk [tilespmem:v23+s2+$0x0], $0xffff;
	[tilespmem:s10+$0x0] =	vst v6  }
0x353: {  	s3 =	sor.u32 s17, s11;
	s11 =	sor.u32 $0x300, s4;
	s4 =	sor.u32 $0x300, s6;
	v9 =	vld.idx.msk [tilespmem:v9+s2+$0x0], $0xffff;
	[tilespmem:s1+$0x0] =	vst v11  }
0x354: {  	s12 =	sor.u32 $0x9080, s18;
	[tilespmem:s4+$0x6000] =	vst v8;
	v54 =	vld.idx.msk [tilespmem:v5+s2+$0x0], $0xffff  }
0x355: {  	s13 =	sor.u32 s19, s12;
	v5 =	vld.idx.msk [tilespmem:v12+s2+$0x0], $0xffff  }
0x356: {  	[tilespmem:s13+$0x0] =	vst v4;
	v4 =	vld [tilespmem:$0x1FE20];
	_ =	sdelay $0x2  }
0x357: {  	v17 =	vld [tilespmem:$0x1FEB0]  }
0x358: {  	v3 =	vld [tilespmem:$0x1FDD0]  }
0x359: {  	v23 =	vld [tilespmem:$0x1FDB0]  }
0x35a: {  	[tilespmem:$0x1FEA0] =	vst v18;
	v11 =	vld [tilespmem:$0x1FDA0]  }
0x35b: {  	v18 =	vmov v37;
	v37 =	vmov v53;
	v53 =	vld.idx.msk [tilespmem:v25+s2+$0x0], $0xffff;
	[tilespmem:s11+$0x6000] =	vst v10  }
0x35c: {  	v16 =	vmov v17;
	v6 =	vld.idx.msk [tilespmem:v4+s2+$0x0], $0xffff  }
0x35d: {  	v13 =	vadd.s32 $0xD00, v0;
	v4 =	vld [tilespmem:$0x1FE30]  }
0x35e: {  	v25 =	vld [tilespmem:$0x1FDC0]  }
0x35f: {  	[tilespmem:$0x1FE80] =	vst v16;
	v16 =	vmov v15;
	s8 =	sor.u32 s20, s14;
	v12 =	vld [tilespmem:$0x1FDF0]  }
0x360: {  	p0 =	slt.u32 s29, $0x1E0;
	v14 =	vmov v31;
	[tilespmem:s8+$0x0] =	vst v7;
	v7 =	vld [tilespmem:$0x1FE50]  }
.Ltmp1:
0x361: {  	v21 =	vmov v20;
	v20 =	vmov v35;
	v10 =	vld [tilespmem:$0x1FE00];
	(pc) =	sbr.rel @p0 .LBB2_5-.Ltmp1, $4  }
0x362: {  	v17 =	vmovc v61;
	[tilespmem:$0x1FEB0] =	vst v16;
	v16 =	vmovc v51;
	v63 =	vmov v33;
	v29 =	vmov v39;
	v24 =	vmov v52;
	s14 =	sor.u32 $0x8000, s22;
	v52 =	vld.idx.msk [tilespmem:v13+s2+$0x0], $0xffff  }
0x363: {  	[tilespmem:$0x1FE90] =	vst v14;
	v14 =	vmovc v57;
	v58 =	vmovc v30;
	v30 =	vmov v59;
	v43 =	vmov v60;
	v38 =	vmov v40;
	s4 =	sor.u32 s21, s14;
	v13 =	vld [tilespmem:$0x1FE10]  }
0x364: {  	v40 =	vmovc v62;
	v26 =	vmovc v50;
	v50 =	vadd.s32 $0xD80, v0;
	v42 =	vmov v56;
	v56 =	vmov v27;
	[tilespmem:s4+$0x0] =	vst v9;
	v9 =	vld [tilespmem:$0x1FE40]  }
0x365: {  	v27 =	vmovc v55;
	v55 =	vadd.s32 $0x400, v2;
	s10 =	sor.u32 s20, s14;
	s1 =	sor.u32 s17, s12;
	v15 =	vmovc v3;
	v3 =	vadd.s32 $0x880, v1;
	v8 =	vmov v7;
	v4 =	vld.idx.msk [tilespmem:v4+s2+$0x0], $0xffff  }
0x366: {  	_ =	sdelay $0x2  }
0x367: {  	s4 =	sor.u32 $0x380, s6;
	[tilespmem:s31+$0x6000] =	vst v6  }
0x368: {  	[tilespmem:s4+$0x6000] =	vst v5;
	v7 =	vld.idx.msk [tilespmem:v49+s2+$0x0], $0xffff  }
0x369: {  	v5 =	vld.idx.msk [tilespmem:v55+s2+$0x0], $0xffff  }
0x36a: {  	v60 =	vadd.s32 $0x480, v2  }
0x36b: {  	s28 =	sor.u32 $0x7000, s24  }
0x36c: {  	s4 =	sor.u32 s23, s28  }
0x36d: {  	s29 =	sor.u32 s25, s28;
	[tilespmem:s4+$0x0] =	vst v7  }
0x36e: {  	[tilespmem:s29+$0x0] =	vst v5;
	v7 =	vld.idx.msk [tilespmem:v47+s2+$0x0], $0xffff  }
0x36f: {  	v5 =	vld.idx.msk [tilespmem:v60+s2+$0x0], $0xffff  }
0x370: {  	v61 =	vadd.s32 $0x500, v2  }
0x371: {  	s30 =	sor.u32 $0x7080, s24  }
0x372: {  	s4 =	sor.u32 s23, s30  }
0x373: {  	s31 =	sor.u32 s25, s30;
	[tilespmem:s4+$0x0] =	vst v7  }
0x374: {  	[tilespmem:s31+$0x0] =	vst v5;
	v7 =	vld.idx.msk [tilespmem:v46+s2+$0x0], $0xffff  }
0x375: {  	v5 =	vld.idx.msk [tilespmem:v61+s2+$0x0], $0xffff  }
0x376: {  	v62 =	vadd.s32 $0x580, v2  }
0x377: {  	s6 =	sor.u32 $0x7100, s24  }
0x378: {  	s4 =	sor.u32 s23, s6  }
0x379: {  	s7 =	sor.u32 s25, s6;
	[tilespmem:s4+$0x0] =	vst v7  }
0x37a: {  	[tilespmem:s7+$0x0] =	vst v5;
	v7 =	vld.idx.msk [tilespmem:v45+s2+$0x0], $0xffff  }
0x37b: {  	v5 =	vld.idx.msk [tilespmem:v62+s2+$0x0], $0xffff  }
0x37c: {  	v31 =	vadd.s32 $0x600, v2  }
0x37d: {  	s8 =	sor.u32 $0x7180, s24  }
0x37e: {  	s4 =	sor.u32 s23, s8  }
0x37f: {  	s9 =	sor.u32 s25, s8;
	[tilespmem:s4+$0x0] =	vst v7  }
0x380: {  	[tilespmem:s9+$0x0] =	vst v5;
	v7 =	vld.idx.msk [tilespmem:v44+s2+$0x0], $0xffff  }
0x381: {  	v5 =	vld.idx.msk [tilespmem:v31+s2+$0x0], $0xffff  }
0x382: {  	v33 =	vadd.s32 $0x680, v2  }
0x383: {  	s11 =	sor.u32 $0x7200, s24  }
0x384: {  	s4 =	sor.u32 s23, s11  }
0x385: {  	s12 =	sor.u32 s25, s11;
	[tilespmem:s4+$0x0] =	vst v7  }
0x386: {  	[tilespmem:s12+$0x0] =	vst v5;
	v7 =	vld.idx.msk [tilespmem:v43+s2+$0x0], $0xffff  }
0x387: {  	v5 =	vld.idx.msk [tilespmem:v33+s2+$0x0], $0xffff  }
0x388: {  	v35 =	vadd.s32 $0x700, v2  }
0x389: {  	s13 =	sor.u32 $0x7280, s24  }
0x38a: {  	s4 =	sor.u32 s23, s13  }
0x38b: {  	s14 =	sor.u32 s25, s13;
	[tilespmem:s4+$0x0] =	vst v7  }
0x38c: {  	[tilespmem:s14+$0x0] =	vst v5;
	v7 =	vld.idx.msk [tilespmem:v42+s2+$0x0], $0xffff  }
0x38d: {  	v5 =	vld.idx.msk [tilespmem:v35+s2+$0x0], $0xffff  }
0x38e: {  	v39 =	vadd.s32 $0x780, v2  }
0x38f: {  	s28 =	sor.u32 $0x7300, s24  }
0x390: {  	s4 =	sor.u32 s23, s28  }
0x391: {  	s29 =	sor.u32 s25, s28;
	[tilespmem:s4+$0x0] =	vst v7  }
0x392: {  	[tilespmem:s29+$0x0] =	vst v5;
	v7 =	vld.idx.msk [tilespmem:v37+s2+$0x0], $0xffff  }
0x393: {  	v5 =	vld.idx.msk [tilespmem:v39+s2+$0x0], $0xffff  }
0x394: {  	v43 =	vadd.s32 $0x800, v2  }
0x395: {  	s30 =	sor.u32 $0x7380, s24  }
0x396: {  	s4 =	sor.u32 s23, s30  }
0x397: {  	v3 =	vld.idx.msk [tilespmem:v3+s2+$0x0], $0xffff;
	s31 =	sor.u32 s25, s30;
	[tilespmem:s4+$0x0] =	vst v7  }
0x398: {  	[tilespmem:s31+$0x0] =	vst v5;
	v7 =	vld.idx.msk [tilespmem:v8+s2+$0x0], $0xffff  }
0x399: {  	[tilespmem:s10+$0x0] =	vst v4;
	v5 =	vld.idx.msk [tilespmem:v43+s2+$0x0], $0xffff  }
0x39a: {  	v46 =	vld.idx.msk [tilespmem:v9+s2+$0x0], $0xffff;
	s9 =	sor.u32 $0x8080, s22  }
0x39b: {  	s7 =	sor.u32 $0x8000, s24;
	s10 =	sor.u32 s21, s9  }
0x39c: {  	[tilespmem:s10+$0x0] =	vst v3;
	s4 =	sor.u32 s23, s7  }
0x39d: {  	s8 =	sor.u32 s25, s7;
	[tilespmem:s4+$0x0] =	vst v7  }
0x39e: {  	s4 =	sor.u32 s20, s9;
	[tilespmem:s8+$0x0] =	vst v5  }
0x39f: {  	[tilespmem:s4+$0x0] =	vst v46  }
0x3a0: {  	v45 =	vadd.s32 $0x900, v1;
	v8 =	vld [tilespmem:$0x1FE60];
	_ =	sdelay $0x1  }
0x3a1: {  	v44 =	vadd.s32 $0x880, v2;
	_ =	sdelay $0x2  }
0x3a2: {  	v3 =	vld.idx.msk [tilespmem:v45+s2+$0x0], $0xffff  }
0x3a3: {  	v7 =	vld.idx.msk [tilespmem:v48+s2+$0x0], $0xffff  }
0x3a4: {  	v5 =	vld.idx.msk [tilespmem:v44+s2+$0x0], $0xffff  }
0x3a5: {  	v47 =	vadd.s32 $0x900, v2;
	s13 =	sor.u32 $0x8100, s22;
	v8 =	vld.idx.msk [tilespmem:v8+s2+$0x0], $0xffff  }
0x3a6: {  	s11 =	sor.u32 $0x8080, s24;
	s14 =	sor.u32 s21, s13  }
0x3a7: {  	s6 =	sor.u32 s23, s11;
	[tilespmem:s14+$0x0] =	vst v3  }
0x3a8: {  	s12 =	sor.u32 s25, s11;
	[tilespmem:s6+$0x0] =	vst v7  }
0x3a9: {  	s4 =	sor.u32 s20, s13;
	[tilespmem:s12+$0x0] =	vst v5  }
0x3aa: {  	v5 =	vld.idx.msk [tilespmem:v47+s2+$0x0], $0xffff;
	[tilespmem:s4+$0x0] =	vst v8  }
0x3ab: {  	v8 =	vld [tilespmem:$0x1FE70]  }
0x3ac: {  	v48 =	vadd.s32 $0x980, v1;
	v7 =	vld.idx.msk [tilespmem:v41+s2+$0x0], $0xffff;
	_ =	sdelay $0x1  }
0x3ad: {  	s28 =	sor.u32 $0x8100, s24  }
0x3ae: {  	s29 =	sor.u32 s25, s28  }
0x3af: {  	s6 =	sor.u32 s23, s28;
	[tilespmem:s29+$0x0] =	vst v5  }
0x3b0: {  	v3 =	vld.idx.msk [tilespmem:v48+s2+$0x0], $0xffff;
	[tilespmem:s6+$0x0] =	vst v7  }
0x3b1: {  	v7 =	vld [tilespmem:$0x1FEA0]  }
0x3b2: {  	v49 =	vadd.s32 $0x980, v2;
	v8 =	vld.idx.msk [tilespmem:v8+s2+$0x0], $0xffff;
	_ =	sdelay $0x1  }
0x3b3: {  	s30 =	sor.u32 $0x8180, s22  }
0x3b4: {  	s31 =	sor.u32 s21, s30  }
0x3b5: {  	s4 =	sor.u32 s20, s30;
	[tilespmem:s31+$0x0] =	vst v3  }
0x3b6: {  	v5 =	vld.idx.msk [tilespmem:v49+s2+$0x0], $0xffff;
	[tilespmem:s4+$0x0] =	vst v8  }
0x3b7: {  	v8 =	vld [tilespmem:$0x1FE80]  }
0x3b8: {  	v51 =	vadd.s32 $0xA00, v1;
	v7 =	vld.idx.msk [tilespmem:v7+s2+$0x0], $0xffff;
	_ =	sdelay $0x1  }
0x3b9: {  	s7 =	sor.u32 $0x8180, s24  }
0x3ba: {  	s8 =	sor.u32 s25, s7  }
0x3bb: {  	s6 =	sor.u32 s23, s7;
	[tilespmem:s8+$0x0] =	vst v5  }
0x3bc: {  	v3 =	vld.idx.msk [tilespmem:v51+s2+$0x0], $0xffff;
	[tilespmem:s6+$0x0] =	vst v7  }
0x3bd: {  	v7 =	vld [tilespmem:$0x1FEB0]  }
0x3be: {  	v55 =	vadd.s32 $0xA00, v2;
	v8 =	vld.idx.msk [tilespmem:v8+s2+$0x0], $0xffff;
	_ =	sdelay $0x1  }
0x3bf: {  	s9 =	sor.u32 $0x8200, s22  }
0x3c0: {  	s10 =	sor.u32 s21, s9  }
0x3c1: {  	s4 =	sor.u32 s20, s9;
	[tilespmem:s10+$0x0] =	vst v3  }
0x3c2: {  	v5 =	vld.idx.msk [tilespmem:v55+s2+$0x0], $0xffff;
	[tilespmem:s4+$0x0] =	vst v8  }
0x3c3: {  	v57 =	vadd.s32 $0xA80, v1;
	v8 =	vld [tilespmem:$0x1FE90]  }
0x3c4: {  	v59 =	vadd.s32 $0xA80, v2;
	v7 =	vld.idx.msk [tilespmem:v7+s2+$0x0], $0xffff;
	_ =	sdelay $0x1  }
0x3c5: {  	s11 =	sor.u32 $0x8200, s24  }
0x3c6: {  	s12 =	sor.u32 s25, s11  }
0x3c7: {  	s6 =	sor.u32 s23, s11;
	v3 =	vld.idx.msk [tilespmem:v57+s2+$0x0], $0xffff;
	[tilespmem:s12+$0x0] =	vst v5  }
0x3c8: {  	v60 =	vadd.s32 $0xB00, v1;
	[tilespmem:s6+$0x0] =	vst v7;
	v5 =	vld.idx.msk [tilespmem:v59+s2+$0x0], $0xffff  }
0x3c9: {  	v61 =	vadd.s32 $0xB00, v2;
	v7 =	vld.idx.msk [tilespmem:v36+s2+$0x0], $0xffff  }
0x3ca: {  	s13 =	sor.u32 $0x8280, s22;
	v8 =	vld.idx.msk [tilespmem:v8+s2+$0x0], $0xffff  }
0x3cb: {  	s14 =	sor.u32 s21, s13;
	s28 =	sor.u32 $0x8280, s24  }
0x3cc: {  	s29 =	sor.u32 s25, s28;
	[tilespmem:s14+$0x0] =	vst v3  }
0x3cd: {  	s6 =	sor.u32 s23, s28;
	v3 =	vld.idx.msk [tilespmem:v60+s2+$0x0], $0xffff;
	[tilespmem:s29+$0x0] =	vst v5  }
0x3ce: {  	v62 =	vadd.s32 $0xB80, v1;
	s4 =	sor.u32 s20, s13;
	[tilespmem:s6+$0x0] =	vst v7;
	v5 =	vld.idx.msk [tilespmem:v61+s2+$0x0], $0xffff  }
0x3cf: {  	v31 =	vadd.s32 $0xB80, v2;
	v7 =	vld.idx.msk [tilespmem:v40+s2+$0x0], $0xffff;
	[tilespmem:s4+$0x0] =	vst v8  }
0x3d0: {  	s30 =	sor.u32 $0x8300, s22;
	v8 =	vld.idx.msk [tilespmem:v38+s2+$0x0], $0xffff  }
0x3d1: {  	s7 =	sor.u32 $0x8300, s24;
	s31 =	sor.u32 s21, s30  }
0x3d2: {  	s8 =	sor.u32 s25, s7;
	[tilespmem:s31+$0x0] =	vst v3  }
0x3d3: {  	s6 =	sor.u32 s23, s7;
	v3 =	vld.idx.msk [tilespmem:v62+s2+$0x0], $0xffff;
	[tilespmem:s8+$0x0] =	vst v5  }
0x3d4: {  	v33 =	vadd.s32 $0xC00, v1;
	[tilespmem:s6+$0x0] =	vst v7;
	s4 =	sor.u32 s20, s30;
	v5 =	vld.idx.msk [tilespmem:v31+s2+$0x0], $0xffff  }
0x3d5: {  	v35 =	vadd.s32 $0xC00, v2;
	v7 =	vld.idx.msk [tilespmem:v30+s2+$0x0], $0xffff;
	[tilespmem:s4+$0x0] =	vst v8  }
0x3d6: {  	s9 =	sor.u32 $0x8380, s22;
	v8 =	vld.idx.msk [tilespmem:v29+s2+$0x0], $0xffff  }
0x3d7: {  	s11 =	sor.u32 $0x8380, s24;
	s10 =	sor.u32 s21, s9  }
0x3d8: {  	s12 =	sor.u32 s25, s11;
	[tilespmem:s10+$0x0] =	vst v3  }
0x3d9: {  	s6 =	sor.u32 s23, s11;
	v3 =	vld.idx.msk [tilespmem:v33+s2+$0x0], $0xffff;
	[tilespmem:s12+$0x0] =	vst v5  }
0x3da: {  	v36 =	vadd.s32 $0xC80, v1;
	[tilespmem:s6+$0x0] =	vst v7;
	s4 =	sor.u32 s20, s9;
	v5 =	vld.idx.msk [tilespmem:v35+s2+$0x0], $0xffff  }
0x3db: {  	v37 =	vadd.s32 $0xC80, v2;
	v7 =	vld.idx.msk [tilespmem:v27+s2+$0x0], $0xffff;
	[tilespmem:s4+$0x0] =	vst v8  }
0x3dc: {  	s13 =	sor.u32 $0x9000, s22;
	[tilespmem:s0+$0x0] =	vst v53;
	v8 =	vld.idx.msk [tilespmem:v26+s2+$0x0], $0xffff  }
0x3dd: {  	[tilespmem:s3+$0x0] =	vst v54;
	s14 =	sor.u32 s21, s13;
	s28 =	sor.u32 $0x9000, s24;
	v41 =	vld.idx.msk [tilespmem:v11+s2+$0x0], $0xffff  }
0x3de: {  	s29 =	sor.u32 s25, s28;
	v38 =	vld.idx.msk [tilespmem:v25+s2+$0x0], $0xffff;
	[tilespmem:s14+$0x0] =	vst v3  }
0x3df: {  	s3 =	sor.u32 s23, s28;
	v3 =	vld.idx.msk [tilespmem:v36+s2+$0x0], $0xffff;
	[tilespmem:s29+$0x0] =	vst v5  }
0x3e0: {  	v39 =	vadd.s32 $0xD00, v1;
	s0 =	sor.u32 s20, s13;
	[tilespmem:s3+$0x0] =	vst v7;
	v5 =	vld.idx.msk [tilespmem:v37+s2+$0x0], $0xffff  }
0x3e1: {  	v40 =	vadd.s32 $0xD00, v2;
	v7 =	vld.idx.msk [tilespmem:v34+s2+$0x0], $0xffff;
	[tilespmem:s0+$0x0] =	vst v8  }
0x3e2: {  	[tilespmem:s26+$0x0] =	vst v41;
	s6 =	sor.u32 $0x9080, s22;
	v8 =	vld.idx.msk [tilespmem:v10+s2+$0x0], $0xffff  }
0x3e3: {  	s8 =	sor.u32 $0x9080, s24;
	[tilespmem:s1+$0x0] =	vst v38;
	s7 =	sor.u32 s21, s6  }
0x3e4: {  	s9 =	sor.u32 s25, s8;
	v9 =	vld.idx.msk [tilespmem:v24+s2+$0x0], $0xffff;
	[tilespmem:s7+$0x0] =	vst v3  }
0x3e5: {  	s1 =	sor.u32 s23, s8;
	v3 =	vld.idx.msk [tilespmem:v39+s2+$0x0], $0xffff;
	[tilespmem:s9+$0x0] =	vst v5  }
0x3e6: {  	v42 =	vadd.s32 $0xD80, v1;
	s30 =	sor.u32 $0x9100, s18;
	[tilespmem:s1+$0x0] =	vst v7;
	s0 =	sor.u32 s20, s6;
	v5 =	vld.idx.msk [tilespmem:v40+s2+$0x0], $0xffff  }
0x3e7: {  	v43 =	vadd.s32 $0xD80, v2;
	s31 =	sor.u32 s19, s30;
	v7 =	vld.idx.msk [tilespmem:v32+s2+$0x0], $0xffff;
	[tilespmem:s0+$0x0] =	vst v8  }
0x3e8: {  	s11 =	sor.u32 $0x9100, s22;
	s10 =	sor.u32 s17, s30;
	[tilespmem:s31+$0x0] =	vst v52;
	v8 =	vld.idx.msk [tilespmem:v23+s2+$0x0], $0xffff  }
0x3e9: {  	v44 =	vld.idx.msk [tilespmem:v50+s2+$0x0], $0xffff;
	s12 =	sor.u32 s21, s11;
	s14 =	sor.u32 $0x9100, s24;
	[tilespmem:s10+$0x0] =	vst v9  }
0x3ea: {  	v45 =	vadd.s32 $0xE00, v0;
	s26 =	sor.u32 s25, s14;
	v46 =	vld.idx.msk [tilespmem:v63+s2+$0x0], $0xffff;
	[tilespmem:s12+$0x0] =	vst v3  }
0x3eb: {  	s29 =	sor.u32 s23, s14;
	v3 =	vld.idx.msk [tilespmem:v42+s2+$0x0], $0xffff;
	[tilespmem:s26+$0x0] =	vst v5  }
0x3ec: {  	v47 =	vadd.s32 $0xE00, v1;
	s28 =	sor.u32 $0x9180, s18;
	s13 =	sor.u32 s20, s11;
	[tilespmem:s29+$0x0] =	vst v7;
	v5 =	vld.idx.msk [tilespmem:v43+s2+$0x0], $0xffff  }
0x3ed: {  	v48 =	vadd.s32 $0xE00, v2;
	s30 =	sor.u32 s19, s28;
	v7 =	vld.idx.msk [tilespmem:v21+s2+$0x0], $0xffff;
	[tilespmem:s13+$0x0] =	vst v8  }
0x3ee: {  	s31 =	sor.u32 s17, s28;
	[tilespmem:s30+$0x0] =	vst v44;
	s3 =	sor.u32 $0x9180, s22;
	v8 =	vld.idx.msk [tilespmem:v22+s2+$0x0], $0xffff  }
0x3ef: {  	v9 =	vld.idx.msk [tilespmem:v45+s2+$0x0], $0xffff;
	s4 =	sor.u32 s21, s3;
	[tilespmem:s31+$0x0] =	vst v46;
	s6 =	sor.u32 $0x9180, s24  }
0x3f0: {  	v49 =	vadd.s32 $0xE80, v0;
	v11 =	vld.idx.msk [tilespmem:v58+s2+$0x0], $0xffff;
	s7 =	sor.u32 s25, s6;
	[tilespmem:s4+$0x0] =	vst v3  }
0x3f1: {  	v3 =	vld.idx.msk [tilespmem:v47+s2+$0x0], $0xffff;
	s0 =	sor.u32 s23, s6;
	[tilespmem:s7+$0x0] =	vst v5  }
0x3f2: {  	v50 =	vadd.s32 $0xE80, v1;
	s8 =	sor.u32 $0x9200, s18;
	s1 =	sor.u32 s20, s3;
	[tilespmem:s0+$0x0] =	vst v7;
	v5 =	vld.idx.msk [tilespmem:v48+s2+$0x0], $0xffff  }
0x3f3: {  	v51 =	vadd.s32 $0xE80, v2;
	s9 =	sor.u32 s19, s8;
	v7 =	vld.idx.msk [tilespmem:v19+s2+$0x0], $0xffff;
	[tilespmem:s1+$0x0] =	vst v8  }
0x3f4: {  	s11 =	sor.u32 $0x9200, s22;
	s10 =	sor.u32 s17, s8;
	[tilespmem:s9+$0x0] =	vst v9;
	v8 =	vld.idx.msk [tilespmem:v20+s2+$0x0], $0xffff  }
0x3f5: {  	s12 =	sor.u32 s21, s11;
	v9 =	vld.idx.msk [tilespmem:v49+s2+$0x0], $0xffff;
	[tilespmem:s10+$0x0] =	vst v11;
	s13 =	sor.u32 $0x9200, s24  }
0x3f6: {  	v52 =	vadd.s32 $0xF00, v0;
	v11 =	vld.idx.msk [tilespmem:v56+s2+$0x0], $0xffff;
	[tilespmem:s12+$0x0] =	vst v3;
	s14 =	sor.u32 s25, s13  }
0x3f7: {  	v3 =	vld.idx.msk [tilespmem:v50+s2+$0x0], $0xffff;
	s0 =	sor.u32 s23, s13;
	[tilespmem:s14+$0x0] =	vst v5  }
0x3f8: {  	v53 =	vadd.s32 $0xF00, v1;
	s26 =	sor.u32 $0x9280, s18;
	[tilespmem:s0+$0x0] =	vst v7;
	s1 =	sor.u32 s20, s11;
	v5 =	vld.idx.msk [tilespmem:v51+s2+$0x0], $0xffff  }
0x3f9: {  	v54 =	vadd.s32 $0xF00, v2;
	s28 =	sor.u32 s19, s26;
	v7 =	vld.idx.msk [tilespmem:v17+s2+$0x0], $0xffff;
	[tilespmem:s1+$0x0] =	vst v8  }
0x3fa: {  	s30 =	sor.u32 $0x9280, s22;
	s29 =	sor.u32 s17, s26;
	[tilespmem:s28+$0x0] =	vst v9;
	v8 =	vld.idx.msk [tilespmem:v18+s2+$0x0], $0xffff  }
0x3fb: {  	s3 =	sor.u32 $0x9280, s24;
	s31 =	sor.u32 s21, s30;
	v9 =	vld.idx.msk [tilespmem:v52+s2+$0x0], $0xffff;
	[tilespmem:s29+$0x0] =	vst v11  }
0x3fc: {  	v55 =	vadd.s32 $0xF80, v0;
	s4 =	sor.u32 s25, s3;
	v56 =	vld.idx.msk [tilespmem:v16+s2+$0x0], $0xffff;
	[tilespmem:s31+$0x0] =	vst v3  }
0x3fd: {  	s0 =	sor.u32 s23, s3;
	v3 =	vld.idx.msk [tilespmem:v53+s2+$0x0], $0xffff;
	[tilespmem:s4+$0x0] =	vst v5  }
0x3fe: {  	v57 =	vadd.s32 $0xF80, v1;
	s6 =	sor.u32 $0x9300, s18;
	[tilespmem:s0+$0x0] =	vst v7;
	s1 =	sor.u32 s20, s30;
	v5 =	vld.idx.msk [tilespmem:v54+s2+$0x0], $0xffff  }
0x3ff: {  	v59 =	vadd.s32 $0xF80, v2;
	s7 =	sor.u32 s19, s6;
	v60 =	vld.idx.msk [tilespmem:v14+s2+$0x0], $0xffff;
	[tilespmem:s1+$0x0] =	vst v8  }
0x400: {  	s9 =	sor.u32 $0x9300, s22;
	s8 =	sor.u32 s17, s6;
	[tilespmem:s7+$0x0] =	vst v9;
	v58 =	vld.idx.msk [tilespmem:v15+s2+$0x0], $0xffff  }
0x401: {  	s10 =	sor.u32 s21, s9;
	v0 =	vld.idx.msk [tilespmem:v55+s2+$0x0], $0xffff;
	[tilespmem:s8+$0x0] =	vst v56;
	s11 =	sor.u32 $0x9300, s24  }
0x402: {  	v61 =	vld.idx.msk [tilespmem:v13+s2+$0x0], $0xffff;
	s12 =	sor.u32 s25, s11;
	[tilespmem:s10+$0x0] =	vst v3  }
0x403: {  	s0 =	sor.u32 s23, s11;
	v1 =	vld.idx.msk [tilespmem:v57+s2+$0x0], $0xffff;
	[tilespmem:s12+$0x0] =	vst v5  }
0x404: {  	s13 =	sor.u32 $0x9380, s18;
	[tilespmem:s0+$0x0] =	vst v60;
	s1 =	sor.u32 s20, s9;
	v2 =	vld.idx.msk [tilespmem:v59+s2+$0x0], $0xffff  }
0x405: {  	s14 =	sor.u32 s19, s13;
	v63 =	vld.idx.msk [tilespmem:v28+s2+$0x0], $0xffff;
	[tilespmem:s1+$0x0] =	vst v58  }
0x406: {  	s15 =	sadd.s32 $0x1, s15;
	s18 =	sor.u32 s17, s13;
	s19 =	sor.u32 $0x9380, s22;
	[tilespmem:s14+$0x0] =	vst v0;
	v62 =	vld.idx.msk [tilespmem:v12+s2+$0x0], $0xffff  }
0x407: {  	p0 =	sne.s32 s15, $0x64;
	s22 =	sor.u32 s21, s19;
	s24 =	sor.u32 $0x9380, s24;
	[tilespmem:s18+$0x0] =	vst v61  }
.Ltmp2:
0x408: {  	s25 =	sor.u32 s25, s24;
	[tilespmem:s22+$0x0] =	vst v1;
	(pc) =	sbr.rel @p0 .LBB2_2-.Ltmp2, $4  }
0x409: {  	s26 =	sshll.u32 s16, $0x10;
	s0 =	sor.u32 s23, s24;
	[tilespmem:s25+$0x0] =	vst v2  }
0x40a: {  	s28 =	sadd.s32 s26, s5;
	[tilespmem:s0+$0x0] =	vst v63;
	s1 =	sor.u32 s20, s19  }
0x40b: {  	s29 =	simm.s32 $0x1000;
	s31 =	simm.s32 $0x6000;
	s30 =	simm.s32 $0x20000;
	[tilespmem:s1+$0x0] =	vst v62  }
0x40c: {  	[hbm4b:s28+s29] =	stream.strided.scatter [tilespmem:s31], [sflag:$0x2], $0x4000, s30, s29, $0x38;
	[tilespmem:$0xA000] =	vst v63  }
0x40d: {  	s0 =	simm.s32 $0x1  }
0x40e: {  	_ =	swait.ge [sflag:s0], $0x4000  }
0x40f: {  	[sflag:s0] =	ssyncset.done $0x0  }
0x410: {  	s1 =	simm.s32 $0x2;
	[sflag:s0] =	ssyncadd.s32 $0xFFFFC000  }
0x411: {  	_ =	swait.ge [sflag:s1], $0x4000  }
0x412: {  	s3 =	rddreg [dreg:$0x9]  }
0x413: {  	s31 =	rddreg [dreg:$0x8];
	s3 =	sadd.s32 $0x1, s3  }
0x414: {  	p0 =	sne.s32 s3, s31  }
.Ltmp3:
0x415: {  	_ = 	snop;
	(pc) =	sbr.rel @p0 .LBB2_1-.Ltmp3, $3  }
0x416: {  	_ =	sdelay $0x1  }
0x417: {  	[sflag:s1] =	ssyncset.done $0x0  }
0x418: {  	[sflag:s1] =	ssyncadd.s32 $0xFFFFC000  }
0x419: {  	_ =	sfence.sel $0x180000  }
0x41a: {  	[bflag:$0x0] =	sbarrier.arrive $0xFFFF  }
0x41b: {  	_ =	strace $0x90000047  }
0x41c: {  	s0 =	stileid.u32;
	[bflag:$0x2] =	sbarrier.arrive $0xFFFF  }
0x41d: {  	p0 =	sne.s32 s0, $0x0;
	s0 =	rddreg [dreg:$0x3]  }
0x41e: {  	s0 =	sadd.s32 @!p0 $0x100000, s0  }
0x41f: {  	[sflag:s0] =	ssyncadd.tile.s32 @!p0 $0x1;
	_ =	shalt  }
.Lfunc_end2:
_tile_overlayer_lowered:
.L_overlay_start_2:
0x420: {  	(tag) =	ssettag $0x2  }
0x421: {  	s0 =	rddreg [dreg:$0x0];
	s2 =	stileid.u32  }
0x422: {  	s1 =	rddreg [dreg:$0x1];
	p0 =	sne.s32 s2, $0x0  }
0x423: {  	s3 =	rddreg [dreg:$0x2];
	[bflag:$0x3] =	sbarrier.arrive $0xFFFF;
	s2 =	simm.s32 @!p0 $0x1C03  }
0x424: {  	[timem:s3], [sflag:s2] =	dma.local @!p0 [hbm:s0], s1  }
0x425: {  	s0 =	simm.s32 @!p0 $0x3  }
0x426: {  	_ =	swait.ge @!p0 [sflag:s0], s1  }
0x427: {  	s1 =	ssub.s32 @!p0 $0x0, s1;
	[sflag:s0] =	ssyncset.done @!p0 $0x0  }
0x428: {  	[sflag:s0] =	ssyncadd.s32 @!p0 s1  }
0x429: {  	[bflag:$0x3] =	sbarrier.arrive $0xFFFF  }
0x42a: {  	_ =	shalt  }

</sc_bundles>
